<compile_context>
chip_gen: v7x
topology: tpu7x:2x2x1
jax: 0.10.2.dev20260603
libtpu: 0.0.44.dev20260713+nightly
codegen_flags: <defaults>
</compile_context>

<pallas_src>
import functools

import jax
import jax.numpy as jnp
from jax import lax
from jax.experimental import pallas as pl
from jax.experimental.pallas import tpu as pltpu
from jax.experimental.pallas import tpu_sc as plsc

VOCAB = 1000000
DIM = 64
WPR = DIM // 4
IDS_ROWS = 4096
IDS_COLS = 200
B_TOTAL = IDS_ROWS * IDS_COLS

NUM_CORES = 2
NUM_SUBCORES = 16
NW = NUM_CORES * NUM_SUBCORES
ROWS_PER_W = IDS_ROWS // NW
K = IDS_COLS
N_CHUNKS = ROWS_PER_W

_mesh = plsc.VectorSubcoreMesh(core_axis_name="c", subcore_axis_name="s")


@functools.partial(
    pl.kernel,
    out_type=jax.ShapeDtypeStruct((B_TOTAL, DIM), jnp.float32),
    mesh=_mesh,
    scratch_types=[
        pltpu.VMEM((K,), jnp.int32),
        pltpu.VMEM((K,), jnp.int32),
        pltpu.VMEM((K, WPR), jnp.int32),
        pltpu.VMEM((K, WPR), jnp.int32),
        pltpu.VMEM((K + 8,), jnp.float32),
        pltpu.VMEM((K + 8,), jnp.float32),
        pltpu.VMEM((K, DIM), jnp.float32),
        pltpu.VMEM((K, DIM), jnp.float32),
        pltpu.SemaphoreType.DMA,
        pltpu.SemaphoreType.DMA,
        pltpu.SemaphoreType.DMA,
        pltpu.SemaphoreType.DMA,
        pltpu.SemaphoreType.DMA,
        pltpu.SemaphoreType.DMA,
        pltpu.SemaphoreType.DMA,
        pltpu.SemaphoreType.DMA,
    ],
    compiler_params=pltpu.CompilerParams(use_tc_tiling_on_sc=False),
)
def _sc_dequant_gather(ids_hbm, qw_hbm, scale_hbm, out_hbm,
                       idx_v0, idx_v1, rows_v0, rows_v1,
                       scl_v0, scl_v1, out_v0, out_v1,
                       sem_i0, sem_i1, sem_g0, sem_g1,
                       sem_s0, sem_s1, sem_w0, sem_w1):
    cid = lax.axis_index("c")
    sid = lax.axis_index("s")
    wid = sid * NUM_CORES + cid
    row0 = wid * ROWS_PER_W

    lanes = lax.iota(jnp.int32, 16)
    word_sel = [(lanes >> 2) + 4 * q for q in range(4)]
    shl = (24 - 8 * (lanes & 3)).astype(jnp.int32)

    idx_v = (idx_v0, idx_v1)
    rows_v = (rows_v0, rows_v1)
    scl_v = (scl_v0, scl_v1)
    out_v = (out_v0, out_v1)
    sem_i = (sem_i0, sem_i1)
    sem_g = (sem_g0, sem_g1)
    sem_s = (sem_s0, sem_s1)
    sem_w = (sem_w0, sem_w1)

    def issue_idx(c, b):
        pltpu.async_copy(ids_hbm.at[row0 + c, :], idx_v[b], sem_i[b])

    def wait_idx(b):
        pltpu.make_async_copy(ids_hbm.at[0, :], idx_v[b], sem_i[b]).wait()

    def issue_gathers(b):
        pltpu.async_copy(qw_hbm.at[idx_v[b]], rows_v[b], sem_g[b])
        pltpu.async_copy(scale_hbm.at[idx_v[b]], scl_v[b].at[pl.ds(0, K)],
                         sem_s[b])

    def wait_gathers(b):
        pltpu.make_async_copy(qw_hbm.at[idx_v[b]], rows_v[b], sem_g[b]).wait()
        pltpu.make_async_copy(scale_hbm.at[idx_v[b]], scl_v[b].at[pl.ds(0, K)],
                              sem_s[b]).wait()

    def issue_write(c, b):
        pltpu.async_copy(out_v[b], out_hbm.at[pl.ds((row0 + c) * K, K)],
                         sem_w[b])

    def wait_write(b):
        pltpu.make_async_copy(out_v[b], out_hbm.at[pl.ds(0, K)],
                              sem_w[b]).wait()

    def compute(b):
        @plsc.parallel_loop(0, K // 8)
        def _grp(g):
            r0 = g * 8
            sv8 = scl_v[b][pl.ds(r0, 16)]
            for l in range(8):
                r = r0 + l
                w = rows_v[b][r, :]
                sv = sv8.at[jnp.full((16,), l, dtype=jnp.int32)].get(
                    mode="promise_in_bounds")
                for q in range(4):
                    gq = w.at[word_sel[q]].get(mode="promise_in_bounds")
                    b_ = (gq << shl) >> 24
                    out_v[b][r, pl.ds(16 * q, 16)] = (
                        b_.astype(jnp.float32) * sv)

    N2 = N_CHUNKS // 2

    pltpu.sync_copy(ids_hbm.at[row0, :], idx_v0)
    issue_gathers(0)
    pltpu.sync_copy(ids_hbm.at[row0 + 1, :], idx_v1)

    def pair_body(i2, carry):
        c0 = 2 * i2
        not_last = i2 < N2 - 1

        issue_gathers(1)
        wait_gathers(0)

        @pl.when(not_last)
        def _():
            issue_idx(c0 + 2, 0)

        @pl.when(i2 >= 1)
        def _():
            wait_write(0)
        compute(0)
        issue_write(c0, 0)

        wait_gathers(1)

        @pl.when(not_last)
        def _():
            issue_idx(c0 + 3, 1)

        @pl.when(i2 >= 1)
        def _():
            wait_write(1)
        compute(1)
        issue_write(c0 + 1, 1)

        @pl.when(not_last)
        def _():
            wait_idx(0)
            issue_gathers(0)
            wait_idx(1)

        return carry

    lax.fori_loop(0, N2, pair_body, 0)
    wait_write(0)
    wait_write(1)


def kernel(input_ids, q_weight, scale):
    scale_flat = scale.reshape(VOCAB)
    qw_words = lax.bitcast_convert_type(
        q_weight.reshape(VOCAB, WPR, 4), jnp.int32)
    out = _sc_dequant_gather(input_ids, qw_words, scale_flat)
    return out.reshape(IDS_ROWS, IDS_COLS, DIM)

# --- scband reference (transcript-rebuilt; emitter-appended) ---
"""Pipeline reference for scband-quantized-embedding-46849503265231 (READ-ONLY COPY).

The authoritative reference and input builder live on the scoring server;
editing this copy changes nothing except your own understanding.
"""

import jax, jax.numpy as jnp
import numpy as np

VOCAB = 1000000
DIM = 64


def setup_inputs(seed: int = 0) -> dict:
    key = jax.random.key(seed)
    k1, k2 = jax.random.split(key)
    # Build a dense fp32 embedding table, then quantize it exactly like the
    # torch module's __init__ (per-row int8 quantization with per-row scale).
    weight = jax.random.normal(k1, (VOCAB, DIM), dtype=jnp.float32)
    abs_max = jnp.max(jnp.abs(weight), axis=1, keepdims=True)
    scale = jnp.clip(abs_max / 127.0, 1e-08, None)
    q_weight = jnp.clip(jnp.round(weight / scale), -128, 127).astype(jnp.int8)
    input_ids = jax.random.randint(k2, (4096, 200), 0, VOCAB, dtype=jnp.int32)
    return {"input_ids": input_ids, "q_weight": q_weight, "scale": scale}


def reference(input_ids, q_weight, scale):
    # q_rows = self.q_weight[input_ids]
    q_rows = jnp.take(q_weight, input_ids, axis=0)
    # scales = self.scale[input_ids]
    scales = jnp.take(scale, input_ids, axis=0)
    # return q_rows.float() * scales
    return q_rows.astype(jnp.float32) * scales

if __name__ == "__main__":
    import jax
    _d = setup_inputs()
    print(jax.jit(kernel)(*tuple(_d.values())))

</pallas_src>

<mosaic_0001>
#map = affine_map<(d0, d1) -> (0, 0)>
#map1 = affine_map<(d0, d1) -> (0)>
module attributes {stable_mosaic.version = 14 : i64} {
  func.func @_sc_dequant_gather(%arg0: i32, %arg1: i32, %arg2: memref<4096x200xi32, #tpu.memory_space<hbm>>, %arg3: memref<1000000x16xi32, #tpu.memory_space<hbm>>, %arg4: memref<1000000xf32, #tpu.memory_space<hbm>>, %arg5: memref<819200x64xf32, #tpu.memory_space<hbm>>, %arg6: memref<200xi32, #tpu.memory_space<vmem>>, %arg7: memref<200xi32, #tpu.memory_space<vmem>>, %arg8: memref<200x16xi32, #tpu.memory_space<vmem>>, %arg9: memref<200x16xi32, #tpu.memory_space<vmem>>, %arg10: memref<208xf32, #tpu.memory_space<vmem>>, %arg11: memref<208xf32, #tpu.memory_space<vmem>>, %arg12: memref<200x64xf32, #tpu.memory_space<vmem>>, %arg13: memref<200x64xf32, #tpu.memory_space<vmem>>, %arg14: memref<!tpu.dma_semaphore, #tpu.memory_space<semaphore_mem>>, %arg15: memref<!tpu.dma_semaphore, #tpu.memory_space<semaphore_mem>>, %arg16: memref<!tpu.dma_semaphore, #tpu.memory_space<semaphore_mem>>, %arg17: memref<!tpu.dma_semaphore, #tpu.memory_space<semaphore_mem>>, %arg18: memref<!tpu.dma_semaphore, #tpu.memory_space<semaphore_mem>>, %arg19: memref<!tpu.dma_semaphore, #tpu.memory_space<semaphore_mem>>, %arg20: memref<!tpu.dma_semaphore, #tpu.memory_space<semaphore_mem>>, %arg21: memref<!tpu.dma_semaphore, #tpu.memory_space<semaphore_mem>>) attributes {dimension_semantics = [#tpu.dimension_semantics<core_parallel>, #tpu.dimension_semantics<subcore_parallel>], iteration_bounds = array<i64: 2, 16>, scalar_prefetch = 0 : i64, scratch_operands = 16 : i64, tpu.core_type = #tpu.core_type<sc_vector_subcore>, window_params = [{transform_indices = #map}, {transform_indices = #map}, {transform_indices = #map1}, {transform_indices = #map}]} {
    %mul3A = arith.constant 2 : i32
    %mul3A_0 = arith.muli %arg1, %mul3A : i32
    %add3A = arith.addi %mul3A_0, %arg0 : i32
    %mul3A_1 = arith.constant 128 : i32
    %mul3A_2 = arith.muli %add3A, %mul3A_1 : i32
    %iota3A = tpu.iota {dimensions = array<i32: 0>} : vector<16xi32>
    %shift_right_arithmetic3A = arith.constant 2 : i32
    %shift_right_arithmetic3A_3 = vector.broadcast %shift_right_arithmetic3A : i32 to vector<16xi32>
    %shift_right_arithmetic3A_4 = arith.shrsi %iota3A, %shift_right_arithmetic3A_3 : vector<16xi32>
    %add3A_5 = arith.constant 0 : i32
    %add3A_6 = vector.broadcast %add3A_5 : i32 to vector<16xi32>
    %add3A_7 = arith.addi %shift_right_arithmetic3A_4, %add3A_6 : vector<16xi32>
    %shift_right_arithmetic3A_8 = arith.constant 2 : i32
    %shift_right_arithmetic3A_9 = vector.broadcast %shift_right_arithmetic3A_8 : i32 to vector<16xi32>
    %shift_right_arithmetic3A_10 = arith.shrsi %iota3A, %shift_right_arithmetic3A_9 : vector<16xi32>
    %add3A_11 = arith.constant 4 : i32
    %add3A_12 = vector.broadcast %add3A_11 : i32 to vector<16xi32>
    %add3A_13 = arith.addi %shift_right_arithmetic3A_10, %add3A_12 : vector<16xi32>
    %shift_right_arithmetic3A_14 = arith.constant 2 : i32
    %shift_right_arithmetic3A_15 = vector.broadcast %shift_right_arithmetic3A_14 : i32 to vector<16xi32>
    %shift_right_arithmetic3A_16 = arith.shrsi %iota3A, %shift_right_arithmetic3A_15 : vector<16xi32>
    %add3A_17 = arith.constant 8 : i32
    %add3A_18 = vector.broadcast %add3A_17 : i32 to vector<16xi32>
    %add3A_19 = arith.addi %shift_right_arithmetic3A_16, %add3A_18 : vector<16xi32>
    %shift_right_arithmetic3A_20 = arith.constant 2 : i32
    %shift_right_arithmetic3A_21 = vector.broadcast %shift_right_arithmetic3A_20 : i32 to vector<16xi32>
    %shift_right_arithmetic3A_22 = arith.shrsi %iota3A, %shift_right_arithmetic3A_21 : vector<16xi32>
    %add3A_23 = arith.constant 12 : i32
    %add3A_24 = vector.broadcast %add3A_23 : i32 to vector<16xi32>
    %add3A_25 = arith.addi %shift_right_arithmetic3A_22, %add3A_24 : vector<16xi32>
    %and3A = arith.constant 3 : i32
    %and3A_26 = vector.broadcast %and3A : i32 to vector<16xi32>
    %and3A_27 = arith.andi %iota3A, %and3A_26 : vector<16xi32>
    %mul3A_28 = arith.constant 8 : i32
    %mul3A_29 = vector.broadcast %mul3A_28 : i32 to vector<16xi32>
    %mul3A_30 = arith.muli %mul3A_29, %and3A_27 : vector<16xi32>
    %sub3A = arith.constant 24 : i32
    %sub3A_31 = vector.broadcast %sub3A : i32 to vector<16xi32>
    %sub3A_32 = arith.subi %sub3A_31, %mul3A_30 : vector<16xi32>
    "tpu.region"() ({
      %run_scoped3A = tpu.sem_alloc : memref<!tpu.dma_semaphore, #tpu.memory_space<semaphore_mem>>
      %dma_start3A_57 = arith.constant 0 : i32
      %dma_start3A_58 = tpu.memref_slice %arg2[%mul3A_2, %dma_start3A_57] : memref<4096x200xi32, #tpu.memory_space<hbm>> -> memref<1x200xi32, #tpu.memory_space<hbm>>
      %dma_start3A_59 = tpu.memref_squeeze %dma_start3A_58 : memref<1x200xi32, #tpu.memory_space<hbm>> -> memref<200xi32, #tpu.memory_space<hbm>>
      %dma_start3A_60 = arith.constant 0 : i32
      %dma_start3A_61 = tpu.memref_slice %arg2[%mul3A_2, %dma_start3A_60] : memref<4096x200xi32, #tpu.memory_space<hbm>> -> memref<1x200xi32, #tpu.memory_space<hbm>>
      %dma_start3A_62 = tpu.memref_squeeze %dma_start3A_61 : memref<1x200xi32, #tpu.memory_space<hbm>> -> memref<200xi32, #tpu.memory_space<hbm>>
      tpu.enqueue_dma source(%dma_start3A_62 : memref<200xi32, #tpu.memory_space<hbm>>) target(%arg6 : memref<200xi32, #tpu.memory_space<vmem>>) target_semaphore(%run_scoped3A : memref<!tpu.dma_semaphore, #tpu.memory_space<semaphore_mem>>)
      %dma_wait3A_63 = arith.constant 0 : i32
      %dma_wait3A_64 = tpu.memref_slice %arg2[%mul3A_2, %dma_wait3A_63] : memref<4096x200xi32, #tpu.memory_space<hbm>> -> memref<1x200xi32, #tpu.memory_space<hbm>>
      %dma_wait3A_65 = tpu.memref_squeeze %dma_wait3A_64 : memref<1x200xi32, #tpu.memory_space<hbm>> -> memref<200xi32, #tpu.memory_space<hbm>>
      %dma_wait3A_66 = arith.constant 0 : i32
      %dma_wait3A_67 = tpu.memref_slice %arg2[%mul3A_2, %dma_wait3A_66] : memref<4096x200xi32, #tpu.memory_space<hbm>> -> memref<1x200xi32, #tpu.memory_space<hbm>>
      %dma_wait3A_68 = tpu.memref_squeeze %dma_wait3A_67 : memref<1x200xi32, #tpu.memory_space<hbm>> -> memref<200xi32, #tpu.memory_space<hbm>>
      tpu.wait_dma2 semaphore(%run_scoped3A : memref<!tpu.dma_semaphore, #tpu.memory_space<semaphore_mem>>) src(%dma_wait3A_68 : memref<200xi32, #tpu.memory_space<hbm>>) dst(%arg6 : memref<200xi32, #tpu.memory_space<vmem>>)
      tpu.yield
    }) : () -> ()
    %dma_start3A = arith.constant 0 : i32
    %dma_start3A_33 = arith.constant 0 : i32
    %dma_start3A_34 = tpu.memref_slice %arg3[%dma_start3A, %dma_start3A_33] : memref<1000000x16xi32, #tpu.memory_space<hbm>> -> memref<1000000x16xi32, #tpu.memory_space<hbm>>
    tpu.enqueue_indirect_dma source(%dma_start3A_34 : memref<1000000x16xi32, #tpu.memory_space<hbm>>) target(%arg8 : memref<200x16xi32, #tpu.memory_space<vmem>>) offsets(%arg6 : memref<200xi32, #tpu.memory_space<vmem>>) semaphore(%arg16 : memref<!tpu.dma_semaphore, #tpu.memory_space<semaphore_mem>>)
    %dma_start3A_35 = arith.constant 0 : i32
    %dma_start3A_36 = tpu.memref_slice %arg10[%dma_start3A_35] : memref<208xf32, #tpu.memory_space<vmem>> -> memref<200xf32, #tpu.memory_space<vmem>>
    %dma_start3A_37 = arith.constant 0 : i32
    %dma_start3A_38 = tpu.memref_slice %arg4[%dma_start3A_37] : memref<1000000xf32, #tpu.memory_space<hbm>> -> memref<1000000xf32, #tpu.memory_space<hbm>>
    tpu.enqueue_indirect_dma source(%dma_start3A_38 : memref<1000000xf32, #tpu.memory_space<hbm>>) target(%dma_start3A_36 : memref<200xf32, #tpu.memory_space<vmem>>) offsets(%arg6 : memref<200xi32, #tpu.memory_space<vmem>>) semaphore(%arg18 : memref<!tpu.dma_semaphore, #tpu.memory_space<semaphore_mem>>)
    %add3A_39 = arith.constant 1 : i32
    %add3A_40 = arith.addi %mul3A_2, %add3A_39 : i32
    "tpu.region"() ({
      %run_scoped3A = tpu.sem_alloc : memref<!tpu.dma_semaphore, #tpu.memory_space<semaphore_mem>>
      %dma_start3A_57 = arith.constant 0 : i32
      %dma_start3A_58 = tpu.memref_slice %arg2[%add3A_40, %dma_start3A_57] : memref<4096x200xi32, #tpu.memory_space<hbm>> -> memref<1x200xi32, #tpu.memory_space<hbm>>
      %dma_start3A_59 = tpu.memref_squeeze %dma_start3A_58 : memref<1x200xi32, #tpu.memory_space<hbm>> -> memref<200xi32, #tpu.memory_space<hbm>>
      %dma_start3A_60 = arith.constant 0 : i32
      %dma_start3A_61 = tpu.memref_slice %arg2[%add3A_40, %dma_start3A_60] : memref<4096x200xi32, #tpu.memory_space<hbm>> -> memref<1x200xi32, #tpu.memory_space<hbm>>
      %dma_start3A_62 = tpu.memref_squeeze %dma_start3A_61 : memref<1x200xi32, #tpu.memory_space<hbm>> -> memref<200xi32, #tpu.memory_space<hbm>>
      tpu.enqueue_dma source(%dma_start3A_62 : memref<200xi32, #tpu.memory_space<hbm>>) target(%arg7 : memref<200xi32, #tpu.memory_space<vmem>>) target_semaphore(%run_scoped3A : memref<!tpu.dma_semaphore, #tpu.memory_space<semaphore_mem>>)
      %dma_wait3A_63 = arith.constant 0 : i32
      %dma_wait3A_64 = tpu.memref_slice %arg2[%add3A_40, %dma_wait3A_63] : memref<4096x200xi32, #tpu.memory_space<hbm>> -> memref<1x200xi32, #tpu.memory_space<hbm>>
      %dma_wait3A_65 = tpu.memref_squeeze %dma_wait3A_64 : memref<1x200xi32, #tpu.memory_space<hbm>> -> memref<200xi32, #tpu.memory_space<hbm>>
      %dma_wait3A_66 = arith.constant 0 : i32
      %dma_wait3A_67 = tpu.memref_slice %arg2[%add3A_40, %dma_wait3A_66] : memref<4096x200xi32, #tpu.memory_space<hbm>> -> memref<1x200xi32, #tpu.memory_space<hbm>>
      %dma_wait3A_68 = tpu.memref_squeeze %dma_wait3A_67 : memref<1x200xi32, #tpu.memory_space<hbm>> -> memref<200xi32, #tpu.memory_space<hbm>>
      tpu.wait_dma2 semaphore(%run_scoped3A : memref<!tpu.dma_semaphore, #tpu.memory_space<semaphore_mem>>) src(%dma_wait3A_68 : memref<200xi32, #tpu.memory_space<hbm>>) dst(%arg7 : memref<200xi32, #tpu.memory_space<vmem>>)
      tpu.yield
    }) : () -> ()
    %scan3A = arith.constant 0 : i32
    %scan3A_41 = arith.constant 0 : i32
    %scan3A_42 = arith.constant 64 : i32
    %scan3A_43 = arith.addi %scan3A_41, %scan3A_42 : i32
    %scan3A_44 = arith.constant 1 : i32
    scf.for %scan3A_57 = %scan3A_41 to %scan3A_43 step %scan3A_44  : i32 {
      %mul3A_58 = arith.constant 2 : i32
      %mul3A_59 = arith.muli %mul3A_58, %scan3A_57 : i32
      %lt3A = arith.constant 63 : i32
      %lt3A_60 = arith.cmpi slt, %scan3A_57, %lt3A : i32
      %dma_start3A_61 = arith.constant 0 : i32
      %dma_start3A_62 = arith.constant 0 : i32
      %dma_start3A_63 = tpu.memref_slice %arg3[%dma_start3A_61, %dma_start3A_62] : memref<1000000x16xi32, #tpu.memory_space<hbm>> -> memref<1000000x16xi32, #tpu.memory_space<hbm>>
      tpu.enqueue_indirect_dma source(%dma_start3A_63 : memref<1000000x16xi32, #tpu.memory_space<hbm>>) target(%arg9 : memref<200x16xi32, #tpu.memory_space<vmem>>) offsets(%arg7 : memref<200xi32, #tpu.memory_space<vmem>>) semaphore(%arg17 : memref<!tpu.dma_semaphore, #tpu.memory_space<semaphore_mem>>)
      %dma_start3A_64 = arith.constant 0 : i32
      %dma_start3A_65 = tpu.memref_slice %arg11[%dma_start3A_64] : memref<208xf32, #tpu.memory_space<vmem>> -> memref<200xf32, #tpu.memory_space<vmem>>
      %dma_start3A_66 = arith.constant 0 : i32
      %dma_start3A_67 = tpu.memref_slice %arg4[%dma_start3A_66] : memref<1000000xf32, #tpu.memory_space<hbm>> -> memref<1000000xf32, #tpu.memory_space<hbm>>
      tpu.enqueue_indirect_dma source(%dma_start3A_67 : memref<1000000xf32, #tpu.memory_space<hbm>>) target(%dma_start3A_65 : memref<200xf32, #tpu.memory_space<vmem>>) offsets(%arg7 : memref<200xi32, #tpu.memory_space<vmem>>) semaphore(%arg19 : memref<!tpu.dma_semaphore, #tpu.memory_space<semaphore_mem>>)
      %dma_wait3A_68 = arith.constant 0 : i32
      %dma_wait3A_69 = arith.constant 0 : i32
      %dma_wait3A_70 = tpu.memref_slice %arg3[%dma_wait3A_68, %dma_wait3A_69] : memref<1000000x16xi32, #tpu.memory_space<hbm>> -> memref<1000000x16xi32, #tpu.memory_space<hbm>>
      tpu.wait_indirect_dma semaphore(%arg16 : memref<!tpu.dma_semaphore, #tpu.memory_space<semaphore_mem>>) src(%dma_wait3A_70 : memref<1000000x16xi32, #tpu.memory_space<hbm>>) dst(%arg8 : memref<200x16xi32, #tpu.memory_space<vmem>>)
      %dma_wait3A_71 = arith.constant 0 : i32
      %dma_wait3A_72 = tpu.memref_slice %arg10[%dma_wait3A_71] : memref<208xf32, #tpu.memory_space<vmem>> -> memref<200xf32, #tpu.memory_space<vmem>>
      %dma_wait3A_73 = arith.constant 0 : i32
      %dma_wait3A_74 = tpu.memref_slice %arg4[%dma_wait3A_73] : memref<1000000xf32, #tpu.memory_space<hbm>> -> memref<1000000xf32, #tpu.memory_space<hbm>>
      tpu.wait_indirect_dma semaphore(%arg18 : memref<!tpu.dma_semaphore, #tpu.memory_space<semaphore_mem>>) src(%dma_wait3A_74 : memref<1000000xf32, #tpu.memory_space<hbm>>) dst(%dma_wait3A_72 : memref<200xf32, #tpu.memory_space<vmem>>)
      %convert_element_type3A = arith.extui %lt3A_60 : i1 to i32
      %cond3A = arith.constant 0 : i32
      %cond3A_75 = arith.cmpi ne, %convert_element_type3A, %cond3A : i32
      scf.if %cond3A_75 {
        %add3A_119 = arith.constant 2 : i32
        %add3A_120 = arith.addi %mul3A_59, %add3A_119 : i32
        %add3A_121 = arith.addi %mul3A_2, %add3A_120 : i32
        %dma_start3A_122 = arith.constant 0 : i32
        %dma_start3A_123 = tpu.memref_slice %arg2[%add3A_121, %dma_start3A_122] : memref<4096x200xi32, #tpu.memory_space<hbm>> -> memref<1x200xi32, #tpu.memory_space<hbm>>
        %dma_start3A_124 = tpu.memref_squeeze %dma_start3A_123 : memref<1x200xi32, #tpu.memory_space<hbm>> -> memref<200xi32, #tpu.memory_space<hbm>>
        %dma_start3A_125 = arith.constant 0 : i32
        %dma_start3A_126 = tpu.memref_slice %arg2[%add3A_121, %dma_start3A_125] : memref<4096x200xi32, #tpu.memory_space<hbm>> -> memref<1x200xi32, #tpu.memory_space<hbm>>
        %dma_start3A_127 = tpu.memref_squeeze %dma_start3A_126 : memref<1x200xi32, #tpu.memory_space<hbm>> -> memref<200xi32, #tpu.memory_space<hbm>>
        tpu.enqueue_dma source(%dma_start3A_127 : memref<200xi32, #tpu.memory_space<hbm>>) target(%arg6 : memref<200xi32, #tpu.memory_space<vmem>>) target_semaphore(%arg14 : memref<!tpu.dma_semaphore, #tpu.memory_space<semaphore_mem>>)
      } else {
      }
      %ge3A = arith.constant 1 : i32
      %ge3A_76 = arith.cmpi sge, %scan3A_57, %ge3A : i32
      %convert_element_type3A_77 = arith.extui %ge3A_76 : i1 to i32
      %cond3A_78 = arith.constant 0 : i32
      %cond3A_79 = arith.cmpi ne, %convert_element_type3A_77, %cond3A_78 : i32
      scf.if %cond3A_79 {
        %dma_wait3A_119 = arith.constant 0 : i32
        %dma_wait3A_120 = arith.constant 0 : i32
        %dma_wait3A_121 = tpu.memref_slice %arg5[%dma_wait3A_119, %dma_wait3A_120] : memref<819200x64xf32, #tpu.memory_space<hbm>> -> memref<200x64xf32, #tpu.memory_space<hbm>>
        %dma_wait3A_122 = arith.constant 0 : i32
        %dma_wait3A_123 = arith.constant 0 : i32
        %dma_wait3A_124 = tpu.memref_slice %arg5[%dma_wait3A_122, %dma_wait3A_123] : memref<819200x64xf32, #tpu.memory_space<hbm>> -> memref<200x64xf32, #tpu.memory_space<hbm>>
        tpu.wait_dma2 semaphore(%arg20 : memref<!tpu.dma_semaphore, #tpu.memory_space<semaphore_mem>>) src(%arg12 : memref<200x64xf32, #tpu.memory_space<vmem>>) dst(%dma_wait3A_124 : memref<200x64xf32, #tpu.memory_space<hbm>>)
      } else {
      }
      %parallel_loop3A = arith.constant 0 : i32
      %parallel_loop3A_80 = arith.constant 25 : i32
      %parallel_loop3A_81 = arith.constant 1 : i32
      scf.for %parallel_loop3A_119 = %parallel_loop3A to %parallel_loop3A_80 step %parallel_loop3A_81  : i32 {
        %parallel_loop3A_120 = arith.constant 8 : i32
        %parallel_loop3A_121 = arith.muli %parallel_loop3A_119, %parallel_loop3A_120 : i32
        %parallel_loop3A_122 = arith.index_cast %parallel_loop3A_121 : i32 to index
        %parallel_loop3A_123 = tpu.vector_load %arg10[%parallel_loop3A_122] {strides = array<i32>} : memref<208xf32, #tpu.memory_space<vmem>>, vector<16xf32>,
        %parallel_loop3A_124 = vector.shape_cast %parallel_loop3A_123 : vector<16xf32> to vector<16xf32>
        %parallel_loop3A_125 = arith.constant 0 : i32
        %parallel_loop3A_126 = arith.addi %parallel_loop3A_121, %parallel_loop3A_125 : i32
        %parallel_loop3A_127 = arith.index_cast %parallel_loop3A_126 : i32 to index
        %parallel_loop3A_128 = arith.constant 0 : index
        %parallel_loop3A_129 = tpu.vector_load %arg8[%parallel_loop3A_127, %parallel_loop3A_128] {strides = array<i32>} : memref<200x16xi32, #tpu.memory_space<vmem>>, vector<1x16xi32>,
        %parallel_loop3A_130 = vector.shape_cast %parallel_loop3A_129 : vector<1x16xi32> to vector<16xi32>
        %parallel_loop3A_131 = arith.constant 0 : i32
        %parallel_loop3A_132 = vector.broadcast %parallel_loop3A_131 : i32 to vector<16xi32>
        %parallel_loop3A_133 = arith.constant 0 : i32
        %parallel_loop3A_134 = vector.broadcast %parallel_loop3A_133 : i32 to vector<16xi32>
        %parallel_loop3A_135 = arith.cmpi slt, %parallel_loop3A_132, %parallel_loop3A_134 : vector<16xi32>
        %parallel_loop3A_136 = arith.constant 16 : i32
        %parallel_loop3A_137 = vector.broadcast %parallel_loop3A_136 : i32 to vector<16xi32>
        %parallel_loop3A_138 = arith.addi %parallel_loop3A_132, %parallel_loop3A_137 : vector<16xi32>
        %parallel_loop3A_139 = arith.select %parallel_loop3A_135, %parallel_loop3A_138, %parallel_loop3A_132 : vector<16xi1>, vector<16xi32>
        %parallel_loop3A_140 = vector.shape_cast %parallel_loop3A_139 : vector<16xi32> to vector<16x1xi32>
        %parallel_loop3A_141 = vector.shape_cast %parallel_loop3A_140 : vector<16x1xi32> to vector<16xi32>
        %parallel_loop3A_142 = tpu.dynamic_gather %parallel_loop3A_124[%parallel_loop3A_141] in [0] : vector<16xf32>, vector<16xi32> -> vector<16xf32>
        %parallel_loop3A_143 = arith.constant 0 : i32
        %parallel_loop3A_144 = vector.broadcast %parallel_loop3A_143 : i32 to vector<16xi32>
        %parallel_loop3A_145 = arith.cmpi slt, %add3A_7, %parallel_loop3A_144 : vector<16xi32>
        %parallel_loop3A_146 = arith.constant 16 : i32
        %parallel_loop3A_147 = vector.broadcast %parallel_loop3A_146 : i32 to vector<16xi32>
        %parallel_loop3A_148 = arith.addi %add3A_7, %parallel_loop3A_147 : vector<16xi32>
        %parallel_loop3A_149 = arith.select %parallel_loop3A_145, %parallel_loop3A_148, %add3A_7 : vector<16xi1>, vector<16xi32>
        %parallel_loop3A_150 = vector.shape_cast %parallel_loop3A_149 : vector<16xi32> to vector<16x1xi32>
        %parallel_loop3A_151 = vector.shape_cast %parallel_loop3A_150 : vector<16x1xi32> to vector<16xi32>
        %parallel_loop3A_152 = tpu.dynamic_gather %parallel_loop3A_130[%parallel_loop3A_151] in [0] : vector<16xi32>, vector<16xi32> -> vector<16xi32>
        %parallel_loop3A_153 = arith.shli %parallel_loop3A_152, %sub3A_32 : vector<16xi32>
        %parallel_loop3A_154 = arith.constant 24 : i32
        %parallel_loop3A_155 = vector.broadcast %parallel_loop3A_154 : i32 to vector<16xi32>
        %parallel_loop3A_156 = arith.shrsi %parallel_loop3A_153, %parallel_loop3A_155 : vector<16xi32>
        %parallel_loop3A_157 = arith.sitofp %parallel_loop3A_156 : vector<16xi32> to vector<16xf32>
        %parallel_loop3A_158 = arith.mulf %parallel_loop3A_157, %parallel_loop3A_142 : vector<16xf32>
        %parallel_loop3A_159 = arith.index_cast %parallel_loop3A_126 : i32 to index
        %parallel_loop3A_160 = arith.constant 0 : index
        %parallel_loop3A_161 = tpu.vector_load %arg12[%parallel_loop3A_159, %parallel_loop3A_160] {strides = array<i32>} : memref<200x64xf32, #tpu.memory_space<vmem>>, vector<1x16xf32>,
        %parallel_loop3A_162 = vector.shape_cast %parallel_loop3A_161 : vector<1x16xf32> to vector<16xf32>
        %parallel_loop3A_163 = vector.shape_cast %parallel_loop3A_158 : vector<16xf32> to vector<1x16xf32>
        tpu.vector_store %arg12[%parallel_loop3A_159, %parallel_loop3A_160], %parallel_loop3A_163 {strides = array<i32>} : memref<200x64xf32, #tpu.memory_space<vmem>>, vector<1x16xf32>,
        %parallel_loop3A_164 = arith.constant 0 : i32
        %parallel_loop3A_165 = vector.broadcast %parallel_loop3A_164 : i32 to vector<16xi32>
        %parallel_loop3A_166 = arith.cmpi slt, %add3A_13, %parallel_loop3A_165 : vector<16xi32>
        %parallel_loop3A_167 = arith.constant 16 : i32
        %parallel_loop3A_168 = vector.broadcast %parallel_loop3A_167 : i32 to vector<16xi32>
        %parallel_loop3A_169 = arith.addi %add3A_13, %parallel_loop3A_168 : vector<16xi32>
        %parallel_loop3A_170 = arith.select %parallel_loop3A_166, %parallel_loop3A_169, %add3A_13 : vector<16xi1>, vector<16xi32>
        %parallel_loop3A_171 = vector.shape_cast %parallel_loop3A_170 : vector<16xi32> to vector<16x1xi32>
        %parallel_loop3A_172 = vector.shape_cast %parallel_loop3A_171 : vector<16x1xi32> to vector<16xi32>
        %parallel_loop3A_173 = tpu.dynamic_gather %parallel_loop3A_130[%parallel_loop3A_172] in [0] : vector<16xi32>, vector<16xi32> -> vector<16xi32>
        %parallel_loop3A_174 = arith.shli %parallel_loop3A_173, %sub3A_32 : vector<16xi32>
        %parallel_loop3A_175 = arith.constant 24 : i32
        %parallel_loop3A_176 = vector.broadcast %parallel_loop3A_175 : i32 to vector<16xi32>
        %parallel_loop3A_177 = arith.shrsi %parallel_loop3A_174, %parallel_loop3A_176 : vector<16xi32>
        %parallel_loop3A_178 = arith.sitofp %parallel_loop3A_177 : vector<16xi32> to vector<16xf32>
        %parallel_loop3A_179 = arith.mulf %parallel_loop3A_178, %parallel_loop3A_142 : vector<16xf32>
        %parallel_loop3A_180 = arith.index_cast %parallel_loop3A_126 : i32 to index
        %parallel_loop3A_181 = arith.constant 16 : index
        %parallel_loop3A_182 = tpu.vector_load %arg12[%parallel_loop3A_180, %parallel_loop3A_181] {strides = array<i32>} : memref<200x64xf32, #tpu.memory_space<vmem>>, vector<1x16xf32>,
        %parallel_loop3A_183 = vector.shape_cast %parallel_loop3A_182 : vector<1x16xf32> to vector<16xf32>
        %parallel_loop3A_184 = vector.shape_cast %parallel_loop3A_179 : vector<16xf32> to vector<1x16xf32>
        tpu.vector_store %arg12[%parallel_loop3A_180, %parallel_loop3A_181], %parallel_loop3A_184 {strides = array<i32>} : memref<200x64xf32, #tpu.memory_space<vmem>>, vector<1x16xf32>,
        %parallel_loop3A_185 = arith.constant 0 : i32
        %parallel_loop3A_186 = vector.broadcast %parallel_loop3A_185 : i32 to vector<16xi32>
        %parallel_loop3A_187 = arith.cmpi slt, %add3A_19, %parallel_loop3A_186 : vector<16xi32>
        %parallel_loop3A_188 = arith.constant 16 : i32
        %parallel_loop3A_189 = vector.broadcast %parallel_loop3A_188 : i32 to vector<16xi32>
        %parallel_loop3A_190 = arith.addi %add3A_19, %parallel_loop3A_189 : vector<16xi32>
        %parallel_loop3A_191 = arith.select %parallel_loop3A_187, %parallel_loop3A_190, %add3A_19 : vector<16xi1>, vector<16xi32>
        %parallel_loop3A_192 = vector.shape_cast %parallel_loop3A_191 : vector<16xi32> to vector<16x1xi32>
        %parallel_loop3A_193 = vector.shape_cast %parallel_loop3A_192 : vector<16x1xi32> to vector<16xi32>
        %parallel_loop3A_194 = tpu.dynamic_gather %parallel_loop3A_130[%parallel_loop3A_193] in [0] : vector<16xi32>, vector<16xi32> -> vector<16xi32>
        %parallel_loop3A_195 = arith.shli %parallel_loop3A_194, %sub3A_32 : vector<16xi32>
        %parallel_loop3A_196 = arith.constant 24 : i32
        %parallel_loop3A_197 = vector.broadcast %parallel_loop3A_196 : i32 to vector<16xi32>
        %parallel_loop3A_198 = arith.shrsi %parallel_loop3A_195, %parallel_loop3A_197 : vector<16xi32>
        %parallel_loop3A_199 = arith.sitofp %parallel_loop3A_198 : vector<16xi32> to vector<16xf32>
        %parallel_loop3A_200 = arith.mulf %parallel_loop3A_199, %parallel_loop3A_142 : vector<16xf32>
        %parallel_loop3A_201 = arith.index_cast %parallel_loop3A_126 : i32 to index
        %parallel_loop3A_202 = arith.constant 32 : index
        %parallel_loop3A_203 = tpu.vector_load %arg12[%parallel_loop3A_201, %parallel_loop3A_202] {strides = array<i32>} : memref<200x64xf32, #tpu.memory_space<vmem>>, vector<1x16xf32>,
        %parallel_loop3A_204 = vector.shape_cast %parallel_loop3A_203 : vector<1x16xf32> to vector<16xf32>
        %parallel_loop3A_205 = vector.shape_cast %parallel_loop3A_200 : vector<16xf32> to vector<1x16xf32>
        tpu.vector_store %arg12[%parallel_loop3A_201, %parallel_loop3A_202], %parallel_loop3A_205 {strides = array<i32>} : memref<200x64xf32, #tpu.memory_space<vmem>>, vector<1x16xf32>,
        %parallel_loop3A_206 = arith.constant 0 : i32
        %parallel_loop3A_207 = vector.broadcast %parallel_loop3A_206 : i32 to vector<16xi32>
        %parallel_loop3A_208 = arith.cmpi slt, %add3A_25, %parallel_loop3A_207 : vector<16xi32>
        %parallel_loop3A_209 = arith.constant 16 : i32
        %parallel_loop3A_210 = vector.broadcast %parallel_loop3A_209 : i32 to vector<16xi32>
        %parallel_loop3A_211 = arith.addi %add3A_25, %parallel_loop3A_210 : vector<16xi32>
        %parallel_loop3A_212 = arith.select %parallel_loop3A_208, %parallel_loop3A_211, %add3A_25 : vector<16xi1>, vector<16xi32>
        %parallel_loop3A_213 = vector.shape_cast %parallel_loop3A_212 : vector<16xi32> to vector<16x1xi32>
        %parallel_loop3A_214 = vector.shape_cast %parallel_loop3A_213 : vector<16x1xi32> to vector<16xi32>
        %parallel_loop3A_215 = tpu.dynamic_gather %parallel_loop3A_130[%parallel_loop3A_214] in [0] : vector<16xi32>, vector<16xi32> -> vector<16xi32>
        %parallel_loop3A_216 = arith.shli %parallel_loop3A_215, %sub3A_32 : vector<16xi32>
        %parallel_loop3A_217 = arith.constant 24 : i32
        %parallel_loop3A_218 = vector.broadcast %parallel_loop3A_217 : i32 to vector<16xi32>
        %parallel_loop3A_219 = arith.shrsi %parallel_loop3A_216, %parallel_loop3A_218 : vector<16xi32>
        %parallel_loop3A_220 = arith.sitofp %parallel_loop3A_219 : vector<16xi32> to vector<16xf32>
        %parallel_loop3A_221 = arith.mulf %parallel_loop3A_220, %parallel_loop3A_142 : vector<16xf32>
        %parallel_loop3A_222 = arith.index_cast %parallel_loop3A_126 : i32 to index
        %parallel_loop3A_223 = arith.constant 48 : index
        %parallel_loop3A_224 = tpu.vector_load %arg12[%parallel_loop3A_222, %parallel_loop3A_223] {strides = array<i32>} : memref<200x64xf32, #tpu.memory_space<vmem>>, vector<1x16xf32>,
        %parallel_loop3A_225 = vector.shape_cast %parallel_loop3A_224 : vector<1x16xf32> to vector<16xf32>
        %parallel_loop3A_226 = vector.shape_cast %parallel_loop3A_221 : vector<16xf32> to vector<1x16xf32>
        tpu.vector_store %arg12[%parallel_loop3A_222, %parallel_loop3A_223], %parallel_loop3A_226 {strides = array<i32>} : memref<200x64xf32, #tpu.memory_space<vmem>>, vector<1x16xf32>,
        %parallel_loop3A_227 = arith.constant 1 : i32
        %parallel_loop3A_228 = arith.addi %parallel_loop3A_121, %parallel_loop3A_227 : i32
        %parallel_loop3A_229 = arith.index_cast %parallel_loop3A_228 : i32 to index
        %parallel_loop3A_230 = arith.constant 0 : index
        %parallel_loop3A_231 = tpu.vector_load %arg8[%parallel_loop3A_229, %parallel_loop3A_230] {strides = array<i32>} : memref<200x16xi32, #tpu.memory_space<vmem>>, vector<1x16xi32>,
        %parallel_loop3A_232 = vector.shape_cast %parallel_loop3A_231 : vector<1x16xi32> to vector<16xi32>
        %parallel_loop3A_233 = arith.constant 1 : i32
        %parallel_loop3A_234 = vector.broadcast %parallel_loop3A_233 : i32 to vector<16xi32>
        %parallel_loop3A_235 = arith.constant 0 : i32
        %parallel_loop3A_236 = vector.broadcast %parallel_loop3A_235 : i32 to vector<16xi32>
        %parallel_loop3A_237 = arith.cmpi slt, %parallel_loop3A_234, %parallel_loop3A_236 : vector<16xi32>
        %parallel_loop3A_238 = arith.constant 16 : i32
        %parallel_loop3A_239 = vector.broadcast %parallel_loop3A_238 : i32 to vector<16xi32>
        %parallel_loop3A_240 = arith.addi %parallel_loop3A_234, %parallel_loop3A_239 : vector<16xi32>
        %parallel_loop3A_241 = arith.select %parallel_loop3A_237, %parallel_loop3A_240, %parallel_loop3A_234 : vector<16xi1>, vector<16xi32>
        %parallel_loop3A_242 = vector.shape_cast %parallel_loop3A_241 : vector<16xi32> to vector<16x1xi32>
        %parallel_loop3A_243 = vector.shape_cast %parallel_loop3A_242 : vector<16x1xi32> to vector<16xi32>
        %parallel_loop3A_244 = tpu.dynamic_gather %parallel_loop3A_124[%parallel_loop3A_243] in [0] : vector<16xf32>, vector<16xi32> -> vector<16xf32>
        %parallel_loop3A_245 = arith.constant 0 : i32
        %parallel_loop3A_246 = vector.broadcast %parallel_loop3A_245 : i32 to vector<16xi32>
        %parallel_loop3A_247 = arith.cmpi slt, %add3A_7, %parallel_loop3A_246 : vector<16xi32>
        %parallel_loop3A_248 = arith.constant 16 : i32
        %parallel_loop3A_249 = vector.broadcast %parallel_loop3A_248 : i32 to vector<16xi32>
        %parallel_loop3A_250 = arith.addi %add3A_7, %parallel_loop3A_249 : vector<16xi32>
        %parallel_loop3A_251 = arith.select %parallel_loop3A_247, %parallel_loop3A_250, %add3A_7 : vector<16xi1>, vector<16xi32>
        %parallel_loop3A_252 = vector.shape_cast %parallel_loop3A_251 : vector<16xi32> to vector<16x1xi32>
        %parallel_loop3A_253 = vector.shape_cast %parallel_loop3A_252 : vector<16x1xi32> to vector<16xi32>
        %parallel_loop3A_254 = tpu.dynamic_gather %parallel_loop3A_232[%parallel_loop3A_253] in [0] : vector<16xi32>, vector<16xi32> -> vector<16xi32>
        %parallel_loop3A_255 = arith.shli %parallel_loop3A_254, %sub3A_32 : vector<16xi32>
        %parallel_loop3A_256 = arith.constant 24 : i32
        %parallel_loop3A_257 = vector.broadcast %parallel_loop3A_256 : i32 to vector<16xi32>
        %parallel_loop3A_258 = arith.shrsi %parallel_loop3A_255, %parallel_loop3A_257 : vector<16xi32>
        %parallel_loop3A_259 = arith.sitofp %parallel_loop3A_258 : vector<16xi32> to vector<16xf32>
        %parallel_loop3A_260 = arith.mulf %parallel_loop3A_259, %parallel_loop3A_244 : vector<16xf32>
        %parallel_loop3A_261 = arith.index_cast %parallel_loop3A_228 : i32 to index
        %parallel_loop3A_262 = arith.constant 0 : index
        %parallel_loop3A_263 = tpu.vector_load %arg12[%parallel_loop3A_261, %parallel_loop3A_262] {strides = array<i32>} : memref<200x64xf32, #tpu.memory_space<vmem>>, vector<1x16xf32>,
        %parallel_loop3A_264 = vector.shape_cast %parallel_loop3A_263 : vector<1x16xf32> to vector<16xf32>
        %parallel_loop3A_265 = vector.shape_cast %parallel_loop3A_260 : vector<16xf32> to vector<1x16xf32>
        tpu.vector_store %arg12[%parallel_loop3A_261, %parallel_loop3A_262], %parallel_loop3A_265 {strides = array<i32>} : memref<200x64xf32, #tpu.memory_space<vmem>>, vector<1x16xf32>,
        %parallel_loop3A_266 = arith.constant 0 : i32
        %parallel_loop3A_267 = vector.broadcast %parallel_loop3A_266 : i32 to vector<16xi32>
        %parallel_loop3A_268 = arith.cmpi slt, %add3A_13, %parallel_loop3A_267 : vector<16xi32>
        %parallel_loop3A_269 = arith.constant 16 : i32
        %parallel_loop3A_270 = vector.broadcast %parallel_loop3A_269 : i32 to vector<16xi32>
        %parallel_loop3A_271 = arith.addi %add3A_13, %parallel_loop3A_270 : vector<16xi32>
        %parallel_loop3A_272 = arith.select %parallel_loop3A_268, %parallel_loop3A_271, %add3A_13 : vector<16xi1>, vector<16xi32>
        %parallel_loop3A_273 = vector.shape_cast %parallel_loop3A_272 : vector<16xi32> to vector<16x1xi32>
        %parallel_loop3A_274 = vector.shape_cast %parallel_loop3A_273 : vector<16x1xi32> to vector<16xi32>
        %parallel_loop3A_275 = tpu.dynamic_gather %parallel_loop3A_232[%parallel_loop3A_274] in [0] : vector<16xi32>, vector<16xi32> -> vector<16xi32>
        %parallel_loop3A_276 = arith.shli %parallel_loop3A_275, %sub3A_32 : vector<16xi32>
        %parallel_loop3A_277 = arith.constant 24 : i32
        %parallel_loop3A_278 = vector.broadcast %parallel_loop3A_277 : i32 to vector<16xi32>
        %parallel_loop3A_279 = arith.shrsi %parallel_loop3A_276, %parallel_loop3A_278 : vector<16xi32>
        %parallel_loop3A_280 = arith.sitofp %parallel_loop3A_279 : vector<16xi32> to vector<16xf32>
        %parallel_loop3A_281 = arith.mulf %parallel_loop3A_280, %parallel_loop3A_244 : vector<16xf32>
        %parallel_loop3A_282 = arith.index_cast %parallel_loop3A_228 : i32 to index
        %parallel_loop3A_283 = arith.constant 16 : index
        %parallel_loop3A_284 = tpu.vector_load %arg12[%parallel_loop3A_282, %parallel_loop3A_283] {strides = array<i32>} : memref<200x64xf32, #tpu.memory_space<vmem>>, vector<1x16xf32>,
        %parallel_loop3A_285 = vector.shape_cast %parallel_loop3A_284 : vector<1x16xf32> to vector<16xf32>
        %parallel_loop3A_286 = vector.shape_cast %parallel_loop3A_281 : vector<16xf32> to vector<1x16xf32>
        tpu.vector_store %arg12[%parallel_loop3A_282, %parallel_loop3A_283], %parallel_loop3A_286 {strides = array<i32>} : memref<200x64xf32, #tpu.memory_space<vmem>>, vector<1x16xf32>,
        %parallel_loop3A_287 = arith.constant 0 : i32
        %parallel_loop3A_288 = vector.broadcast %parallel_loop3A_287 : i32 to vector<16xi32>
        %parallel_loop3A_289 = arith.cmpi slt, %add3A_19, %parallel_loop3A_288 : vector<16xi32>
        %parallel_loop3A_290 = arith.constant 16 : i32
        %parallel_loop3A_291 = vector.broadcast %parallel_loop3A_290 : i32 to vector<16xi32>
        %parallel_loop3A_292 = arith.addi %add3A_19, %parallel_loop3A_291 : vector<16xi32>
        %parallel_loop3A_293 = arith.select %parallel_loop3A_289, %parallel_loop3A_292, %add3A_19 : vector<16xi1>, vector<16xi32>
        %parallel_loop3A_294 = vector.shape_cast %parallel_loop3A_293 : vector<16xi32> to vector<16x1xi32>
        %parallel_loop3A_295 = vector.shape_cast %parallel_loop3A_294 : vector<16x1xi32> to vector<16xi32>
        %parallel_loop3A_296 = tpu.dynamic_gather %parallel_loop3A_232[%parallel_loop3A_295] in [0] : vector<16xi32>, vector<16xi32> -> vector<16xi32>
        %parallel_loop3A_297 = arith.shli %parallel_loop3A_296, %sub3A_32 : vector<16xi32>
        %parallel_loop3A_298 = arith.constant 24 : i32
        %parallel_loop3A_299 = vector.broadcast %parallel_loop3A_298 : i32 to vector<16xi32>
        %parallel_loop3A_300 = arith.shrsi %parallel_loop3A_297, %parallel_loop3A_299 : vector<16xi32>
        %parallel_loop3A_301 = arith.sitofp %parallel_loop3A_300 : vector<16xi32> to vector<16xf32>
        %parallel_loop3A_302 = arith.mulf %parallel_loop3A_301, %parallel_loop3A_244 : vector<16xf32>
        %parallel_loop3A_303 = arith.index_cast %parallel_loop3A_228 : i32 to index
        %parallel_loop3A_304 = arith.constant 32 : index
        %parallel_loop3A_305 = tpu.vector_load %arg12[%parallel_loop3A_303, %parallel_loop3A_304] {strides = array<i32>} : memref<200x64xf32, #tpu.memory_space<vmem>>, vector<1x16xf32>,
        %parallel_loop3A_306 = vector.shape_cast %parallel_loop3A_305 : vector<1x16xf32> to vector<16xf32>
        %parallel_loop3A_307 = vector.shape_cast %parallel_loop3A_302 : vector<16xf32> to vector<1x16xf32>
        tpu.vector_store %arg12[%parallel_loop3A_303, %parallel_loop3A_304], %parallel_loop3A_307 {strides = array<i32>} : memref<200x64xf32, #tpu.memory_space<vmem>>, vector<1x16xf32>,
        %parallel_loop3A_308 = arith.constant 0 : i32
        %parallel_loop3A_309 = vector.broadcast %parallel_loop3A_308 : i32 to vector<16xi32>
        %parallel_loop3A_310 = arith.cmpi slt, %add3A_25, %parallel_loop3A_309 : vector<16xi32>
        %parallel_loop3A_311 = arith.constant 16 : i32
        %parallel_loop3A_312 = vector.broadcast %parallel_loop3A_311 : i32 to vector<16xi32>
        %parallel_loop3A_313 = arith.addi %add3A_25, %parallel_loop3A_312 : vector<16xi32>
        %parallel_loop3A_314 = arith.select %parallel_loop3A_310, %parallel_loop3A_313, %add3A_25 : vector<16xi1>, vector<16xi32>
        %parallel_loop3A_315 = vector.shape_cast %parallel_loop3A_314 : vector<16xi32> to vector<16x1xi32>
        %parallel_loop3A_316 = vector.shape_cast %parallel_loop3A_315 : vector<16x1xi32> to vector<16xi32>
        %parallel_loop3A_317 = tpu.dynamic_gather %parallel_loop3A_232[%parallel_loop3A_316] in [0] : vector<16xi32>, vector<16xi32> -> vector<16xi32>
        %parallel_loop3A_318 = arith.shli %parallel_loop3A_317, %sub3A_32 : vector<16xi32>
        %parallel_loop3A_319 = arith.constant 24 : i32
        %parallel_loop3A_320 = vector.broadcast %parallel_loop3A_319 : i32 to vector<16xi32>
        %parallel_loop3A_321 = arith.shrsi %parallel_loop3A_318, %parallel_loop3A_320 : vector<16xi32>
        %parallel_loop3A_322 = arith.sitofp %parallel_loop3A_321 : vector<16xi32> to vector<16xf32>
        %parallel_loop3A_323 = arith.mulf %parallel_loop3A_322, %parallel_loop3A_244 : vector<16xf32>
        %parallel_loop3A_324 = arith.index_cast %parallel_loop3A_228 : i32 to index
        %parallel_loop3A_325 = arith.constant 48 : index
        %parallel_loop3A_326 = tpu.vector_load %arg12[%parallel_loop3A_324, %parallel_loop3A_325] {strides = array<i32>} : memref<200x64xf32, #tpu.memory_space<vmem>>, vector<1x16xf32>,
        %parallel_loop3A_327 = vector.shape_cast %parallel_loop3A_326 : vector<1x16xf32> to vector<16xf32>
        %parallel_loop3A_328 = vector.shape_cast %parallel_loop3A_323 : vector<16xf32> to vector<1x16xf32>
        tpu.vector_store %arg12[%parallel_loop3A_324, %parallel_loop3A_325], %parallel_loop3A_328 {strides = array<i32>} : memref<200x64xf32, #tpu.memory_space<vmem>>, vector<1x16xf32>,
        %parallel_loop3A_329 = arith.constant 2 : i32
        %parallel_loop3A_330 = arith.addi %parallel_loop3A_121, %parallel_loop3A_329 : i32
        %parallel_loop3A_331 = arith.index_cast %parallel_loop3A_330 : i32 to index
        %parallel_loop3A_332 = arith.constant 0 : index
        %parallel_loop3A_333 = tpu.vector_load %arg8[%parallel_loop3A_331, %parallel_loop3A_332] {strides = array<i32>} : memref<200x16xi32, #tpu.memory_space<vmem>>, vector<1x16xi32>,
        %parallel_loop3A_334 = vector.shape_cast %parallel_loop3A_333 : vector<1x16xi32> to vector<16xi32>
        %parallel_loop3A_335 = arith.constant 2 : i32
        %parallel_loop3A_336 = vector.broadcast %parallel_loop3A_335 : i32 to vector<16xi32>
        %parallel_loop3A_337 = arith.constant 0 : i32
        %parallel_loop3A_338 = vector.broadcast %parallel_loop3A_337 : i32 to vector<16xi32>
        %parallel_loop3A_339 = arith.cmpi slt, %parallel_loop3A_336, %parallel_loop3A_338 : vector<16xi32>
        %parallel_loop3A_340 = arith.constant 16 : i32
        %parallel_loop3A_341 = vector.broadcast %parallel_loop3A_340 : i32 to vector<16xi32>
        %parallel_loop3A_342 = arith.addi %parallel_loop3A_336, %parallel_loop3A_341 : vector<16xi32>
        %parallel_loop3A_343 = arith.select %parallel_loop3A_339, %parallel_loop3A_342, %parallel_loop3A_336 : vector<16xi1>, vector<16xi32>
        %parallel_loop3A_344 = vector.shape_cast %parallel_loop3A_343 : vector<16xi32> to vector<16x1xi32>
        %parallel_loop3A_345 = vector.shape_cast %parallel_loop3A_344 : vector<16x1xi32> to vector<16xi32>
        %parallel_loop3A_346 = tpu.dynamic_gather %parallel_loop3A_124[%parallel_loop3A_345] in [0] : vector<16xf32>, vector<16xi32> -> vector<16xf32>
        %parallel_loop3A_347 = arith.constant 0 : i32
        %parallel_loop3A_348 = vector.broadcast %parallel_loop3A_347 : i32 to vector<16xi32>
        %parallel_loop3A_349 = arith.cmpi slt, %add3A_7, %parallel_loop3A_348 : vector<16xi32>
        %parallel_loop3A_350 = arith.constant 16 : i32
        %parallel_loop3A_351 = vector.broadcast %parallel_loop3A_350 : i32 to vector<16xi32>
        %parallel_loop3A_352 = arith.addi %add3A_7, %parallel_loop3A_351 : vector<16xi32>
        %parallel_loop3A_353 = arith.select %parallel_loop3A_349, %parallel_loop3A_352, %add3A_7 : vector<16xi1>, vector<16xi32>
        %parallel_loop3A_354 = vector.shape_cast %parallel_loop3A_353 : vector<16xi32> to vector<16x1xi32>
        %parallel_loop3A_355 = vector.shape_cast %parallel_loop3A_354 : vector<16x1xi32> to vector<16xi32>
        %parallel_loop3A_356 = tpu.dynamic_gather %parallel_loop3A_334[%parallel_loop3A_355] in [0] : vector<16xi32>, vector<16xi32> -> vector<16xi32>
        %parallel_loop3A_357 = arith.shli %parallel_loop3A_356, %sub3A_32 : vector<16xi32>
        %parallel_loop3A_358 = arith.constant 24 : i32
        %parallel_loop3A_359 = vector.broadcast %parallel_loop3A_358 : i32 to vector<16xi32>
        %parallel_loop3A_360 = arith.shrsi %parallel_loop3A_357, %parallel_loop3A_359 : vector<16xi32>
        %parallel_loop3A_361 = arith.sitofp %parallel_loop3A_360 : vector<16xi32> to vector<16xf32>
        %parallel_loop3A_362 = arith.mulf %parallel_loop3A_361, %parallel_loop3A_346 : vector<16xf32>
        %parallel_loop3A_363 = arith.index_cast %parallel_loop3A_330 : i32 to index
        %parallel_loop3A_364 = arith.constant 0 : index
        %parallel_loop3A_365 = tpu.vector_load %arg12[%parallel_loop3A_363, %parallel_loop3A_364] {strides = array<i32>} : memref<200x64xf32, #tpu.memory_space<vmem>>, vector<1x16xf32>,
        %parallel_loop3A_366 = vector.shape_cast %parallel_loop3A_365 : vector<1x16xf32> to vector<16xf32>
        %parallel_loop3A_367 = vector.shape_cast %parallel_loop3A_362 : vector<16xf32> to vector<1x16xf32>
        tpu.vector_store %arg12[%parallel_loop3A_363, %parallel_loop3A_364], %parallel_loop3A_367 {strides = array<i32>} : memref<200x64xf32, #tpu.memory_space<vmem>>, vector<1x16xf32>,
        %parallel_loop3A_368 = arith.constant 0 : i32
        %parallel_loop3A_369 = vector.broadcast %parallel_loop3A_368 : i32 to vector<16xi32>
        %parallel_loop3A_370 = arith.cmpi slt, %add3A_13, %parallel_loop3A_369 : vector<16xi32>
        %parallel_loop3A_371 = arith.constant 16 : i32
        %parallel_loop3A_372 = vector.broadcast %parallel_loop3A_371 : i32 to vector<16xi32>
        %parallel_loop3A_373 = arith.addi %add3A_13, %parallel_loop3A_372 : vector<16xi32>
        %parallel_loop3A_374 = arith.select %parallel_loop3A_370, %parallel_loop3A_373, %add3A_13 : vector<16xi1>, vector<16xi32>
        %parallel_loop3A_375 = vector.shape_cast %parallel_loop3A_374 : vector<16xi32> to vector<16x1xi32>
        %parallel_loop3A_376 = vector.shape_cast %parallel_loop3A_375 : vector<16x1xi32> to vector<16xi32>
        %parallel_loop3A_377 = tpu.dynamic_gather %parallel_loop3A_334[%parallel_loop3A_376] in [0] : vector<16xi32>, vector<16xi32> -> vector<16xi32>
        %parallel_loop3A_378 = arith.shli %parallel_loop3A_377, %sub3A_32 : vector<16xi32>
        %parallel_loop3A_379 = arith.constant 24 : i32
        %parallel_loop3A_380 = vector.broadcast %parallel_loop3A_379 : i32 to vector<16xi32>
        %parallel_loop3A_381 = arith.shrsi %parallel_loop3A_378, %parallel_loop3A_380 : vector<16xi32>
        %parallel_loop3A_382 = arith.sitofp %parallel_loop3A_381 : vector<16xi32> to vector<16xf32>
        %parallel_loop3A_383 = arith.mulf %parallel_loop3A_382, %parallel_loop3A_346 : vector<16xf32>
        %parallel_loop3A_384 = arith.index_cast %parallel_loop3A_330 : i32 to index
        %parallel_loop3A_385 = arith.constant 16 : index
        %parallel_loop3A_386 = tpu.vector_load %arg12[%parallel_loop3A_384, %parallel_loop3A_385] {strides = array<i32>} : memref<200x64xf32, #tpu.memory_space<vmem>>, vector<1x16xf32>,
        %parallel_loop3A_387 = vector.shape_cast %parallel_loop3A_386 : vector<1x16xf32> to vector<16xf32>
        %parallel_loop3A_388 = vector.shape_cast %parallel_loop3A_383 : vector<16xf32> to vector<1x16xf32>
        tpu.vector_store %arg12[%parallel_loop3A_384, %parallel_loop3A_385], %parallel_loop3A_388 {strides = array<i32>} : memref<200x64xf32, #tpu.memory_space<vmem>>, vector<1x16xf32>,
        %parallel_loop3A_389 = arith.constant 0 : i32
        %parallel_loop3A_390 = vector.broadcast %parallel_loop3A_389 : i32 to vector<16xi32>
        %parallel_loop3A_391 = arith.cmpi slt, %add3A_19, %parallel_loop3A_390 : vector<16xi32>
        %parallel_loop3A_392 = arith.constant 16 : i32
        %parallel_loop3A_393 = vector.broadcast %parallel_loop3A_392 : i32 to vector<16xi32>
        %parallel_loop3A_394 = arith.addi %add3A_19, %parallel_loop3A_393 : vector<16xi32>
        %parallel_loop3A_395 = arith.select %parallel_loop3A_391, %parallel_loop3A_394, %add3A_19 : vector<16xi1>, vector<16xi32>
        %parallel_loop3A_396 = vector.shape_cast %parallel_loop3A_395 : vector<16xi32> to vector<16x1xi32>
        %parallel_loop3A_397 = vector.shape_cast %parallel_loop3A_396 : vector<16x1xi32> to vector<16xi32>
        %parallel_loop3A_398 = tpu.dynamic_gather %parallel_loop3A_334[%parallel_loop3A_397] in [0] : vector<16xi32>, vector<16xi32> -> vector<16xi32>
        %parallel_loop3A_399 = arith.shli %parallel_loop3A_398, %sub3A_32 : vector<16xi32>
        %parallel_loop3A_400 = arith.constant 24 : i32
        %parallel_loop3A_401 = vector.broadcast %parallel_loop3A_400 : i32 to vector<16xi32>
        %parallel_loop3A_402 = arith.shrsi %parallel_loop3A_399, %parallel_loop3A_401 : vector<16xi32>
        %parallel_loop3A_403 = arith.sitofp %parallel_loop3A_402 : vector<16xi32> to vector<16xf32>
        %parallel_loop3A_404 = arith.mulf %parallel_loop3A_403, %parallel_loop3A_346 : vector<16xf32>
        %parallel_loop3A_405 = arith.index_cast %parallel_loop3A_330 : i32 to index
        %parallel_loop3A_406 = arith.constant 32 : index
        %parallel_loop3A_407 = tpu.vector_load %arg12[%parallel_loop3A_405, %parallel_loop3A_406] {strides = array<i32>} : memref<200x64xf32, #tpu.memory_space<vmem>>, vector<1x16xf32>,
        %parallel_loop3A_408 = vector.shape_cast %parallel_loop3A_407 : vector<1x16xf32> to vector<16xf32>
        %parallel_loop3A_409 = vector.shape_cast %parallel_loop3A_404 : vector<16xf32> to vector<1x16xf32>
        tpu.vector_store %arg12[%parallel_loop3A_405, %parallel_loop3A_406], %parallel_loop3A_409 {strides = array<i32>} : memref<200x64xf32, #tpu.memory_space<vmem>>, vector<1x16xf32>,
        %parallel_loop3A_410 = arith.constant 0 : i32
        %parallel_loop3A_411 = vector.broadcast %parallel_loop3A_410 : i32 to vector<16xi32>
        %parallel_loop3A_412 = arith.cmpi slt, %add3A_25, %parallel_loop3A_411 : vector<16xi32>
        %parallel_loop3A_413 = arith.constant 16 : i32
        %parallel_loop3A_414 = vector.broadcast %parallel_loop3A_413 : i32 to vector<16xi32>
        %parallel_loop3A_415 = arith.addi %add3A_25, %parallel_loop3A_414 : vector<16xi32>
        %parallel_loop3A_416 = arith.select %parallel_loop3A_412, %parallel_loop3A_415, %add3A_25 : vector<16xi1>, vector<16xi32>
        %parallel_loop3A_417 = vector.shape_cast %parallel_loop3A_416 : vector<16xi32> to vector<16x1xi32>
        %parallel_loop3A_418 = vector.shape_cast %parallel_loop3A_417 : vector<16x1xi32> to vector<16xi32>
        %parallel_loop3A_419 = tpu.dynamic_gather %parallel_loop3A_334[%parallel_loop3A_418] in [0] : vector<16xi32>, vector<16xi32> -> vector<16xi32>
        %parallel_loop3A_420 = arith.shli %parallel_loop3A_419, %sub3A_32 : vector<16xi32>
        %parallel_loop3A_421 = arith.constant 24 : i32
        %parallel_loop3A_422 = vector.broadcast %parallel_loop3A_421 : i32 to vector<16xi32>
        %parallel_loop3A_423 = arith.shrsi %parallel_loop3A_420, %parallel_loop3A_422 : vector<16xi32>
        %parallel_loop3A_424 = arith.sitofp %parallel_loop3A_423 : vector<16xi32> to vector<16xf32>
        %parallel_loop3A_425 = arith.mulf %parallel_loop3A_424, %parallel_loop3A_346 : vector<16xf32>
        %parallel_loop3A_426 = arith.index_cast %parallel_loop3A_330 : i32 to index
        %parallel_loop3A_427 = arith.constant 48 : index
        %parallel_loop3A_428 = tpu.vector_load %arg12[%parallel_loop3A_426, %parallel_loop3A_427] {strides = array<i32>} : memref<200x64xf32, #tpu.memory_space<vmem>>, vector<1x16xf32>,
        %parallel_loop3A_429 = vector.shape_cast %parallel_loop3A_428 : vector<1x16xf32> to vector<16xf32>
        %parallel_loop3A_430 = vector.shape_cast %parallel_loop3A_425 : vector<16xf32> to vector<1x16xf32>
        tpu.vector_store %arg12[%parallel_loop3A_426, %parallel_loop3A_427], %parallel_loop3A_430 {strides = array<i32>} : memref<200x64xf32, #tpu.memory_space<vmem>>, vector<1x16xf32>,
        %parallel_loop3A_431 = arith.constant 3 : i32
        %parallel_loop3A_432 = arith.addi %parallel_loop3A_121, %parallel_loop3A_431 : i32
        %parallel_loop3A_433 = arith.index_cast %parallel_loop3A_432 : i32 to index
        %parallel_loop3A_434 = arith.constant 0 : index
        %parallel_loop3A_435 = tpu.vector_load %arg8[%parallel_loop3A_433, %parallel_loop3A_434] {strides = array<i32>} : memref<200x16xi32, #tpu.memory_space<vmem>>, vector<1x16xi32>,
        %parallel_loop3A_436 = vector.shape_cast %parallel_loop3A_435 : vector<1x16xi32> to vector<16xi32>
        %parallel_loop3A_437 = arith.constant 3 : i32
        %parallel_loop3A_438 = vector.broadcast %parallel_loop3A_437 : i32 to vector<16xi32>
        %parallel_loop3A_439 = arith.constant 0 : i32
        %parallel_loop3A_440 = vector.broadcast %parallel_loop3A_439 : i32 to vector<16xi32>
        %parallel_loop3A_441 = arith.cmpi slt, %parallel_loop3A_438, %parallel_loop3A_440 : vector<16xi32>
        %parallel_loop3A_442 = arith.constant 16 : i32
        %parallel_loop3A_443 = vector.broadcast %parallel_loop3A_442 : i32 to vector<16xi32>
        %parallel_loop3A_444 = arith.addi %parallel_loop3A_438, %parallel_loop3A_443 : vector<16xi32>
        %parallel_loop3A_445 = arith.select %parallel_loop3A_441, %parallel_loop3A_444, %parallel_loop3A_438 : vector<16xi1>, vector<16xi32>
        %parallel_loop3A_446 = vector.shape_cast %parallel_loop3A_445 : vector<16xi32> to vector<16x1xi32>
        %parallel_loop3A_447 = vector.shape_cast %parallel_loop3A_446 : vector<16x1xi32> to vector<16xi32>
        %parallel_loop3A_448 = tpu.dynamic_gather %parallel_loop3A_124[%parallel_loop3A_447] in [0] : vector<16xf32>, vector<16xi32> -> vector<16xf32>
        %parallel_loop3A_449 = arith.constant 0 : i32
        %parallel_loop3A_450 = vector.broadcast %parallel_loop3A_449 : i32 to vector<16xi32>
        %parallel_loop3A_451 = arith.cmpi slt, %add3A_7, %parallel_loop3A_450 : vector<16xi32>
        %parallel_loop3A_452 = arith.constant 16 : i32
        %parallel_loop3A_453 = vector.broadcast %parallel_loop3A_452 : i32 to vector<16xi32>
        %parallel_loop3A_454 = arith.addi %add3A_7, %parallel_loop3A_453 : vector<16xi32>
        %parallel_loop3A_455 = arith.select %parallel_loop3A_451, %parallel_loop3A_454, %add3A_7 : vector<16xi1>, vector<16xi32>
        %parallel_loop3A_456 = vector.shape_cast %parallel_loop3A_455 : vector<16xi32> to vector<16x1xi32>
        %parallel_loop3A_457 = vector.shape_cast %parallel_loop3A_456 : vector<16x1xi32> to vector<16xi32>
        %parallel_loop3A_458 = tpu.dynamic_gather %parallel_loop3A_436[%parallel_loop3A_457] in [0] : vector<16xi32>, vector<16xi32> -> vector<16xi32>
        %parallel_loop3A_459 = arith.shli %parallel_loop3A_458, %sub3A_32 : vector<16xi32>
        %parallel_loop3A_460 = arith.constant 24 : i32
        %parallel_loop3A_461 = vector.broadcast %parallel_loop3A_460 : i32 to vector<16xi32>
        %parallel_loop3A_462 = arith.shrsi %parallel_loop3A_459, %parallel_loop3A_461 : vector<16xi32>
        %parallel_loop3A_463 = arith.sitofp %parallel_loop3A_462 : vector<16xi32> to vector<16xf32>
        %parallel_loop3A_464 = arith.mulf %parallel_loop3A_463, %parallel_loop3A_448 : vector<16xf32>
        %parallel_loop3A_465 = arith.index_cast %parallel_loop3A_432 : i32 to index
        %parallel_loop3A_466 = arith.constant 0 : index
        %parallel_loop3A_467 = tpu.vector_load %arg12[%parallel_loop3A_465, %parallel_loop3A_466] {strides = array<i32>} : memref<200x64xf32, #tpu.memory_space<vmem>>, vector<1x16xf32>,
        %parallel_loop3A_468 = vector.shape_cast %parallel_loop3A_467 : vector<1x16xf32> to vector<16xf32>
        %parallel_loop3A_469 = vector.shape_cast %parallel_loop3A_464 : vector<16xf32> to vector<1x16xf32>
        tpu.vector_store %arg12[%parallel_loop3A_465, %parallel_loop3A_466], %parallel_loop3A_469 {strides = array<i32>} : memref<200x64xf32, #tpu.memory_space<vmem>>, vector<1x16xf32>,
        %parallel_loop3A_470 = arith.constant 0 : i32
        %parallel_loop3A_471 = vector.broadcast %parallel_loop3A_470 : i32 to vector<16xi32>
        %parallel_loop3A_472 = arith.cmpi slt, %add3A_13, %parallel_loop3A_471 : vector<16xi32>
        %parallel_loop3A_473 = arith.constant 16 : i32
        %parallel_loop3A_474 = vector.broadcast %parallel_loop3A_473 : i32 to vector<16xi32>
        %parallel_loop3A_475 = arith.addi %add3A_13, %parallel_loop3A_474 : vector<16xi32>
        %parallel_loop3A_476 = arith.select %parallel_loop3A_472, %parallel_loop3A_475, %add3A_13 : vector<16xi1>, vector<16xi32>
        %parallel_loop3A_477 = vector.shape_cast %parallel_loop3A_476 : vector<16xi32> to vector<16x1xi32>
        %parallel_loop3A_478 = vector.shape_cast %parallel_loop3A_477 : vector<16x1xi32> to vector<16xi32>
        %parallel_loop3A_479 = tpu.dynamic_gather %parallel_loop3A_436[%parallel_loop3A_478] in [0] : vector<16xi32>, vector<16xi32> -> vector<16xi32>
        %parallel_loop3A_480 = arith.shli %parallel_loop3A_479, %sub3A_32 : vector<16xi32>
        %parallel_loop3A_481 = arith.constant 24 : i32
        %parallel_loop3A_482 = vector.broadcast %parallel_loop3A_481 : i32 to vector<16xi32>
        %parallel_loop3A_483 = arith.shrsi %parallel_loop3A_480, %parallel_loop3A_482 : vector<16xi32>
        %parallel_loop3A_484 = arith.sitofp %parallel_loop3A_483 : vector<16xi32> to vector<16xf32>
        %parallel_loop3A_485 = arith.mulf %parallel_loop3A_484, %parallel_loop3A_448 : vector<16xf32>
        %parallel_loop3A_486 = arith.index_cast %parallel_loop3A_432 : i32 to index
        %parallel_loop3A_487 = arith.constant 16 : index
        %parallel_loop3A_488 = tpu.vector_load %arg12[%parallel_loop3A_486, %parallel_loop3A_487] {strides = array<i32>} : memref<200x64xf32, #tpu.memory_space<vmem>>, vector<1x16xf32>,
        %parallel_loop3A_489 = vector.shape_cast %parallel_loop3A_488 : vector<1x16xf32> to vector<16xf32>
        %parallel_loop3A_490 = vector.shape_cast %parallel_loop3A_485 : vector<16xf32> to vector<1x16xf32>
        tpu.vector_store %arg12[%parallel_loop3A_486, %parallel_loop3A_487], %parallel_loop3A_490 {strides = array<i32>} : memref<200x64xf32, #tpu.memory_space<vmem>>, vector<1x16xf32>,
        %parallel_loop3A_491 = arith.constant 0 : i32
        %parallel_loop3A_492 = vector.broadcast %parallel_loop3A_491 : i32 to vector<16xi32>
        %parallel_loop3A_493 = arith.cmpi slt, %add3A_19, %parallel_loop3A_492 : vector<16xi32>
        %parallel_loop3A_494 = arith.constant 16 : i32
        %parallel_loop3A_495 = vector.broadcast %parallel_loop3A_494 : i32 to vector<16xi32>
        %parallel_loop3A_496 = arith.addi %add3A_19, %parallel_loop3A_495 : vector<16xi32>
        %parallel_loop3A_497 = arith.select %parallel_loop3A_493, %parallel_loop3A_496, %add3A_19 : vector<16xi1>, vector<16xi32>
        %parallel_loop3A_498 = vector.shape_cast %parallel_loop3A_497 : vector<16xi32> to vector<16x1xi32>
        %parallel_loop3A_499 = vector.shape_cast %parallel_loop3A_498 : vector<16x1xi32> to vector<16xi32>
        %parallel_loop3A_500 = tpu.dynamic_gather %parallel_loop3A_436[%parallel_loop3A_499] in [0] : vector<16xi32>, vector<16xi32> -> vector<16xi32>
        %parallel_loop3A_501 = arith.shli %parallel_loop3A_500, %sub3A_32 : vector<16xi32>
        %parallel_loop3A_502 = arith.constant 24 : i32
        %parallel_loop3A_503 = vector.broadcast %parallel_loop3A_502 : i32 to vector<16xi32>
        %parallel_loop3A_504 = arith.shrsi %parallel_loop3A_501, %parallel_loop3A_503 : vector<16xi32>
        %parallel_loop3A_505 = arith.sitofp %parallel_loop3A_504 : vector<16xi32> to vector<16xf32>
        %parallel_loop3A_506 = arith.mulf %parallel_loop3A_505, %parallel_loop3A_448 : vector<16xf32>
        %parallel_loop3A_507 = arith.index_cast %parallel_loop3A_432 : i32 to index
        %parallel_loop3A_508 = arith.constant 32 : index
        %parallel_loop3A_509 = tpu.vector_load %arg12[%parallel_loop3A_507, %parallel_loop3A_508] {strides = array<i32>} : memref<200x64xf32, #tpu.memory_space<vmem>>, vector<1x16xf32>,
        %parallel_loop3A_510 = vector.shape_cast %parallel_loop3A_509 : vector<1x16xf32> to vector<16xf32>
        %parallel_loop3A_511 = vector.shape_cast %parallel_loop3A_506 : vector<16xf32> to vector<1x16xf32>
        tpu.vector_store %arg12[%parallel_loop3A_507, %parallel_loop3A_508], %parallel_loop3A_511 {strides = array<i32>} : memref<200x64xf32, #tpu.memory_space<vmem>>, vector<1x16xf32>,
        %parallel_loop3A_512 = arith.constant 0 : i32
        %parallel_loop3A_513 = vector.broadcast %parallel_loop3A_512 : i32 to vector<16xi32>
        %parallel_loop3A_514 = arith.cmpi slt, %add3A_25, %parallel_loop3A_513 : vector<16xi32>
        %parallel_loop3A_515 = arith.constant 16 : i32
        %parallel_loop3A_516 = vector.broadcast %parallel_loop3A_515 : i32 to vector<16xi32>
        %parallel_loop3A_517 = arith.addi %add3A_25, %parallel_loop3A_516 : vector<16xi32>
        %parallel_loop3A_518 = arith.select %parallel_loop3A_514, %parallel_loop3A_517, %add3A_25 : vector<16xi1>, vector<16xi32>
        %parallel_loop3A_519 = vector.shape_cast %parallel_loop3A_518 : vector<16xi32> to vector<16x1xi32>
        %parallel_loop3A_520 = vector.shape_cast %parallel_loop3A_519 : vector<16x1xi32> to vector<16xi32>
        %parallel_loop3A_521 = tpu.dynamic_gather %parallel_loop3A_436[%parallel_loop3A_520] in [0] : vector<16xi32>, vector<16xi32> -> vector<16xi32>
        %parallel_loop3A_522 = arith.shli %parallel_loop3A_521, %sub3A_32 : vector<16xi32>
        %parallel_loop3A_523 = arith.constant 24 : i32
        %parallel_loop3A_524 = vector.broadcast %parallel_loop3A_523 : i32 to vector<16xi32>
        %parallel_loop3A_525 = arith.shrsi %parallel_loop3A_522, %parallel_loop3A_524 : vector<16xi32>
        %parallel_loop3A_526 = arith.sitofp %parallel_loop3A_525 : vector<16xi32> to vector<16xf32>
        %parallel_loop3A_527 = arith.mulf %parallel_loop3A_526, %parallel_loop3A_448 : vector<16xf32>
        %parallel_loop3A_528 = arith.index_cast %parallel_loop3A_432 : i32 to index
        %parallel_loop3A_529 = arith.constant 48 : index
        %parallel_loop3A_530 = tpu.vector_load %arg12[%parallel_loop3A_528, %parallel_loop3A_529] {strides = array<i32>} : memref<200x64xf32, #tpu.memory_space<vmem>>, vector<1x16xf32>,
        %parallel_loop3A_531 = vector.shape_cast %parallel_loop3A_530 : vector<1x16xf32> to vector<16xf32>
        %parallel_loop3A_532 = vector.shape_cast %parallel_loop3A_527 : vector<16xf32> to vector<1x16xf32>
        tpu.vector_store %arg12[%parallel_loop3A_528, %parallel_loop3A_529], %parallel_loop3A_532 {strides = array<i32>} : memref<200x64xf32, #tpu.memory_space<vmem>>, vector<1x16xf32>,
        %parallel_loop3A_533 = arith.constant 4 : i32
        %parallel_loop3A_534 = arith.addi %parallel_loop3A_121, %parallel_loop3A_533 : i32
        %parallel_loop3A_535 = arith.index_cast %parallel_loop3A_534 : i32 to index
        %parallel_loop3A_536 = arith.constant 0 : index
        %parallel_loop3A_537 = tpu.vector_load %arg8[%parallel_loop3A_535, %parallel_loop3A_536] {strides = array<i32>} : memref<200x16xi32, #tpu.memory_space<vmem>>, vector<1x16xi32>,
        %parallel_loop3A_538 = vector.shape_cast %parallel_loop3A_537 : vector<1x16xi32> to vector<16xi32>
        %parallel_loop3A_539 = arith.constant 4 : i32
        %parallel_loop3A_540 = vector.broadcast %parallel_loop3A_539 : i32 to vector<16xi32>
        %parallel_loop3A_541 = arith.constant 0 : i32
        %parallel_loop3A_542 = vector.broadcast %parallel_loop3A_541 : i32 to vector<16xi32>
        %parallel_loop3A_543 = arith.cmpi slt, %parallel_loop3A_540, %parallel_loop3A_542 : vector<16xi32>
        %parallel_loop3A_544 = arith.constant 16 : i32
        %parallel_loop3A_545 = vector.broadcast %parallel_loop3A_544 : i32 to vector<16xi32>
        %parallel_loop3A_546 = arith.addi %parallel_loop3A_540, %parallel_loop3A_545 : vector<16xi32>
        %parallel_loop3A_547 = arith.select %parallel_loop3A_543, %parallel_loop3A_546, %parallel_loop3A_540 : vector<16xi1>, vector<16xi32>
        %parallel_loop3A_548 = vector.shape_cast %parallel_loop3A_547 : vector<16xi32> to vector<16x1xi32>
        %parallel_loop3A_549 = vector.shape_cast %parallel_loop3A_548 : vector<16x1xi32> to vector<16xi32>
        %parallel_loop3A_550 = tpu.dynamic_gather %parallel_loop3A_124[%parallel_loop3A_549] in [0] : vector<16xf32>, vector<16xi32> -> vector<16xf32>
        %parallel_loop3A_551 = arith.constant 0 : i32
        %parallel_loop3A_552 = vector.broadcast %parallel_loop3A_551 : i32 to vector<16xi32>
        %parallel_loop3A_553 = arith.cmpi slt, %add3A_7, %parallel_loop3A_552 : vector<16xi32>
        %parallel_loop3A_554 = arith.constant 16 : i32
        %parallel_loop3A_555 = vector.broadcast %parallel_loop3A_554 : i32 to vector<16xi32>
        %parallel_loop3A_556 = arith.addi %add3A_7, %parallel_loop3A_555 : vector<16xi32>
        %parallel_loop3A_557 = arith.select %parallel_loop3A_553, %parallel_loop3A_556, %add3A_7 : vector<16xi1>, vector<16xi32>
        %parallel_loop3A_558 = vector.shape_cast %parallel_loop3A_557 : vector<16xi32> to vector<16x1xi32>
        %parallel_loop3A_559 = vector.shape_cast %parallel_loop3A_558 : vector<16x1xi32> to vector<16xi32>
        %parallel_loop3A_560 = tpu.dynamic_gather %parallel_loop3A_538[%parallel_loop3A_559] in [0] : vector<16xi32>, vector<16xi32> -> vector<16xi32>
        %parallel_loop3A_561 = arith.shli %parallel_loop3A_560, %sub3A_32 : vector<16xi32>
        %parallel_loop3A_562 = arith.constant 24 : i32
        %parallel_loop3A_563 = vector.broadcast %parallel_loop3A_562 : i32 to vector<16xi32>
        %parallel_loop3A_564 = arith.shrsi %parallel_loop3A_561, %parallel_loop3A_563 : vector<16xi32>
        %parallel_loop3A_565 = arith.sitofp %parallel_loop3A_564 : vector<16xi32> to vector<16xf32>
        %parallel_loop3A_566 = arith.mulf %parallel_loop3A_565, %parallel_loop3A_550 : vector<16xf32>
        %parallel_loop3A_567 = arith.index_cast %parallel_loop3A_534 : i32 to index
        %parallel_loop3A_568 = arith.constant 0 : index
        %parallel_loop3A_569 = tpu.vector_load %arg12[%parallel_loop3A_567, %parallel_loop3A_568] {strides = array<i32>} : memref<200x64xf32, #tpu.memory_space<vmem>>, vector<1x16xf32>,
        %parallel_loop3A_570 = vector.shape_cast %parallel_loop3A_569 : vector<1x16xf32> to vector<16xf32>
        %parallel_loop3A_571 = vector.shape_cast %parallel_loop3A_566 : vector<16xf32> to vector<1x16xf32>
        tpu.vector_store %arg12[%parallel_loop3A_567, %parallel_loop3A_568], %parallel_loop3A_571 {strides = array<i32>} : memref<200x64xf32, #tpu.memory_space<vmem>>, vector<1x16xf32>,
        %parallel_loop3A_572 = arith.constant 0 : i32
        %parallel_loop3A_573 = vector.broadcast %parallel_loop3A_572 : i32 to vector<16xi32>
        %parallel_loop3A_574 = arith.cmpi slt, %add3A_13, %parallel_loop3A_573 : vector<16xi32>
        %parallel_loop3A_575 = arith.constant 16 : i32
        %parallel_loop3A_576 = vector.broadcast %parallel_loop3A_575 : i32 to vector<16xi32>
        %parallel_loop3A_577 = arith.addi %add3A_13, %parallel_loop3A_576 : vector<16xi32>
        %parallel_loop3A_578 = arith.select %parallel_loop3A_574, %parallel_loop3A_577, %add3A_13 : vector<16xi1>, vector<16xi32>
        %parallel_loop3A_579 = vector.shape_cast %parallel_loop3A_578 : vector<16xi32> to vector<16x1xi32>
        %parallel_loop3A_580 = vector.shape_cast %parallel_loop3A_579 : vector<16x1xi32> to vector<16xi32>
        %parallel_loop3A_581 = tpu.dynamic_gather %parallel_loop3A_538[%parallel_loop3A_580] in [0] : vector<16xi32>, vector<16xi32> -> vector<16xi32>
        %parallel_loop3A_582 = arith.shli %parallel_loop3A_581, %sub3A_32 : vector<16xi32>
        %parallel_loop3A_583 = arith.constant 24 : i32
        %parallel_loop3A_584 = vector.broadcast %parallel_loop3A_583 : i32 to vector<16xi32>
        %parallel_loop3A_585 = arith.shrsi %parallel_loop3A_582, %parallel_loop3A_584 : vector<16xi32>
        %parallel_loop3A_586 = arith.sitofp %parallel_loop3A_585 : vector<16xi32> to vector<16xf32>
        %parallel_loop3A_587 = arith.mulf %parallel_loop3A_586, %parallel_loop3A_550 : vector<16xf32>
        %parallel_loop3A_588 = arith.index_cast %parallel_loop3A_534 : i32 to index
        %parallel_loop3A_589 = arith.constant 16 : index
        %parallel_loop3A_590 = tpu.vector_load %arg12[%parallel_loop3A_588, %parallel_loop3A_589] {strides = array<i32>} : memref<200x64xf32, #tpu.memory_space<vmem>>, vector<1x16xf32>,
        %parallel_loop3A_591 = vector.shape_cast %parallel_loop3A_590 : vector<1x16xf32> to vector<16xf32>
        %parallel_loop3A_592 = vector.shape_cast %parallel_loop3A_587 : vector<16xf32> to vector<1x16xf32>
        tpu.vector_store %arg12[%parallel_loop3A_588, %parallel_loop3A_589], %parallel_loop3A_592 {strides = array<i32>} : memref<200x64xf32, #tpu.memory_space<vmem>>, vector<1x16xf32>,
        %parallel_loop3A_593 = arith.constant 0 : i32
        %parallel_loop3A_594 = vector.broadcast %parallel_loop3A_593 : i32 to vector<16xi32>
        %parallel_loop3A_595 = arith.cmpi slt, %add3A_19, %parallel_loop3A_594 : vector<16xi32>
        %parallel_loop3A_596 = arith.constant 16 : i32
        %parallel_loop3A_597 = vector.broadcast %parallel_loop3A_596 : i32 to vector<16xi32>
        %parallel_loop3A_598 = arith.addi %add3A_19, %parallel_loop3A_597 : vector<16xi32>
        %parallel_loop3A_599 = arith.select %parallel_loop3A_595, %parallel_loop3A_598, %add3A_19 : vector<16xi1>, vector<16xi32>
        %parallel_loop3A_600 = vector.shape_cast %parallel_loop3A_599 : vector<16xi32> to vector<16x1xi32>
        %parallel_loop3A_601 = vector.shape_cast %parallel_loop3A_600 : vector<16x1xi32> to vector<16xi32>
        %parallel_loop3A_602 = tpu.dynamic_gather %parallel_loop3A_538[%parallel_loop3A_601] in [0] : vector<16xi32>, vector<16xi32> -> vector<16xi32>
        %parallel_loop3A_603 = arith.shli %parallel_loop3A_602, %sub3A_32 : vector<16xi32>
        %parallel_loop3A_604 = arith.constant 24 : i32
        %parallel_loop3A_605 = vector.broadcast %parallel_loop3A_604 : i32 to vector<16xi32>
        %parallel_loop3A_606 = arith.shrsi %parallel_loop3A_603, %parallel_loop3A_605 : vector<16xi32>
        %parallel_loop3A_607 = arith.sitofp %parallel_loop3A_606 : vector<16xi32> to vector<16xf32>
        %parallel_loop3A_608 = arith.mulf %parallel_loop3A_607, %parallel_loop3A_550 : vector<16xf32>
        %parallel_loop3A_609 = arith.index_cast %parallel_loop3A_534 : i32 to index
        %parallel_loop3A_610 = arith.constant 32 : index
        %parallel_loop3A_611 = tpu.vector_load %arg12[%parallel_loop3A_609, %parallel_loop3A_610] {strides = array<i32>} : memref<200x64xf32, #tpu.memory_space<vmem>>, vector<1x16xf32>,
        %parallel_loop3A_612 = vector.shape_cast %parallel_loop3A_611 : vector<1x16xf32> to vector<16xf32>
        %parallel_loop3A_613 = vector.shape_cast %parallel_loop3A_608 : vector<16xf32> to vector<1x16xf32>
        tpu.vector_store %arg12[%parallel_loop3A_609, %parallel_loop3A_610], %parallel_loop3A_613 {strides = array<i32>} : memref<200x64xf32, #tpu.memory_space<vmem>>, vector<1x16xf32>,
        %parallel_loop3A_614 = arith.constant 0 : i32
        %parallel_loop3A_615 = vector.broadcast %parallel_loop3A_614 : i32 to vector<16xi32>
        %parallel_loop3A_616 = arith.cmpi slt, %add3A_25, %parallel_loop3A_615 : vector<16xi32>
        %parallel_loop3A_617 = arith.constant 16 : i32
        %parallel_loop3A_618 = vector.broadcast %parallel_loop3A_617 : i32 to vector<16xi32>
        %parallel_loop3A_619 = arith.addi %add3A_25, %parallel_loop3A_618 : vector<16xi32>
        %parallel_loop3A_620 = arith.select %parallel_loop3A_616, %parallel_loop3A_619, %add3A_25 : vector<16xi1>, vector<16xi32>
        %parallel_loop3A_621 = vector.shape_cast %parallel_loop3A_620 : vector<16xi32> to vector<16x1xi32>
        %parallel_loop3A_622 = vector.shape_cast %parallel_loop3A_621 : vector<16x1xi32> to vector<16xi32>
        %parallel_loop3A_623 = tpu.dynamic_gather %parallel_loop3A_538[%parallel_loop3A_622] in [0] : vector<16xi32>, vector<16xi32> -> vector<16xi32>
        %parallel_loop3A_624 = arith.shli %parallel_loop3A_623, %sub3A_32 : vector<16xi32>
        %parallel_loop3A_625 = arith.constant 24 : i32
        %parallel_loop3A_626 = vector.broadcast %parallel_loop3A_625 : i32 to vector<16xi32>
        %parallel_loop3A_627 = arith.shrsi %parallel_loop3A_624, %parallel_loop3A_626 : vector<16xi32>
        %parallel_loop3A_628 = arith.sitofp %parallel_loop3A_627 : vector<16xi32> to vector<16xf32>
        %parallel_loop3A_629 = arith.mulf %parallel_loop3A_628, %parallel_loop3A_550 : vector<16xf32>
        %parallel_loop3A_630 = arith.index_cast %parallel_loop3A_534 : i32 to index
        %parallel_loop3A_631 = arith.constant 48 : index
        %parallel_loop3A_632 = tpu.vector_load %arg12[%parallel_loop3A_630, %parallel_loop3A_631] {strides = array<i32>} : memref<200x64xf32, #tpu.memory_space<vmem>>, vector<1x16xf32>,
        %parallel_loop3A_633 = vector.shape_cast %parallel_loop3A_632 : vector<1x16xf32> to vector<16xf32>
        %parallel_loop3A_634 = vector.shape_cast %parallel_loop3A_629 : vector<16xf32> to vector<1x16xf32>
        tpu.vector_store %arg12[%parallel_loop3A_630, %parallel_loop3A_631], %parallel_loop3A_634 {strides = array<i32>} : memref<200x64xf32, #tpu.memory_space<vmem>>, vector<1x16xf32>,
        %parallel_loop3A_635 = arith.constant 5 : i32
        %parallel_loop3A_636 = arith.addi %parallel_loop3A_121, %parallel_loop3A_635 : i32
        %parallel_loop3A_637 = arith.index_cast %parallel_loop3A_636 : i32 to index
        %parallel_loop3A_638 = arith.constant 0 : index
        %parallel_loop3A_639 = tpu.vector_load %arg8[%parallel_loop3A_637, %parallel_loop3A_638] {strides = array<i32>} : memref<200x16xi32, #tpu.memory_space<vmem>>, vector<1x16xi32>,
        %parallel_loop3A_640 = vector.shape_cast %parallel_loop3A_639 : vector<1x16xi32> to vector<16xi32>
        %parallel_loop3A_641 = arith.constant 5 : i32
        %parallel_loop3A_642 = vector.broadcast %parallel_loop3A_641 : i32 to vector<16xi32>
        %parallel_loop3A_643 = arith.constant 0 : i32
        %parallel_loop3A_644 = vector.broadcast %parallel_loop3A_643 : i32 to vector<16xi32>
        %parallel_loop3A_645 = arith.cmpi slt, %parallel_loop3A_642, %parallel_loop3A_644 : vector<16xi32>
        %parallel_loop3A_646 = arith.constant 16 : i32
        %parallel_loop3A_647 = vector.broadcast %parallel_loop3A_646 : i32 to vector<16xi32>
        %parallel_loop3A_648 = arith.addi %parallel_loop3A_642, %parallel_loop3A_647 : vector<16xi32>
        %parallel_loop3A_649 = arith.select %parallel_loop3A_645, %parallel_loop3A_648, %parallel_loop3A_642 : vector<16xi1>, vector<16xi32>
        %parallel_loop3A_650 = vector.shape_cast %parallel_loop3A_649 : vector<16xi32> to vector<16x1xi32>
        %parallel_loop3A_651 = vector.shape_cast %parallel_loop3A_650 : vector<16x1xi32> to vector<16xi32>
        %parallel_loop3A_652 = tpu.dynamic_gather %parallel_loop3A_124[%parallel_loop3A_651] in [0] : vector<16xf32>, vector<16xi32> -> vector<16xf32>
        %parallel_loop3A_653 = arith.constant 0 : i32
        %parallel_loop3A_654 = vector.broadcast %parallel_loop3A_653 : i32 to vector<16xi32>
        %parallel_loop3A_655 = arith.cmpi slt, %add3A_7, %parallel_loop3A_654 : vector<16xi32>
        %parallel_loop3A_656 = arith.constant 16 : i32
        %parallel_loop3A_657 = vector.broadcast %parallel_loop3A_656 : i32 to vector<16xi32>
        %parallel_loop3A_658 = arith.addi %add3A_7, %parallel_loop3A_657 : vector<16xi32>
        %parallel_loop3A_659 = arith.select %parallel_loop3A_655, %parallel_loop3A_658, %add3A_7 : vector<16xi1>, vector<16xi32>
        %parallel_loop3A_660 = vector.shape_cast %parallel_loop3A_659 : vector<16xi32> to vector<16x1xi32>
        %parallel_loop3A_661 = vector.shape_cast %parallel_loop3A_660 : vector<16x1xi32> to vector<16xi32>
        %parallel_loop3A_662 = tpu.dynamic_gather %parallel_loop3A_640[%parallel_loop3A_661] in [0] : vector<16xi32>, vector<16xi32> -> vector<16xi32>
        %parallel_loop3A_663 = arith.shli %parallel_loop3A_662, %sub3A_32 : vector<16xi32>
        %parallel_loop3A_664 = arith.constant 24 : i32
        %parallel_loop3A_665 = vector.broadcast %parallel_loop3A_664 : i32 to vector<16xi32>
        %parallel_loop3A_666 = arith.shrsi %parallel_loop3A_663, %parallel_loop3A_665 : vector<16xi32>
        %parallel_loop3A_667 = arith.sitofp %parallel_loop3A_666 : vector<16xi32> to vector<16xf32>
        %parallel_loop3A_668 = arith.mulf %parallel_loop3A_667, %parallel_loop3A_652 : vector<16xf32>
        %parallel_loop3A_669 = arith.index_cast %parallel_loop3A_636 : i32 to index
        %parallel_loop3A_670 = arith.constant 0 : index
        %parallel_loop3A_671 = tpu.vector_load %arg12[%parallel_loop3A_669, %parallel_loop3A_670] {strides = array<i32>} : memref<200x64xf32, #tpu.memory_space<vmem>>, vector<1x16xf32>,
        %parallel_loop3A_672 = vector.shape_cast %parallel_loop3A_671 : vector<1x16xf32> to vector<16xf32>
        %parallel_loop3A_673 = vector.shape_cast %parallel_loop3A_668 : vector<16xf32> to vector<1x16xf32>
        tpu.vector_store %arg12[%parallel_loop3A_669, %parallel_loop3A_670], %parallel_loop3A_673 {strides = array<i32>} : memref<200x64xf32, #tpu.memory_space<vmem>>, vector<1x16xf32>,
        %parallel_loop3A_674 = arith.constant 0 : i32
        %parallel_loop3A_675 = vector.broadcast %parallel_loop3A_674 : i32 to vector<16xi32>
        %parallel_loop3A_676 = arith.cmpi slt, %add3A_13, %parallel_loop3A_675 : vector<16xi32>
        %parallel_loop3A_677 = arith.constant 16 : i32
        %parallel_loop3A_678 = vector.broadcast %parallel_loop3A_677 : i32 to vector<16xi32>
        %parallel_loop3A_679 = arith.addi %add3A_13, %parallel_loop3A_678 : vector<16xi32>
        %parallel_loop3A_680 = arith.select %parallel_loop3A_676, %parallel_loop3A_679, %add3A_13 : vector<16xi1>, vector<16xi32>
        %parallel_loop3A_681 = vector.shape_cast %parallel_loop3A_680 : vector<16xi32> to vector<16x1xi32>
        %parallel_loop3A_682 = vector.shape_cast %parallel_loop3A_681 : vector<16x1xi32> to vector<16xi32>
        %parallel_loop3A_683 = tpu.dynamic_gather %parallel_loop3A_640[%parallel_loop3A_682] in [0] : vector<16xi32>, vector<16xi32> -> vector<16xi32>
        %parallel_loop3A_684 = arith.shli %parallel_loop3A_683, %sub3A_32 : vector<16xi32>
        %parallel_loop3A_685 = arith.constant 24 : i32
        %parallel_loop3A_686 = vector.broadcast %parallel_loop3A_685 : i32 to vector<16xi32>
        %parallel_loop3A_687 = arith.shrsi %parallel_loop3A_684, %parallel_loop3A_686 : vector<16xi32>
        %parallel_loop3A_688 = arith.sitofp %parallel_loop3A_687 : vector<16xi32> to vector<16xf32>
        %parallel_loop3A_689 = arith.mulf %parallel_loop3A_688, %parallel_loop3A_652 : vector<16xf32>
        %parallel_loop3A_690 = arith.index_cast %parallel_loop3A_636 : i32 to index
        %parallel_loop3A_691 = arith.constant 16 : index
        %parallel_loop3A_692 = tpu.vector_load %arg12[%parallel_loop3A_690, %parallel_loop3A_691] {strides = array<i32>} : memref<200x64xf32, #tpu.memory_space<vmem>>, vector<1x16xf32>,
        %parallel_loop3A_693 = vector.shape_cast %parallel_loop3A_692 : vector<1x16xf32> to vector<16xf32>
        %parallel_loop3A_694 = vector.shape_cast %parallel_loop3A_689 : vector<16xf32> to vector<1x16xf32>
        tpu.vector_store %arg12[%parallel_loop3A_690, %parallel_loop3A_691], %parallel_loop3A_694 {strides = array<i32>} : memref<200x64xf32, #tpu.memory_space<vmem>>, vector<1x16xf32>,
        %parallel_loop3A_695 = arith.constant 0 : i32
        %parallel_loop3A_696 = vector.broadcast %parallel_loop3A_695 : i32 to vector<16xi32>
        %parallel_loop3A_697 = arith.cmpi slt, %add3A_19, %parallel_loop3A_696 : vector<16xi32>
        %parallel_loop3A_698 = arith.constant 16 : i32
        %parallel_loop3A_699 = vector.broadcast %parallel_loop3A_698 : i32 to vector<16xi32>
        %parallel_loop3A_700 = arith.addi %add3A_19, %parallel_loop3A_699 : vector<16xi32>
        %parallel_loop3A_701 = arith.select %parallel_loop3A_697, %parallel_loop3A_700, %add3A_19 : vector<16xi1>, vector<16xi32>
        %parallel_loop3A_702 = vector.shape_cast %parallel_loop3A_701 : vector<16xi32> to vector<16x1xi32>
        %parallel_loop3A_703 = vector.shape_cast %parallel_loop3A_702 : vector<16x1xi32> to vector<16xi32>
        %parallel_loop3A_704 = tpu.dynamic_gather %parallel_loop3A_640[%parallel_loop3A_703] in [0] : vector<16xi32>, vector<16xi32> -> vector<16xi32>
        %parallel_loop3A_705 = arith.shli %parallel_loop3A_704, %sub3A_32 : vector<16xi32>
        %parallel_loop3A_706 = arith.constant 24 : i32
        %parallel_loop3A_707 = vector.broadcast %parallel_loop3A_706 : i32 to vector<16xi32>
        %parallel_loop3A_708 = arith.shrsi %parallel_loop3A_705, %parallel_loop3A_707 : vector<16xi32>
        %parallel_loop3A_709 = arith.sitofp %parallel_loop3A_708 : vector<16xi32> to vector<16xf32>
        %parallel_loop3A_710 = arith.mulf %parallel_loop3A_709, %parallel_loop3A_652 : vector<16xf32>
        %parallel_loop3A_711 = arith.index_cast %parallel_loop3A_636 : i32 to index
        %parallel_loop3A_712 = arith.constant 32 : index
        %parallel_loop3A_713 = tpu.vector_load %arg12[%parallel_loop3A_711, %parallel_loop3A_712] {strides = array<i32>} : memref<200x64xf32, #tpu.memory_space<vmem>>, vector<1x16xf32>,
        %parallel_loop3A_714 = vector.shape_cast %parallel_loop3A_713 : vector<1x16xf32> to vector<16xf32>
        %parallel_loop3A_715 = vector.shape_cast %parallel_loop3A_710 : vector<16xf32> to vector<1x16xf32>
        tpu.vector_store %arg12[%parallel_loop3A_711, %parallel_loop3A_712], %parallel_loop3A_715 {strides = array<i32>} : memref<200x64xf32, #tpu.memory_space<vmem>>, vector<1x16xf32>,
        %parallel_loop3A_716 = arith.constant 0 : i32
        %parallel_loop3A_717 = vector.broadcast %parallel_loop3A_716 : i32 to vector<16xi32>
        %parallel_loop3A_718 = arith.cmpi slt, %add3A_25, %parallel_loop3A_717 : vector<16xi32>
        %parallel_loop3A_719 = arith.constant 16 : i32
        %parallel_loop3A_720 = vector.broadcast %parallel_loop3A_719 : i32 to vector<16xi32>
        %parallel_loop3A_721 = arith.addi %add3A_25, %parallel_loop3A_720 : vector<16xi32>
        %parallel_loop3A_722 = arith.select %parallel_loop3A_718, %parallel_loop3A_721, %add3A_25 : vector<16xi1>, vector<16xi32>
        %parallel_loop3A_723 = vector.shape_cast %parallel_loop3A_722 : vector<16xi32> to vector<16x1xi32>
        %parallel_loop3A_724 = vector.shape_cast %parallel_loop3A_723 : vector<16x1xi32> to vector<16xi32>
        %parallel_loop3A_725 = tpu.dynamic_gather %parallel_loop3A_640[%parallel_loop3A_724] in [0] : vector<16xi32>, vector<16xi32> -> vector<16xi32>
        %parallel_loop3A_726 = arith.shli %parallel_loop3A_725, %sub3A_32 : vector<16xi32>
        %parallel_loop3A_727 = arith.constant 24 : i32
        %parallel_loop3A_728 = vector.broadcast %parallel_loop3A_727 : i32 to vector<16xi32>
        %parallel_loop3A_729 = arith.shrsi %parallel_loop3A_726, %parallel_loop3A_728 : vector<16xi32>
        %parallel_loop3A_730 = arith.sitofp %parallel_loop3A_729 : vector<16xi32> to vector<16xf32>
        %parallel_loop3A_731 = arith.mulf %parallel_loop3A_730, %parallel_loop3A_652 : vector<16xf32>
        %parallel_loop3A_732 = arith.index_cast %parallel_loop3A_636 : i32 to index
        %parallel_loop3A_733 = arith.constant 48 : index
        %parallel_loop3A_734 = tpu.vector_load %arg12[%parallel_loop3A_732, %parallel_loop3A_733] {strides = array<i32>} : memref<200x64xf32, #tpu.memory_space<vmem>>, vector<1x16xf32>,
        %parallel_loop3A_735 = vector.shape_cast %parallel_loop3A_734 : vector<1x16xf32> to vector<16xf32>
        %parallel_loop3A_736 = vector.shape_cast %parallel_loop3A_731 : vector<16xf32> to vector<1x16xf32>
        tpu.vector_store %arg12[%parallel_loop3A_732, %parallel_loop3A_733], %parallel_loop3A_736 {strides = array<i32>} : memref<200x64xf32, #tpu.memory_space<vmem>>, vector<1x16xf32>,
        %parallel_loop3A_737 = arith.constant 6 : i32
        %parallel_loop3A_738 = arith.addi %parallel_loop3A_121, %parallel_loop3A_737 : i32
        %parallel_loop3A_739 = arith.index_cast %parallel_loop3A_738 : i32 to index
        %parallel_loop3A_740 = arith.constant 0 : index
        %parallel_loop3A_741 = tpu.vector_load %arg8[%parallel_loop3A_739, %parallel_loop3A_740] {strides = array<i32>} : memref<200x16xi32, #tpu.memory_space<vmem>>, vector<1x16xi32>,
        %parallel_loop3A_742 = vector.shape_cast %parallel_loop3A_741 : vector<1x16xi32> to vector<16xi32>
        %parallel_loop3A_743 = arith.constant 6 : i32
        %parallel_loop3A_744 = vector.broadcast %parallel_loop3A_743 : i32 to vector<16xi32>
        %parallel_loop3A_745 = arith.constant 0 : i32
        %parallel_loop3A_746 = vector.broadcast %parallel_loop3A_745 : i32 to vector<16xi32>
        %parallel_loop3A_747 = arith.cmpi slt, %parallel_loop3A_744, %parallel_loop3A_746 : vector<16xi32>
        %parallel_loop3A_748 = arith.constant 16 : i32
        %parallel_loop3A_749 = vector.broadcast %parallel_loop3A_748 : i32 to vector<16xi32>
        %parallel_loop3A_750 = arith.addi %parallel_loop3A_744, %parallel_loop3A_749 : vector<16xi32>
        %parallel_loop3A_751 = arith.select %parallel_loop3A_747, %parallel_loop3A_750, %parallel_loop3A_744 : vector<16xi1>, vector<16xi32>
        %parallel_loop3A_752 = vector.shape_cast %parallel_loop3A_751 : vector<16xi32> to vector<16x1xi32>
        %parallel_loop3A_753 = vector.shape_cast %parallel_loop3A_752 : vector<16x1xi32> to vector<16xi32>
        %parallel_loop3A_754 = tpu.dynamic_gather %parallel_loop3A_124[%parallel_loop3A_753] in [0] : vector<16xf32>, vector<16xi32> -> vector<16xf32>
        %parallel_loop3A_755 = arith.constant 0 : i32
        %parallel_loop3A_756 = vector.broadcast %parallel_loop3A_755 : i32 to vector<16xi32>
        %parallel_loop3A_757 = arith.cmpi slt, %add3A_7, %parallel_loop3A_756 : vector<16xi32>
        %parallel_loop3A_758 = arith.constant 16 : i32
        %parallel_loop3A_759 = vector.broadcast %parallel_loop3A_758 : i32 to vector<16xi32>
        %parallel_loop3A_760 = arith.addi %add3A_7, %parallel_loop3A_759 : vector<16xi32>
        %parallel_loop3A_761 = arith.select %parallel_loop3A_757, %parallel_loop3A_760, %add3A_7 : vector<16xi1>, vector<16xi32>
        %parallel_loop3A_762 = vector.shape_cast %parallel_loop3A_761 : vector<16xi32> to vector<16x1xi32>
        %parallel_loop3A_763 = vector.shape_cast %parallel_loop3A_762 : vector<16x1xi32> to vector<16xi32>
        %parallel_loop3A_764 = tpu.dynamic_gather %parallel_loop3A_742[%parallel_loop3A_763] in [0] : vector<16xi32>, vector<16xi32> -> vector<16xi32>
        %parallel_loop3A_765 = arith.shli %parallel_loop3A_764, %sub3A_32 : vector<16xi32>
        %parallel_loop3A_766 = arith.constant 24 : i32
        %parallel_loop3A_767 = vector.broadcast %parallel_loop3A_766 : i32 to vector<16xi32>
        %parallel_loop3A_768 = arith.shrsi %parallel_loop3A_765, %parallel_loop3A_767 : vector<16xi32>
        %parallel_loop3A_769 = arith.sitofp %parallel_loop3A_768 : vector<16xi32> to vector<16xf32>
        %parallel_loop3A_770 = arith.mulf %parallel_loop3A_769, %parallel_loop3A_754 : vector<16xf32>
        %parallel_loop3A_771 = arith.index_cast %parallel_loop3A_738 : i32 to index
        %parallel_loop3A_772 = arith.constant 0 : index
        %parallel_loop3A_773 = tpu.vector_load %arg12[%parallel_loop3A_771, %parallel_loop3A_772] {strides = array<i32>} : memref<200x64xf32, #tpu.memory_space<vmem>>, vector<1x16xf32>,
        %parallel_loop3A_774 = vector.shape_cast %parallel_loop3A_773 : vector<1x16xf32> to vector<16xf32>
        %parallel_loop3A_775 = vector.shape_cast %parallel_loop3A_770 : vector<16xf32> to vector<1x16xf32>
        tpu.vector_store %arg12[%parallel_loop3A_771, %parallel_loop3A_772], %parallel_loop3A_775 {strides = array<i32>} : memref<200x64xf32, #tpu.memory_space<vmem>>, vector<1x16xf32>,
        %parallel_loop3A_776 = arith.constant 0 : i32
        %parallel_loop3A_777 = vector.broadcast %parallel_loop3A_776 : i32 to vector<16xi32>
        %parallel_loop3A_778 = arith.cmpi slt, %add3A_13, %parallel_loop3A_777 : vector<16xi32>
        %parallel_loop3A_779 = arith.constant 16 : i32
        %parallel_loop3A_780 = vector.broadcast %parallel_loop3A_779 : i32 to vector<16xi32>
        %parallel_loop3A_781 = arith.addi %add3A_13, %parallel_loop3A_780 : vector<16xi32>
        %parallel_loop3A_782 = arith.select %parallel_loop3A_778, %parallel_loop3A_781, %add3A_13 : vector<16xi1>, vector<16xi32>
        %parallel_loop3A_783 = vector.shape_cast %parallel_loop3A_782 : vector<16xi32> to vector<16x1xi32>
        %parallel_loop3A_784 = vector.shape_cast %parallel_loop3A_783 : vector<16x1xi32> to vector<16xi32>
        %parallel_loop3A_785 = tpu.dynamic_gather %parallel_loop3A_742[%parallel_loop3A_784] in [0] : vector<16xi32>, vector<16xi32> -> vector<16xi32>
        %parallel_loop3A_786 = arith.shli %parallel_loop3A_785, %sub3A_32 : vector<16xi32>
        %parallel_loop3A_787 = arith.constant 24 : i32
        %parallel_loop3A_788 = vector.broadcast %parallel_loop3A_787 : i32 to vector<16xi32>
        %parallel_loop3A_789 = arith.shrsi %parallel_loop3A_786, %parallel_loop3A_788 : vector<16xi32>
        %parallel_loop3A_790 = arith.sitofp %parallel_loop3A_789 : vector<16xi32> to vector<16xf32>
        %parallel_loop3A_791 = arith.mulf %parallel_loop3A_790, %parallel_loop3A_754 : vector<16xf32>
        %parallel_loop3A_792 = arith.index_cast %parallel_loop3A_738 : i32 to index
        %parallel_loop3A_793 = arith.constant 16 : index
        %parallel_loop3A_794 = tpu.vector_load %arg12[%parallel_loop3A_792, %parallel_loop3A_793] {strides = array<i32>} : memref<200x64xf32, #tpu.memory_space<vmem>>, vector<1x16xf32>,
        %parallel_loop3A_795 = vector.shape_cast %parallel_loop3A_794 : vector<1x16xf32> to vector<16xf32>
        %parallel_loop3A_796 = vector.shape_cast %parallel_loop3A_791 : vector<16xf32> to vector<1x16xf32>
        tpu.vector_store %arg12[%parallel_loop3A_792, %parallel_loop3A_793], %parallel_loop3A_796 {strides = array<i32>} : memref<200x64xf32, #tpu.memory_space<vmem>>, vector<1x16xf32>,
        %parallel_loop3A_797 = arith.constant 0 : i32
        %parallel_loop3A_798 = vector.broadcast %parallel_loop3A_797 : i32 to vector<16xi32>
        %parallel_loop3A_799 = arith.cmpi slt, %add3A_19, %parallel_loop3A_798 : vector<16xi32>
        %parallel_loop3A_800 = arith.constant 16 : i32
        %parallel_loop3A_801 = vector.broadcast %parallel_loop3A_800 : i32 to vector<16xi32>
        %parallel_loop3A_802 = arith.addi %add3A_19, %parallel_loop3A_801 : vector<16xi32>
        %parallel_loop3A_803 = arith.select %parallel_loop3A_799, %parallel_loop3A_802, %add3A_19 : vector<16xi1>, vector<16xi32>
        %parallel_loop3A_804 = vector.shape_cast %parallel_loop3A_803 : vector<16xi32> to vector<16x1xi32>
        %parallel_loop3A_805 = vector.shape_cast %parallel_loop3A_804 : vector<16x1xi32> to vector<16xi32>
        %parallel_loop3A_806 = tpu.dynamic_gather %parallel_loop3A_742[%parallel_loop3A_805] in [0] : vector<16xi32>, vector<16xi32> -> vector<16xi32>
        %parallel_loop3A_807 = arith.shli %parallel_loop3A_806, %sub3A_32 : vector<16xi32>
        %parallel_loop3A_808 = arith.constant 24 : i32
        %parallel_loop3A_809 = vector.broadcast %parallel_loop3A_808 : i32 to vector<16xi32>
        %parallel_loop3A_810 = arith.shrsi %parallel_loop3A_807, %parallel_loop3A_809 : vector<16xi32>
        %parallel_loop3A_811 = arith.sitofp %parallel_loop3A_810 : vector<16xi32> to vector<16xf32>
        %parallel_loop3A_812 = arith.mulf %parallel_loop3A_811, %parallel_loop3A_754 : vector<16xf32>
        %parallel_loop3A_813 = arith.index_cast %parallel_loop3A_738 : i32 to index
        %parallel_loop3A_814 = arith.constant 32 : index
        %parallel_loop3A_815 = tpu.vector_load %arg12[%parallel_loop3A_813, %parallel_loop3A_814] {strides = array<i32>} : memref<200x64xf32, #tpu.memory_space<vmem>>, vector<1x16xf32>,
        %parallel_loop3A_816 = vector.shape_cast %parallel_loop3A_815 : vector<1x16xf32> to vector<16xf32>
        %parallel_loop3A_817 = vector.shape_cast %parallel_loop3A_812 : vector<16xf32> to vector<1x16xf32>
        tpu.vector_store %arg12[%parallel_loop3A_813, %parallel_loop3A_814], %parallel_loop3A_817 {strides = array<i32>} : memref<200x64xf32, #tpu.memory_space<vmem>>, vector<1x16xf32>,
        %parallel_loop3A_818 = arith.constant 0 : i32
        %parallel_loop3A_819 = vector.broadcast %parallel_loop3A_818 : i32 to vector<16xi32>
        %parallel_loop3A_820 = arith.cmpi slt, %add3A_25, %parallel_loop3A_819 : vector<16xi32>
        %parallel_loop3A_821 = arith.constant 16 : i32
        %parallel_loop3A_822 = vector.broadcast %parallel_loop3A_821 : i32 to vector<16xi32>
        %parallel_loop3A_823 = arith.addi %add3A_25, %parallel_loop3A_822 : vector<16xi32>
        %parallel_loop3A_824 = arith.select %parallel_loop3A_820, %parallel_loop3A_823, %add3A_25 : vector<16xi1>, vector<16xi32>
        %parallel_loop3A_825 = vector.shape_cast %parallel_loop3A_824 : vector<16xi32> to vector<16x1xi32>
        %parallel_loop3A_826 = vector.shape_cast %parallel_loop3A_825 : vector<16x1xi32> to vector<16xi32>
        %parallel_loop3A_827 = tpu.dynamic_gather %parallel_loop3A_742[%parallel_loop3A_826] in [0] : vector<16xi32>, vector<16xi32> -> vector<16xi32>
        %parallel_loop3A_828 = arith.shli %parallel_loop3A_827, %sub3A_32 : vector<16xi32>
        %parallel_loop3A_829 = arith.constant 24 : i32
        %parallel_loop3A_830 = vector.broadcast %parallel_loop3A_829 : i32 to vector<16xi32>
        %parallel_loop3A_831 = arith.shrsi %parallel_loop3A_828, %parallel_loop3A_830 : vector<16xi32>
        %parallel_loop3A_832 = arith.sitofp %parallel_loop3A_831 : vector<16xi32> to vector<16xf32>
        %parallel_loop3A_833 = arith.mulf %parallel_loop3A_832, %parallel_loop3A_754 : vector<16xf32>
        %parallel_loop3A_834 = arith.index_cast %parallel_loop3A_738 : i32 to index
        %parallel_loop3A_835 = arith.constant 48 : index
        %parallel_loop3A_836 = tpu.vector_load %arg12[%parallel_loop3A_834, %parallel_loop3A_835] {strides = array<i32>} : memref<200x64xf32, #tpu.memory_space<vmem>>, vector<1x16xf32>,
        %parallel_loop3A_837 = vector.shape_cast %parallel_loop3A_836 : vector<1x16xf32> to vector<16xf32>
        %parallel_loop3A_838 = vector.shape_cast %parallel_loop3A_833 : vector<16xf32> to vector<1x16xf32>
        tpu.vector_store %arg12[%parallel_loop3A_834, %parallel_loop3A_835], %parallel_loop3A_838 {strides = array<i32>} : memref<200x64xf32, #tpu.memory_space<vmem>>, vector<1x16xf32>,
        %parallel_loop3A_839 = arith.constant 7 : i32
        %parallel_loop3A_840 = arith.addi %parallel_loop3A_121, %parallel_loop3A_839 : i32
        %parallel_loop3A_841 = arith.index_cast %parallel_loop3A_840 : i32 to index
        %parallel_loop3A_842 = arith.constant 0 : index
        %parallel_loop3A_843 = tpu.vector_load %arg8[%parallel_loop3A_841, %parallel_loop3A_842] {strides = array<i32>} : memref<200x16xi32, #tpu.memory_space<vmem>>, vector<1x16xi32>,
        %parallel_loop3A_844 = vector.shape_cast %parallel_loop3A_843 : vector<1x16xi32> to vector<16xi32>
        %parallel_loop3A_845 = arith.constant 7 : i32
        %parallel_loop3A_846 = vector.broadcast %parallel_loop3A_845 : i32 to vector<16xi32>
        %parallel_loop3A_847 = arith.constant 0 : i32
        %parallel_loop3A_848 = vector.broadcast %parallel_loop3A_847 : i32 to vector<16xi32>
        %parallel_loop3A_849 = arith.cmpi slt, %parallel_loop3A_846, %parallel_loop3A_848 : vector<16xi32>
        %parallel_loop3A_850 = arith.constant 16 : i32
        %parallel_loop3A_851 = vector.broadcast %parallel_loop3A_850 : i32 to vector<16xi32>
        %parallel_loop3A_852 = arith.addi %parallel_loop3A_846, %parallel_loop3A_851 : vector<16xi32>
        %parallel_loop3A_853 = arith.select %parallel_loop3A_849, %parallel_loop3A_852, %parallel_loop3A_846 : vector<16xi1>, vector<16xi32>
        %parallel_loop3A_854 = vector.shape_cast %parallel_loop3A_853 : vector<16xi32> to vector<16x1xi32>
        %parallel_loop3A_855 = vector.shape_cast %parallel_loop3A_854 : vector<16x1xi32> to vector<16xi32>
        %parallel_loop3A_856 = tpu.dynamic_gather %parallel_loop3A_124[%parallel_loop3A_855] in [0] : vector<16xf32>, vector<16xi32> -> vector<16xf32>
        %parallel_loop3A_857 = arith.constant 0 : i32
        %parallel_loop3A_858 = vector.broadcast %parallel_loop3A_857 : i32 to vector<16xi32>
        %parallel_loop3A_859 = arith.cmpi slt, %add3A_7, %parallel_loop3A_858 : vector<16xi32>
        %parallel_loop3A_860 = arith.constant 16 : i32
        %parallel_loop3A_861 = vector.broadcast %parallel_loop3A_860 : i32 to vector<16xi32>
        %parallel_loop3A_862 = arith.addi %add3A_7, %parallel_loop3A_861 : vector<16xi32>
        %parallel_loop3A_863 = arith.select %parallel_loop3A_859, %parallel_loop3A_862, %add3A_7 : vector<16xi1>, vector<16xi32>
        %parallel_loop3A_864 = vector.shape_cast %parallel_loop3A_863 : vector<16xi32> to vector<16x1xi32>
        %parallel_loop3A_865 = vector.shape_cast %parallel_loop3A_864 : vector<16x1xi32> to vector<16xi32>
        %parallel_loop3A_866 = tpu.dynamic_gather %parallel_loop3A_844[%parallel_loop3A_865] in [0] : vector<16xi32>, vector<16xi32> -> vector<16xi32>
        %parallel_loop3A_867 = arith.shli %parallel_loop3A_866, %sub3A_32 : vector<16xi32>
        %parallel_loop3A_868 = arith.constant 24 : i32
        %parallel_loop3A_869 = vector.broadcast %parallel_loop3A_868 : i32 to vector<16xi32>
        %parallel_loop3A_870 = arith.shrsi %parallel_loop3A_867, %parallel_loop3A_869 : vector<16xi32>
        %parallel_loop3A_871 = arith.sitofp %parallel_loop3A_870 : vector<16xi32> to vector<16xf32>
        %parallel_loop3A_872 = arith.mulf %parallel_loop3A_871, %parallel_loop3A_856 : vector<16xf32>
        %parallel_loop3A_873 = arith.index_cast %parallel_loop3A_840 : i32 to index
        %parallel_loop3A_874 = arith.constant 0 : index
        %parallel_loop3A_875 = tpu.vector_load %arg12[%parallel_loop3A_873, %parallel_loop3A_874] {strides = array<i32>} : memref<200x64xf32, #tpu.memory_space<vmem>>, vector<1x16xf32>,
        %parallel_loop3A_876 = vector.shape_cast %parallel_loop3A_875 : vector<1x16xf32> to vector<16xf32>
        %parallel_loop3A_877 = vector.shape_cast %parallel_loop3A_872 : vector<16xf32> to vector<1x16xf32>
        tpu.vector_store %arg12[%parallel_loop3A_873, %parallel_loop3A_874], %parallel_loop3A_877 {strides = array<i32>} : memref<200x64xf32, #tpu.memory_space<vmem>>, vector<1x16xf32>,
        %parallel_loop3A_878 = arith.constant 0 : i32
        %parallel_loop3A_879 = vector.broadcast %parallel_loop3A_878 : i32 to vector<16xi32>
        %parallel_loop3A_880 = arith.cmpi slt, %add3A_13, %parallel_loop3A_879 : vector<16xi32>
        %parallel_loop3A_881 = arith.constant 16 : i32
        %parallel_loop3A_882 = vector.broadcast %parallel_loop3A_881 : i32 to vector<16xi32>
        %parallel_loop3A_883 = arith.addi %add3A_13, %parallel_loop3A_882 : vector<16xi32>
        %parallel_loop3A_884 = arith.select %parallel_loop3A_880, %parallel_loop3A_883, %add3A_13 : vector<16xi1>, vector<16xi32>
        %parallel_loop3A_885 = vector.shape_cast %parallel_loop3A_884 : vector<16xi32> to vector<16x1xi32>
        %parallel_loop3A_886 = vector.shape_cast %parallel_loop3A_885 : vector<16x1xi32> to vector<16xi32>
        %parallel_loop3A_887 = tpu.dynamic_gather %parallel_loop3A_844[%parallel_loop3A_886] in [0] : vector<16xi32>, vector<16xi32> -> vector<16xi32>
        %parallel_loop3A_888 = arith.shli %parallel_loop3A_887, %sub3A_32 : vector<16xi32>
        %parallel_loop3A_889 = arith.constant 24 : i32
        %parallel_loop3A_890 = vector.broadcast %parallel_loop3A_889 : i32 to vector<16xi32>
        %parallel_loop3A_891 = arith.shrsi %parallel_loop3A_888, %parallel_loop3A_890 : vector<16xi32>
        %parallel_loop3A_892 = arith.sitofp %parallel_loop3A_891 : vector<16xi32> to vector<16xf32>
        %parallel_loop3A_893 = arith.mulf %parallel_loop3A_892, %parallel_loop3A_856 : vector<16xf32>
        %parallel_loop3A_894 = arith.index_cast %parallel_loop3A_840 : i32 to index
        %parallel_loop3A_895 = arith.constant 16 : index
        %parallel_loop3A_896 = tpu.vector_load %arg12[%parallel_loop3A_894, %parallel_loop3A_895] {strides = array<i32>} : memref<200x64xf32, #tpu.memory_space<vmem>>, vector<1x16xf32>,
        %parallel_loop3A_897 = vector.shape_cast %parallel_loop3A_896 : vector<1x16xf32> to vector<16xf32>
        %parallel_loop3A_898 = vector.shape_cast %parallel_loop3A_893 : vector<16xf32> to vector<1x16xf32>
        tpu.vector_store %arg12[%parallel_loop3A_894, %parallel_loop3A_895], %parallel_loop3A_898 {strides = array<i32>} : memref<200x64xf32, #tpu.memory_space<vmem>>, vector<1x16xf32>,
        %parallel_loop3A_899 = arith.constant 0 : i32
        %parallel_loop3A_900 = vector.broadcast %parallel_loop3A_899 : i32 to vector<16xi32>
        %parallel_loop3A_901 = arith.cmpi slt, %add3A_19, %parallel_loop3A_900 : vector<16xi32>
        %parallel_loop3A_902 = arith.constant 16 : i32
        %parallel_loop3A_903 = vector.broadcast %parallel_loop3A_902 : i32 to vector<16xi32>
        %parallel_loop3A_904 = arith.addi %add3A_19, %parallel_loop3A_903 : vector<16xi32>
        %parallel_loop3A_905 = arith.select %parallel_loop3A_901, %parallel_loop3A_904, %add3A_19 : vector<16xi1>, vector<16xi32>
        %parallel_loop3A_906 = vector.shape_cast %parallel_loop3A_905 : vector<16xi32> to vector<16x1xi32>
        %parallel_loop3A_907 = vector.shape_cast %parallel_loop3A_906 : vector<16x1xi32> to vector<16xi32>
        %parallel_loop3A_908 = tpu.dynamic_gather %parallel_loop3A_844[%parallel_loop3A_907] in [0] : vector<16xi32>, vector<16xi32> -> vector<16xi32>
        %parallel_loop3A_909 = arith.shli %parallel_loop3A_908, %sub3A_32 : vector<16xi32>
        %parallel_loop3A_910 = arith.constant 24 : i32
        %parallel_loop3A_911 = vector.broadcast %parallel_loop3A_910 : i32 to vector<16xi32>
        %parallel_loop3A_912 = arith.shrsi %parallel_loop3A_909, %parallel_loop3A_911 : vector<16xi32>
        %parallel_loop3A_913 = arith.sitofp %parallel_loop3A_912 : vector<16xi32> to vector<16xf32>
        %parallel_loop3A_914 = arith.mulf %parallel_loop3A_913, %parallel_loop3A_856 : vector<16xf32>
        %parallel_loop3A_915 = arith.index_cast %parallel_loop3A_840 : i32 to index
        %parallel_loop3A_916 = arith.constant 32 : index
        %parallel_loop3A_917 = tpu.vector_load %arg12[%parallel_loop3A_915, %parallel_loop3A_916] {strides = array<i32>} : memref<200x64xf32, #tpu.memory_space<vmem>>, vector<1x16xf32>,
        %parallel_loop3A_918 = vector.shape_cast %parallel_loop3A_917 : vector<1x16xf32> to vector<16xf32>
        %parallel_loop3A_919 = vector.shape_cast %parallel_loop3A_914 : vector<16xf32> to vector<1x16xf32>
        tpu.vector_store %arg12[%parallel_loop3A_915, %parallel_loop3A_916], %parallel_loop3A_919 {strides = array<i32>} : memref<200x64xf32, #tpu.memory_space<vmem>>, vector<1x16xf32>,
        %parallel_loop3A_920 = arith.constant 0 : i32
        %parallel_loop3A_921 = vector.broadcast %parallel_loop3A_920 : i32 to vector<16xi32>
        %parallel_loop3A_922 = arith.cmpi slt, %add3A_25, %parallel_loop3A_921 : vector<16xi32>
        %parallel_loop3A_923 = arith.constant 16 : i32
        %parallel_loop3A_924 = vector.broadcast %parallel_loop3A_923 : i32 to vector<16xi32>
        %parallel_loop3A_925 = arith.addi %add3A_25, %parallel_loop3A_924 : vector<16xi32>
        %parallel_loop3A_926 = arith.select %parallel_loop3A_922, %parallel_loop3A_925, %add3A_25 : vector<16xi1>, vector<16xi32>
        %parallel_loop3A_927 = vector.shape_cast %parallel_loop3A_926 : vector<16xi32> to vector<16x1xi32>
        %parallel_loop3A_928 = vector.shape_cast %parallel_loop3A_927 : vector<16x1xi32> to vector<16xi32>
        %parallel_loop3A_929 = tpu.dynamic_gather %parallel_loop3A_844[%parallel_loop3A_928] in [0] : vector<16xi32>, vector<16xi32> -> vector<16xi32>
        %parallel_loop3A_930 = arith.shli %parallel_loop3A_929, %sub3A_32 : vector<16xi32>
        %parallel_loop3A_931 = arith.constant 24 : i32
        %parallel_loop3A_932 = vector.broadcast %parallel_loop3A_931 : i32 to vector<16xi32>
        %parallel_loop3A_933 = arith.shrsi %parallel_loop3A_930, %parallel_loop3A_932 : vector<16xi32>
        %parallel_loop3A_934 = arith.sitofp %parallel_loop3A_933 : vector<16xi32> to vector<16xf32>
        %parallel_loop3A_935 = arith.mulf %parallel_loop3A_934, %parallel_loop3A_856 : vector<16xf32>
        %parallel_loop3A_936 = arith.index_cast %parallel_loop3A_840 : i32 to index
        %parallel_loop3A_937 = arith.constant 48 : index
        %parallel_loop3A_938 = tpu.vector_load %arg12[%parallel_loop3A_936, %parallel_loop3A_937] {strides = array<i32>} : memref<200x64xf32, #tpu.memory_space<vmem>>, vector<1x16xf32>,
        %parallel_loop3A_939 = vector.shape_cast %parallel_loop3A_938 : vector<1x16xf32> to vector<16xf32>
        %parallel_loop3A_940 = vector.shape_cast %parallel_loop3A_935 : vector<16xf32> to vector<1x16xf32>
        tpu.vector_store %arg12[%parallel_loop3A_936, %parallel_loop3A_937], %parallel_loop3A_940 {strides = array<i32>} : memref<200x64xf32, #tpu.memory_space<vmem>>, vector<1x16xf32>,
      } {sc.loop_unroll_factor = 1 : i64, sc.parallel_access}
      %add3A_82 = arith.addi %mul3A_2, %mul3A_59 : i32
      %mul3A_83 = arith.constant 200 : i32
      %mul3A_84 = arith.muli %add3A_82, %mul3A_83 : i32
      %dma_start3A_85 = arith.constant 0 : i32
      %dma_start3A_86 = tpu.memref_slice %arg5[%mul3A_84, %dma_start3A_85] : memref<819200x64xf32, #tpu.memory_space<hbm>> -> memref<200x64xf32, #tpu.memory_space<hbm>>
      %dma_start3A_87 = arith.constant 0 : i32
      %dma_start3A_88 = tpu.memref_slice %arg5[%mul3A_84, %dma_start3A_87] : memref<819200x64xf32, #tpu.memory_space<hbm>> -> memref<200x64xf32, #tpu.memory_space<hbm>>
      tpu.enqueue_dma source(%arg12 : memref<200x64xf32, #tpu.memory_space<vmem>>) target(%dma_start3A_88 : memref<200x64xf32, #tpu.memory_space<hbm>>) target_semaphore(%arg20 : memref<!tpu.dma_semaphore, #tpu.memory_space<semaphore_mem>>)
      %dma_wait3A_89 = arith.constant 0 : i32
      %dma_wait3A_90 = arith.constant 0 : i32
      %dma_wait3A_91 = tpu.memref_slice %arg3[%dma_wait3A_89, %dma_wait3A_90] : memref<1000000x16xi32, #tpu.memory_space<hbm>> -> memref<1000000x16xi32, #tpu.memory_space<hbm>>
      tpu.wait_indirect_dma semaphore(%arg17 : memref<!tpu.dma_semaphore, #tpu.memory_space<semaphore_mem>>) src(%dma_wait3A_91 : memref<1000000x16xi32, #tpu.memory_space<hbm>>) dst(%arg9 : memref<200x16xi32, #tpu.memory_space<vmem>>)
      %dma_wait3A_92 = arith.constant 0 : i32
      %dma_wait3A_93 = tpu.memref_slice %arg11[%dma_wait3A_92] : memref<208xf32, #tpu.memory_space<vmem>> -> memref<200xf32, #tpu.memory_space<vmem>>
      %dma_wait3A_94 = arith.constant 0 : i32
      %dma_wait3A_95 = tpu.memref_slice %arg4[%dma_wait3A_94] : memref<1000000xf32, #tpu.memory_space<hbm>> -> memref<1000000xf32, #tpu.memory_space<hbm>>
      tpu.wait_indirect_dma semaphore(%arg19 : memref<!tpu.dma_semaphore, #tpu.memory_space<semaphore_mem>>) src(%dma_wait3A_95 : memref<1000000xf32, #tpu.memory_space<hbm>>) dst(%dma_wait3A_93 : memref<200xf32, #tpu.memory_space<vmem>>)
      %convert_element_type3A_96 = arith.extui %lt3A_60 : i1 to i32
      %cond3A_97 = arith.constant 0 : i32
      %cond3A_98 = arith.cmpi ne, %convert_element_type3A_96, %cond3A_97 : i32
      scf.if %cond3A_98 {
        %add3A_119 = arith.constant 3 : i32
        %add3A_120 = arith.addi %mul3A_59, %add3A_119 : i32
        %add3A_121 = arith.addi %mul3A_2, %add3A_120 : i32
        %dma_start3A_122 = arith.constant 0 : i32
        %dma_start3A_123 = tpu.memref_slice %arg2[%add3A_121, %dma_start3A_122] : memref<4096x200xi32, #tpu.memory_space<hbm>> -> memref<1x200xi32, #tpu.memory_space<hbm>>
        %dma_start3A_124 = tpu.memref_squeeze %dma_start3A_123 : memref<1x200xi32, #tpu.memory_space<hbm>> -> memref<200xi32, #tpu.memory_space<hbm>>
        %dma_start3A_125 = arith.constant 0 : i32
        %dma_start3A_126 = tpu.memref_slice %arg2[%add3A_121, %dma_start3A_125] : memref<4096x200xi32, #tpu.memory_space<hbm>> -> memref<1x200xi32, #tpu.memory_space<hbm>>
        %dma_start3A_127 = tpu.memref_squeeze %dma_start3A_126 : memref<1x200xi32, #tpu.memory_space<hbm>> -> memref<200xi32, #tpu.memory_space<hbm>>
        tpu.enqueue_dma source(%dma_start3A_127 : memref<200xi32, #tpu.memory_space<hbm>>) target(%arg7 : memref<200xi32, #tpu.memory_space<vmem>>) target_semaphore(%arg15 : memref<!tpu.dma_semaphore, #tpu.memory_space<semaphore_mem>>)
      } else {
      }
      %ge3A_99 = arith.constant 1 : i32
      %ge3A_100 = arith.cmpi sge, %scan3A_57, %ge3A_99 : i32
      %convert_element_type3A_101 = arith.extui %ge3A_100 : i1 to i32
      %cond3A_102 = arith.constant 0 : i32
      %cond3A_103 = arith.cmpi ne, %convert_element_type3A_101, %cond3A_102 : i32
      scf.if %cond3A_103 {
        %dma_wait3A_119 = arith.constant 0 : i32
        %dma_wait3A_120 = arith.constant 0 : i32
        %dma_wait3A_121 = tpu.memref_slice %arg5[%dma_wait3A_119, %dma_wait3A_120] : memref<819200x64xf32, #tpu.memory_space<hbm>> -> memref<200x64xf32, #tpu.memory_space<hbm>>
        %dma_wait3A_122 = arith.constant 0 : i32
        %dma_wait3A_123 = arith.constant 0 : i32
        %dma_wait3A_124 = tpu.memref_slice %arg5[%dma_wait3A_122, %dma_wait3A_123] : memref<819200x64xf32, #tpu.memory_space<hbm>> -> memref<200x64xf32, #tpu.memory_space<hbm>>
        tpu.wait_dma2 semaphore(%arg21 : memref<!tpu.dma_semaphore, #tpu.memory_space<semaphore_mem>>) src(%arg13 : memref<200x64xf32, #tpu.memory_space<vmem>>) dst(%dma_wait3A_124 : memref<200x64xf32, #tpu.memory_space<hbm>>)
      } else {
      }
      %parallel_loop3A_104 = arith.constant 0 : i32
      %parallel_loop3A_105 = arith.constant 25 : i32
      %parallel_loop3A_106 = arith.constant 1 : i32
      scf.for %parallel_loop3A_119 = %parallel_loop3A_104 to %parallel_loop3A_105 step %parallel_loop3A_106  : i32 {
        %parallel_loop3A_120 = arith.constant 8 : i32
        %parallel_loop3A_121 = arith.muli %parallel_loop3A_119, %parallel_loop3A_120 : i32
        %parallel_loop3A_122 = arith.index_cast %parallel_loop3A_121 : i32 to index
        %parallel_loop3A_123 = tpu.vector_load %arg11[%parallel_loop3A_122] {strides = array<i32>} : memref<208xf32, #tpu.memory_space<vmem>>, vector<16xf32>,
        %parallel_loop3A_124 = vector.shape_cast %parallel_loop3A_123 : vector<16xf32> to vector<16xf32>
        %parallel_loop3A_125 = arith.constant 0 : i32
        %parallel_loop3A_126 = arith.addi %parallel_loop3A_121, %parallel_loop3A_125 : i32
        %parallel_loop3A_127 = arith.index_cast %parallel_loop3A_126 : i32 to index
        %parallel_loop3A_128 = arith.constant 0 : index
        %parallel_loop3A_129 = tpu.vector_load %arg9[%parallel_loop3A_127, %parallel_loop3A_128] {strides = array<i32>} : memref<200x16xi32, #tpu.memory_space<vmem>>, vector<1x16xi32>,
        %parallel_loop3A_130 = vector.shape_cast %parallel_loop3A_129 : vector<1x16xi32> to vector<16xi32>
        %parallel_loop3A_131 = arith.constant 0 : i32
        %parallel_loop3A_132 = vector.broadcast %parallel_loop3A_131 : i32 to vector<16xi32>
        %parallel_loop3A_133 = arith.constant 0 : i32
        %parallel_loop3A_134 = vector.broadcast %parallel_loop3A_133 : i32 to vector<16xi32>
        %parallel_loop3A_135 = arith.cmpi slt, %parallel_loop3A_132, %parallel_loop3A_134 : vector<16xi32>
        %parallel_loop3A_136 = arith.constant 16 : i32
        %parallel_loop3A_137 = vector.broadcast %parallel_loop3A_136 : i32 to vector<16xi32>
        %parallel_loop3A_138 = arith.addi %parallel_loop3A_132, %parallel_loop3A_137 : vector<16xi32>
        %parallel_loop3A_139 = arith.select %parallel_loop3A_135, %parallel_loop3A_138, %parallel_loop3A_132 : vector<16xi1>, vector<16xi32>
        %parallel_loop3A_140 = vector.shape_cast %parallel_loop3A_139 : vector<16xi32> to vector<16x1xi32>
        %parallel_loop3A_141 = vector.shape_cast %parallel_loop3A_140 : vector<16x1xi32> to vector<16xi32>
        %parallel_loop3A_142 = tpu.dynamic_gather %parallel_loop3A_124[%parallel_loop3A_141] in [0] : vector<16xf32>, vector<16xi32> -> vector<16xf32>
        %parallel_loop3A_143 = arith.constant 0 : i32
        %parallel_loop3A_144 = vector.broadcast %parallel_loop3A_143 : i32 to vector<16xi32>
        %parallel_loop3A_145 = arith.cmpi slt, %add3A_7, %parallel_loop3A_144 : vector<16xi32>
        %parallel_loop3A_146 = arith.constant 16 : i32
        %parallel_loop3A_147 = vector.broadcast %parallel_loop3A_146 : i32 to vector<16xi32>
        %parallel_loop3A_148 = arith.addi %add3A_7, %parallel_loop3A_147 : vector<16xi32>
        %parallel_loop3A_149 = arith.select %parallel_loop3A_145, %parallel_loop3A_148, %add3A_7 : vector<16xi1>, vector<16xi32>
        %parallel_loop3A_150 = vector.shape_cast %parallel_loop3A_149 : vector<16xi32> to vector<16x1xi32>
        %parallel_loop3A_151 = vector.shape_cast %parallel_loop3A_150 : vector<16x1xi32> to vector<16xi32>
        %parallel_loop3A_152 = tpu.dynamic_gather %parallel_loop3A_130[%parallel_loop3A_151] in [0] : vector<16xi32>, vector<16xi32> -> vector<16xi32>
        %parallel_loop3A_153 = arith.shli %parallel_loop3A_152, %sub3A_32 : vector<16xi32>
        %parallel_loop3A_154 = arith.constant 24 : i32
        %parallel_loop3A_155 = vector.broadcast %parallel_loop3A_154 : i32 to vector<16xi32>
        %parallel_loop3A_156 = arith.shrsi %parallel_loop3A_153, %parallel_loop3A_155 : vector<16xi32>
        %parallel_loop3A_157 = arith.sitofp %parallel_loop3A_156 : vector<16xi32> to vector<16xf32>
        %parallel_loop3A_158 = arith.mulf %parallel_loop3A_157, %parallel_loop3A_142 : vector<16xf32>
        %parallel_loop3A_159 = arith.index_cast %parallel_loop3A_126 : i32 to index
        %parallel_loop3A_160 = arith.constant 0 : index
        %parallel_loop3A_161 = tpu.vector_load %arg13[%parallel_loop3A_159, %parallel_loop3A_160] {strides = array<i32>} : memref<200x64xf32, #tpu.memory_space<vmem>>, vector<1x16xf32>,
        %parallel_loop3A_162 = vector.shape_cast %parallel_loop3A_161 : vector<1x16xf32> to vector<16xf32>
        %parallel_loop3A_163 = vector.shape_cast %parallel_loop3A_158 : vector<16xf32> to vector<1x16xf32>
        tpu.vector_store %arg13[%parallel_loop3A_159, %parallel_loop3A_160], %parallel_loop3A_163 {strides = array<i32>} : memref<200x64xf32, #tpu.memory_space<vmem>>, vector<1x16xf32>,
        %parallel_loop3A_164 = arith.constant 0 : i32
        %parallel_loop3A_165 = vector.broadcast %parallel_loop3A_164 : i32 to vector<16xi32>
        %parallel_loop3A_166 = arith.cmpi slt, %add3A_13, %parallel_loop3A_165 : vector<16xi32>
        %parallel_loop3A_167 = arith.constant 16 : i32
        %parallel_loop3A_168 = vector.broadcast %parallel_loop3A_167 : i32 to vector<16xi32>
        %parallel_loop3A_169 = arith.addi %add3A_13, %parallel_loop3A_168 : vector<16xi32>
        %parallel_loop3A_170 = arith.select %parallel_loop3A_166, %parallel_loop3A_169, %add3A_13 : vector<16xi1>, vector<16xi32>
        %parallel_loop3A_171 = vector.shape_cast %parallel_loop3A_170 : vector<16xi32> to vector<16x1xi32>
        %parallel_loop3A_172 = vector.shape_cast %parallel_loop3A_171 : vector<16x1xi32> to vector<16xi32>
        %parallel_loop3A_173 = tpu.dynamic_gather %parallel_loop3A_130[%parallel_loop3A_172] in [0] : vector<16xi32>, vector<16xi32> -> vector<16xi32>
        %parallel_loop3A_174 = arith.shli %parallel_loop3A_173, %sub3A_32 : vector<16xi32>
        %parallel_loop3A_175 = arith.constant 24 : i32
        %parallel_loop3A_176 = vector.broadcast %parallel_loop3A_175 : i32 to vector<16xi32>
        %parallel_loop3A_177 = arith.shrsi %parallel_loop3A_174, %parallel_loop3A_176 : vector<16xi32>
        %parallel_loop3A_178 = arith.sitofp %parallel_loop3A_177 : vector<16xi32> to vector<16xf32>
        %parallel_loop3A_179 = arith.mulf %parallel_loop3A_178, %parallel_loop3A_142 : vector<16xf32>
        %parallel_loop3A_180 = arith.index_cast %parallel_loop3A_126 : i32 to index
        %parallel_loop3A_181 = arith.constant 16 : index
        %parallel_loop3A_182 = tpu.vector_load %arg13[%parallel_loop3A_180, %parallel_loop3A_181] {strides = array<i32>} : memref<200x64xf32, #tpu.memory_space<vmem>>, vector<1x16xf32>,
        %parallel_loop3A_183 = vector.shape_cast %parallel_loop3A_182 : vector<1x16xf32> to vector<16xf32>
        %parallel_loop3A_184 = vector.shape_cast %parallel_loop3A_179 : vector<16xf32> to vector<1x16xf32>
        tpu.vector_store %arg13[%parallel_loop3A_180, %parallel_loop3A_181], %parallel_loop3A_184 {strides = array<i32>} : memref<200x64xf32, #tpu.memory_space<vmem>>, vector<1x16xf32>,
        %parallel_loop3A_185 = arith.constant 0 : i32
        %parallel_loop3A_186 = vector.broadcast %parallel_loop3A_185 : i32 to vector<16xi32>
        %parallel_loop3A_187 = arith.cmpi slt, %add3A_19, %parallel_loop3A_186 : vector<16xi32>
        %parallel_loop3A_188 = arith.constant 16 : i32
        %parallel_loop3A_189 = vector.broadcast %parallel_loop3A_188 : i32 to vector<16xi32>
        %parallel_loop3A_190 = arith.addi %add3A_19, %parallel_loop3A_189 : vector<16xi32>
        %parallel_loop3A_191 = arith.select %parallel_loop3A_187, %parallel_loop3A_190, %add3A_19 : vector<16xi1>, vector<16xi32>
        %parallel_loop3A_192 = vector.shape_cast %parallel_loop3A_191 : vector<16xi32> to vector<16x1xi32>
        %parallel_loop3A_193 = vector.shape_cast %parallel_loop3A_192 : vector<16x1xi32> to vector<16xi32>
        %parallel_loop3A_194 = tpu.dynamic_gather %parallel_loop3A_130[%parallel_loop3A_193] in [0] : vector<16xi32>, vector<16xi32> -> vector<16xi32>
        %parallel_loop3A_195 = arith.shli %parallel_loop3A_194, %sub3A_32 : vector<16xi32>
        %parallel_loop3A_196 = arith.constant 24 : i32
        %parallel_loop3A_197 = vector.broadcast %parallel_loop3A_196 : i32 to vector<16xi32>
        %parallel_loop3A_198 = arith.shrsi %parallel_loop3A_195, %parallel_loop3A_197 : vector<16xi32>
        %parallel_loop3A_199 = arith.sitofp %parallel_loop3A_198 : vector<16xi32> to vector<16xf32>
        %parallel_loop3A_200 = arith.mulf %parallel_loop3A_199, %parallel_loop3A_142 : vector<16xf32>
        %parallel_loop3A_201 = arith.index_cast %parallel_loop3A_126 : i32 to index
        %parallel_loop3A_202 = arith.constant 32 : index
        %parallel_loop3A_203 = tpu.vector_load %arg13[%parallel_loop3A_201, %parallel_loop3A_202] {strides = array<i32>} : memref<200x64xf32, #tpu.memory_space<vmem>>, vector<1x16xf32>,
        %parallel_loop3A_204 = vector.shape_cast %parallel_loop3A_203 : vector<1x16xf32> to vector<16xf32>
        %parallel_loop3A_205 = vector.shape_cast %parallel_loop3A_200 : vector<16xf32> to vector<1x16xf32>
        tpu.vector_store %arg13[%parallel_loop3A_201, %parallel_loop3A_202], %parallel_loop3A_205 {strides = array<i32>} : memref<200x64xf32, #tpu.memory_space<vmem>>, vector<1x16xf32>,
        %parallel_loop3A_206 = arith.constant 0 : i32
        %parallel_loop3A_207 = vector.broadcast %parallel_loop3A_206 : i32 to vector<16xi32>
        %parallel_loop3A_208 = arith.cmpi slt, %add3A_25, %parallel_loop3A_207 : vector<16xi32>
        %parallel_loop3A_209 = arith.constant 16 : i32
        %parallel_loop3A_210 = vector.broadcast %parallel_loop3A_209 : i32 to vector<16xi32>
        %parallel_loop3A_211 = arith.addi %add3A_25, %parallel_loop3A_210 : vector<16xi32>
        %parallel_loop3A_212 = arith.select %parallel_loop3A_208, %parallel_loop3A_211, %add3A_25 : vector<16xi1>, vector<16xi32>
        %parallel_loop3A_213 = vector.shape_cast %parallel_loop3A_212 : vector<16xi32> to vector<16x1xi32>
        %parallel_loop3A_214 = vector.shape_cast %parallel_loop3A_213 : vector<16x1xi32> to vector<16xi32>
        %parallel_loop3A_215 = tpu.dynamic_gather %parallel_loop3A_130[%parallel_loop3A_214] in [0] : vector<16xi32>, vector<16xi32> -> vector<16xi32>
        %parallel_loop3A_216 = arith.shli %parallel_loop3A_215, %sub3A_32 : vector<16xi32>
        %parallel_loop3A_217 = arith.constant 24 : i32
        %parallel_loop3A_218 = vector.broadcast %parallel_loop3A_217 : i32 to vector<16xi32>
        %parallel_loop3A_219 = arith.shrsi %parallel_loop3A_216, %parallel_loop3A_218 : vector<16xi32>
        %parallel_loop3A_220 = arith.sitofp %parallel_loop3A_219 : vector<16xi32> to vector<16xf32>
        %parallel_loop3A_221 = arith.mulf %parallel_loop3A_220, %parallel_loop3A_142 : vector<16xf32>
        %parallel_loop3A_222 = arith.index_cast %parallel_loop3A_126 : i32 to index
        %parallel_loop3A_223 = arith.constant 48 : index
        %parallel_loop3A_224 = tpu.vector_load %arg13[%parallel_loop3A_222, %parallel_loop3A_223] {strides = array<i32>} : memref<200x64xf32, #tpu.memory_space<vmem>>, vector<1x16xf32>,
        %parallel_loop3A_225 = vector.shape_cast %parallel_loop3A_224 : vector<1x16xf32> to vector<16xf32>
        %parallel_loop3A_226 = vector.shape_cast %parallel_loop3A_221 : vector<16xf32> to vector<1x16xf32>
        tpu.vector_store %arg13[%parallel_loop3A_222, %parallel_loop3A_223], %parallel_loop3A_226 {strides = array<i32>} : memref<200x64xf32, #tpu.memory_space<vmem>>, vector<1x16xf32>,
        %parallel_loop3A_227 = arith.constant 1 : i32
        %parallel_loop3A_228 = arith.addi %parallel_loop3A_121, %parallel_loop3A_227 : i32
        %parallel_loop3A_229 = arith.index_cast %parallel_loop3A_228 : i32 to index
        %parallel_loop3A_230 = arith.constant 0 : index
        %parallel_loop3A_231 = tpu.vector_load %arg9[%parallel_loop3A_229, %parallel_loop3A_230] {strides = array<i32>} : memref<200x16xi32, #tpu.memory_space<vmem>>, vector<1x16xi32>,
        %parallel_loop3A_232 = vector.shape_cast %parallel_loop3A_231 : vector<1x16xi32> to vector<16xi32>
        %parallel_loop3A_233 = arith.constant 1 : i32
        %parallel_loop3A_234 = vector.broadcast %parallel_loop3A_233 : i32 to vector<16xi32>
        %parallel_loop3A_235 = arith.constant 0 : i32
        %parallel_loop3A_236 = vector.broadcast %parallel_loop3A_235 : i32 to vector<16xi32>
        %parallel_loop3A_237 = arith.cmpi slt, %parallel_loop3A_234, %parallel_loop3A_236 : vector<16xi32>
        %parallel_loop3A_238 = arith.constant 16 : i32
        %parallel_loop3A_239 = vector.broadcast %parallel_loop3A_238 : i32 to vector<16xi32>
        %parallel_loop3A_240 = arith.addi %parallel_loop3A_234, %parallel_loop3A_239 : vector<16xi32>
        %parallel_loop3A_241 = arith.select %parallel_loop3A_237, %parallel_loop3A_240, %parallel_loop3A_234 : vector<16xi1>, vector<16xi32>
        %parallel_loop3A_242 = vector.shape_cast %parallel_loop3A_241 : vector<16xi32> to vector<16x1xi32>
        %parallel_loop3A_243 = vector.shape_cast %parallel_loop3A_242 : vector<16x1xi32> to vector<16xi32>
        %parallel_loop3A_244 = tpu.dynamic_gather %parallel_loop3A_124[%parallel_loop3A_243] in [0] : vector<16xf32>, vector<16xi32> -> vector<16xf32>
        %parallel_loop3A_245 = arith.constant 0 : i32
        %parallel_loop3A_246 = vector.broadcast %parallel_loop3A_245 : i32 to vector<16xi32>
        %parallel_loop3A_247 = arith.cmpi slt, %add3A_7, %parallel_loop3A_246 : vector<16xi32>
        %parallel_loop3A_248 = arith.constant 16 : i32
        %parallel_loop3A_249 = vector.broadcast %parallel_loop3A_248 : i32 to vector<16xi32>
        %parallel_loop3A_250 = arith.addi %add3A_7, %parallel_loop3A_249 : vector<16xi32>
        %parallel_loop3A_251 = arith.select %parallel_loop3A_247, %parallel_loop3A_250, %add3A_7 : vector<16xi1>, vector<16xi32>
        %parallel_loop3A_252 = vector.shape_cast %parallel_loop3A_251 : vector<16xi32> to vector<16x1xi32>
        %parallel_loop3A_253 = vector.shape_cast %parallel_loop3A_252 : vector<16x1xi32> to vector<16xi32>
        %parallel_loop3A_254 = tpu.dynamic_gather %parallel_loop3A_232[%parallel_loop3A_253] in [0] : vector<16xi32>, vector<16xi32> -> vector<16xi32>
        %parallel_loop3A_255 = arith.shli %parallel_loop3A_254, %sub3A_32 : vector<16xi32>
        %parallel_loop3A_256 = arith.constant 24 : i32
        %parallel_loop3A_257 = vector.broadcast %parallel_loop3A_256 : i32 to vector<16xi32>
        %parallel_loop3A_258 = arith.shrsi %parallel_loop3A_255, %parallel_loop3A_257 : vector<16xi32>
        %parallel_loop3A_259 = arith.sitofp %parallel_loop3A_258 : vector<16xi32> to vector<16xf32>
        %parallel_loop3A_260 = arith.mulf %parallel_loop3A_259, %parallel_loop3A_244 : vector<16xf32>
        %parallel_loop3A_261 = arith.index_cast %parallel_loop3A_228 : i32 to index
        %parallel_loop3A_262 = arith.constant 0 : index
        %parallel_loop3A_263 = tpu.vector_load %arg13[%parallel_loop3A_261, %parallel_loop3A_262] {strides = array<i32>} : memref<200x64xf32, #tpu.memory_space<vmem>>, vector<1x16xf32>,
        %parallel_loop3A_264 = vector.shape_cast %parallel_loop3A_263 : vector<1x16xf32> to vector<16xf32>
        %parallel_loop3A_265 = vector.shape_cast %parallel_loop3A_260 : vector<16xf32> to vector<1x16xf32>
        tpu.vector_store %arg13[%parallel_loop3A_261, %parallel_loop3A_262], %parallel_loop3A_265 {strides = array<i32>} : memref<200x64xf32, #tpu.memory_space<vmem>>, vector<1x16xf32>,
        %parallel_loop3A_266 = arith.constant 0 : i32
        %parallel_loop3A_267 = vector.broadcast %parallel_loop3A_266 : i32 to vector<16xi32>
        %parallel_loop3A_268 = arith.cmpi slt, %add3A_13, %parallel_loop3A_267 : vector<16xi32>
        %parallel_loop3A_269 = arith.constant 16 : i32
        %parallel_loop3A_270 = vector.broadcast %parallel_loop3A_269 : i32 to vector<16xi32>
        %parallel_loop3A_271 = arith.addi %add3A_13, %parallel_loop3A_270 : vector<16xi32>
        %parallel_loop3A_272 = arith.select %parallel_loop3A_268, %parallel_loop3A_271, %add3A_13 : vector<16xi1>, vector<16xi32>
        %parallel_loop3A_273 = vector.shape_cast %parallel_loop3A_272 : vector<16xi32> to vector<16x1xi32>
        %parallel_loop3A_274 = vector.shape_cast %parallel_loop3A_273 : vector<16x1xi32> to vector<16xi32>
        %parallel_loop3A_275 = tpu.dynamic_gather %parallel_loop3A_232[%parallel_loop3A_274] in [0] : vector<16xi32>, vector<16xi32> -> vector<16xi32>
        %parallel_loop3A_276 = arith.shli %parallel_loop3A_275, %sub3A_32 : vector<16xi32>
        %parallel_loop3A_277 = arith.constant 24 : i32
        %parallel_loop3A_278 = vector.broadcast %parallel_loop3A_277 : i32 to vector<16xi32>
        %parallel_loop3A_279 = arith.shrsi %parallel_loop3A_276, %parallel_loop3A_278 : vector<16xi32>
        %parallel_loop3A_280 = arith.sitofp %parallel_loop3A_279 : vector<16xi32> to vector<16xf32>
        %parallel_loop3A_281 = arith.mulf %parallel_loop3A_280, %parallel_loop3A_244 : vector<16xf32>
        %parallel_loop3A_282 = arith.index_cast %parallel_loop3A_228 : i32 to index
        %parallel_loop3A_283 = arith.constant 16 : index
        %parallel_loop3A_284 = tpu.vector_load %arg13[%parallel_loop3A_282, %parallel_loop3A_283] {strides = array<i32>} : memref<200x64xf32, #tpu.memory_space<vmem>>, vector<1x16xf32>,
        %parallel_loop3A_285 = vector.shape_cast %parallel_loop3A_284 : vector<1x16xf32> to vector<16xf32>
        %parallel_loop3A_286 = vector.shape_cast %parallel_loop3A_281 : vector<16xf32> to vector<1x16xf32>
        tpu.vector_store %arg13[%parallel_loop3A_282, %parallel_loop3A_283], %parallel_loop3A_286 {strides = array<i32>} : memref<200x64xf32, #tpu.memory_space<vmem>>, vector<1x16xf32>,
        %parallel_loop3A_287 = arith.constant 0 : i32
        %parallel_loop3A_288 = vector.broadcast %parallel_loop3A_287 : i32 to vector<16xi32>
        %parallel_loop3A_289 = arith.cmpi slt, %add3A_19, %parallel_loop3A_288 : vector<16xi32>
        %parallel_loop3A_290 = arith.constant 16 : i32
        %parallel_loop3A_291 = vector.broadcast %parallel_loop3A_290 : i32 to vector<16xi32>
        %parallel_loop3A_292 = arith.addi %add3A_19, %parallel_loop3A_291 : vector<16xi32>
        %parallel_loop3A_293 = arith.select %parallel_loop3A_289, %parallel_loop3A_292, %add3A_19 : vector<16xi1>, vector<16xi32>
        %parallel_loop3A_294 = vector.shape_cast %parallel_loop3A_293 : vector<16xi32> to vector<16x1xi32>
        %parallel_loop3A_295 = vector.shape_cast %parallel_loop3A_294 : vector<16x1xi32> to vector<16xi32>
        %parallel_loop3A_296 = tpu.dynamic_gather %parallel_loop3A_232[%parallel_loop3A_295] in [0] : vector<16xi32>, vector<16xi32> -> vector<16xi32>
        %parallel_loop3A_297 = arith.shli %parallel_loop3A_296, %sub3A_32 : vector<16xi32>
        %parallel_loop3A_298 = arith.constant 24 : i32
        %parallel_loop3A_299 = vector.broadcast %parallel_loop3A_298 : i32 to vector<16xi32>
        %parallel_loop3A_300 = arith.shrsi %parallel_loop3A_297, %parallel_loop3A_299 : vector<16xi32>
        %parallel_loop3A_301 = arith.sitofp %parallel_loop3A_300 : vector<16xi32> to vector<16xf32>
        %parallel_loop3A_302 = arith.mulf %parallel_loop3A_301, %parallel_loop3A_244 : vector<16xf32>
        %parallel_loop3A_303 = arith.index_cast %parallel_loop3A_228 : i32 to index
        %parallel_loop3A_304 = arith.constant 32 : index
        %parallel_loop3A_305 = tpu.vector_load %arg13[%parallel_loop3A_303, %parallel_loop3A_304] {strides = array<i32>} : memref<200x64xf32, #tpu.memory_space<vmem>>, vector<1x16xf32>,
        %parallel_loop3A_306 = vector.shape_cast %parallel_loop3A_305 : vector<1x16xf32> to vector<16xf32>
        %parallel_loop3A_307 = vector.shape_cast %parallel_loop3A_302 : vector<16xf32> to vector<1x16xf32>
        tpu.vector_store %arg13[%parallel_loop3A_303, %parallel_loop3A_304], %parallel_loop3A_307 {strides = array<i32>} : memref<200x64xf32, #tpu.memory_space<vmem>>, vector<1x16xf32>,
        %parallel_loop3A_308 = arith.constant 0 : i32
        %parallel_loop3A_309 = vector.broadcast %parallel_loop3A_308 : i32 to vector<16xi32>
        %parallel_loop3A_310 = arith.cmpi slt, %add3A_25, %parallel_loop3A_309 : vector<16xi32>
        %parallel_loop3A_311 = arith.constant 16 : i32
        %parallel_loop3A_312 = vector.broadcast %parallel_loop3A_311 : i32 to vector<16xi32>
        %parallel_loop3A_313 = arith.addi %add3A_25, %parallel_loop3A_312 : vector<16xi32>
        %parallel_loop3A_314 = arith.select %parallel_loop3A_310, %parallel_loop3A_313, %add3A_25 : vector<16xi1>, vector<16xi32>
        %parallel_loop3A_315 = vector.shape_cast %parallel_loop3A_314 : vector<16xi32> to vector<16x1xi32>
        %parallel_loop3A_316 = vector.shape_cast %parallel_loop3A_315 : vector<16x1xi32> to vector<16xi32>
        %parallel_loop3A_317 = tpu.dynamic_gather %parallel_loop3A_232[%parallel_loop3A_316] in [0] : vector<16xi32>, vector<16xi32> -> vector<16xi32>
        %parallel_loop3A_318 = arith.shli %parallel_loop3A_317, %sub3A_32 : vector<16xi32>
        %parallel_loop3A_319 = arith.constant 24 : i32
        %parallel_loop3A_320 = vector.broadcast %parallel_loop3A_319 : i32 to vector<16xi32>
        %parallel_loop3A_321 = arith.shrsi %parallel_loop3A_318, %parallel_loop3A_320 : vector<16xi32>
        %parallel_loop3A_322 = arith.sitofp %parallel_loop3A_321 : vector<16xi32> to vector<16xf32>
        %parallel_loop3A_323 = arith.mulf %parallel_loop3A_322, %parallel_loop3A_244 : vector<16xf32>
        %parallel_loop3A_324 = arith.index_cast %parallel_loop3A_228 : i32 to index
        %parallel_loop3A_325 = arith.constant 48 : index
        %parallel_loop3A_326 = tpu.vector_load %arg13[%parallel_loop3A_324, %parallel_loop3A_325] {strides = array<i32>} : memref<200x64xf32, #tpu.memory_space<vmem>>, vector<1x16xf32>,
        %parallel_loop3A_327 = vector.shape_cast %parallel_loop3A_326 : vector<1x16xf32> to vector<16xf32>
        %parallel_loop3A_328 = vector.shape_cast %parallel_loop3A_323 : vector<16xf32> to vector<1x16xf32>
        tpu.vector_store %arg13[%parallel_loop3A_324, %parallel_loop3A_325], %parallel_loop3A_328 {strides = array<i32>} : memref<200x64xf32, #tpu.memory_space<vmem>>, vector<1x16xf32>,
        %parallel_loop3A_329 = arith.constant 2 : i32
        %parallel_loop3A_330 = arith.addi %parallel_loop3A_121, %parallel_loop3A_329 : i32
        %parallel_loop3A_331 = arith.index_cast %parallel_loop3A_330 : i32 to index
        %parallel_loop3A_332 = arith.constant 0 : index
        %parallel_loop3A_333 = tpu.vector_load %arg9[%parallel_loop3A_331, %parallel_loop3A_332] {strides = array<i32>} : memref<200x16xi32, #tpu.memory_space<vmem>>, vector<1x16xi32>,
        %parallel_loop3A_334 = vector.shape_cast %parallel_loop3A_333 : vector<1x16xi32> to vector<16xi32>
        %parallel_loop3A_335 = arith.constant 2 : i32
        %parallel_loop3A_336 = vector.broadcast %parallel_loop3A_335 : i32 to vector<16xi32>
        %parallel_loop3A_337 = arith.constant 0 : i32
        %parallel_loop3A_338 = vector.broadcast %parallel_loop3A_337 : i32 to vector<16xi32>
        %parallel_loop3A_339 = arith.cmpi slt, %parallel_loop3A_336, %parallel_loop3A_338 : vector<16xi32>
        %parallel_loop3A_340 = arith.constant 16 : i32
        %parallel_loop3A_341 = vector.broadcast %parallel_loop3A_340 : i32 to vector<16xi32>
        %parallel_loop3A_342 = arith.addi %parallel_loop3A_336, %parallel_loop3A_341 : vector<16xi32>
        %parallel_loop3A_343 = arith.select %parallel_loop3A_339, %parallel_loop3A_342, %parallel_loop3A_336 : vector<16xi1>, vector<16xi32>
        %parallel_loop3A_344 = vector.shape_cast %parallel_loop3A_343 : vector<16xi32> to vector<16x1xi32>
        %parallel_loop3A_345 = vector.shape_cast %parallel_loop3A_344 : vector<16x1xi32> to vector<16xi32>
        %parallel_loop3A_346 = tpu.dynamic_gather %parallel_loop3A_124[%parallel_loop3A_345] in [0] : vector<16xf32>, vector<16xi32> -> vector<16xf32>
        %parallel_loop3A_347 = arith.constant 0 : i32
        %parallel_loop3A_348 = vector.broadcast %parallel_loop3A_347 : i32 to vector<16xi32>
        %parallel_loop3A_349 = arith.cmpi slt, %add3A_7, %parallel_loop3A_348 : vector<16xi32>
        %parallel_loop3A_350 = arith.constant 16 : i32
        %parallel_loop3A_351 = vector.broadcast %parallel_loop3A_350 : i32 to vector<16xi32>
        %parallel_loop3A_352 = arith.addi %add3A_7, %parallel_loop3A_351 : vector<16xi32>
        %parallel_loop3A_353 = arith.select %parallel_loop3A_349, %parallel_loop3A_352, %add3A_7 : vector<16xi1>, vector<16xi32>
        %parallel_loop3A_354 = vector.shape_cast %parallel_loop3A_353 : vector<16xi32> to vector<16x1xi32>
        %parallel_loop3A_355 = vector.shape_cast %parallel_loop3A_354 : vector<16x1xi32> to vector<16xi32>
        %parallel_loop3A_356 = tpu.dynamic_gather %parallel_loop3A_334[%parallel_loop3A_355] in [0] : vector<16xi32>, vector<16xi32> -> vector<16xi32>
        %parallel_loop3A_357 = arith.shli %parallel_loop3A_356, %sub3A_32 : vector<16xi32>
        %parallel_loop3A_358 = arith.constant 24 : i32
        %parallel_loop3A_359 = vector.broadcast %parallel_loop3A_358 : i32 to vector<16xi32>
        %parallel_loop3A_360 = arith.shrsi %parallel_loop3A_357, %parallel_loop3A_359 : vector<16xi32>
        %parallel_loop3A_361 = arith.sitofp %parallel_loop3A_360 : vector<16xi32> to vector<16xf32>
        %parallel_loop3A_362 = arith.mulf %parallel_loop3A_361, %parallel_loop3A_346 : vector<16xf32>
        %parallel_loop3A_363 = arith.index_cast %parallel_loop3A_330 : i32 to index
        %parallel_loop3A_364 = arith.constant 0 : index
        %parallel_loop3A_365 = tpu.vector_load %arg13[%parallel_loop3A_363, %parallel_loop3A_364] {strides = array<i32>} : memref<200x64xf32, #tpu.memory_space<vmem>>, vector<1x16xf32>,
        %parallel_loop3A_366 = vector.shape_cast %parallel_loop3A_365 : vector<1x16xf32> to vector<16xf32>
        %parallel_loop3A_367 = vector.shape_cast %parallel_loop3A_362 : vector<16xf32> to vector<1x16xf32>
        tpu.vector_store %arg13[%parallel_loop3A_363, %parallel_loop3A_364], %parallel_loop3A_367 {strides = array<i32>} : memref<200x64xf32, #tpu.memory_space<vmem>>, vector<1x16xf32>,
        %parallel_loop3A_368 = arith.constant 0 : i32
        %parallel_loop3A_369 = vector.broadcast %parallel_loop3A_368 : i32 to vector<16xi32>
        %parallel_loop3A_370 = arith.cmpi slt, %add3A_13, %parallel_loop3A_369 : vector<16xi32>
        %parallel_loop3A_371 = arith.constant 16 : i32
        %parallel_loop3A_372 = vector.broadcast %parallel_loop3A_371 : i32 to vector<16xi32>
        %parallel_loop3A_373 = arith.addi %add3A_13, %parallel_loop3A_372 : vector<16xi32>
        %parallel_loop3A_374 = arith.select %parallel_loop3A_370, %parallel_loop3A_373, %add3A_13 : vector<16xi1>, vector<16xi32>
        %parallel_loop3A_375 = vector.shape_cast %parallel_loop3A_374 : vector<16xi32> to vector<16x1xi32>
        %parallel_loop3A_376 = vector.shape_cast %parallel_loop3A_375 : vector<16x1xi32> to vector<16xi32>
        %parallel_loop3A_377 = tpu.dynamic_gather %parallel_loop3A_334[%parallel_loop3A_376] in [0] : vector<16xi32>, vector<16xi32> -> vector<16xi32>
        %parallel_loop3A_378 = arith.shli %parallel_loop3A_377, %sub3A_32 : vector<16xi32>
        %parallel_loop3A_379 = arith.constant 24 : i32
        %parallel_loop3A_380 = vector.broadcast %parallel_loop3A_379 : i32 to vector<16xi32>
        %parallel_loop3A_381 = arith.shrsi %parallel_loop3A_378, %parallel_loop3A_380 : vector<16xi32>
        %parallel_loop3A_382 = arith.sitofp %parallel_loop3A_381 : vector<16xi32> to vector<16xf32>
        %parallel_loop3A_383 = arith.mulf %parallel_loop3A_382, %parallel_loop3A_346 : vector<16xf32>
        %parallel_loop3A_384 = arith.index_cast %parallel_loop3A_330 : i32 to index
        %parallel_loop3A_385 = arith.constant 16 : index
        %parallel_loop3A_386 = tpu.vector_load %arg13[%parallel_loop3A_384, %parallel_loop3A_385] {strides = array<i32>} : memref<200x64xf32, #tpu.memory_space<vmem>>, vector<1x16xf32>,
        %parallel_loop3A_387 = vector.shape_cast %parallel_loop3A_386 : vector<1x16xf32> to vector<16xf32>
        %parallel_loop3A_388 = vector.shape_cast %parallel_loop3A_383 : vector<16xf32> to vector<1x16xf32>
        tpu.vector_store %arg13[%parallel_loop3A_384, %parallel_loop3A_385], %parallel_loop3A_388 {strides = array<i32>} : memref<200x64xf32, #tpu.memory_space<vmem>>, vector<1x16xf32>,
        %parallel_loop3A_389 = arith.constant 0 : i32
        %parallel_loop3A_390 = vector.broadcast %parallel_loop3A_389 : i32 to vector<16xi32>
        %parallel_loop3A_391 = arith.cmpi slt, %add3A_19, %parallel_loop3A_390 : vector<16xi32>
        %parallel_loop3A_392 = arith.constant 16 : i32
        %parallel_loop3A_393 = vector.broadcast %parallel_loop3A_392 : i32 to vector<16xi32>
        %parallel_loop3A_394 = arith.addi %add3A_19, %parallel_loop3A_393 : vector<16xi32>
        %parallel_loop3A_395 = arith.select %parallel_loop3A_391, %parallel_loop3A_394, %add3A_19 : vector<16xi1>, vector<16xi32>
        %parallel_loop3A_396 = vector.shape_cast %parallel_loop3A_395 : vector<16xi32> to vector<16x1xi32>
        %parallel_loop3A_397 = vector.shape_cast %parallel_loop3A_396 : vector<16x1xi32> to vector<16xi32>
        %parallel_loop3A_398 = tpu.dynamic_gather %parallel_loop3A_334[%parallel_loop3A_397] in [0] : vector<16xi32>, vector<16xi32> -> vector<16xi32>
        %parallel_loop3A_399 = arith.shli %parallel_loop3A_398, %sub3A_32 : vector<16xi32>
        %parallel_loop3A_400 = arith.constant 24 : i32
        %parallel_loop3A_401 = vector.broadcast %parallel_loop3A_400 : i32 to vector<16xi32>
        %parallel_loop3A_402 = arith.shrsi %parallel_loop3A_399, %parallel_loop3A_401 : vector<16xi32>
        %parallel_loop3A_403 = arith.sitofp %parallel_loop3A_402 : vector<16xi32> to vector<16xf32>
        %parallel_loop3A_404 = arith.mulf %parallel_loop3A_403, %parallel_loop3A_346 : vector<16xf32>
        %parallel_loop3A_405 = arith.index_cast %parallel_loop3A_330 : i32 to index
        %parallel_loop3A_406 = arith.constant 32 : index
        %parallel_loop3A_407 = tpu.vector_load %arg13[%parallel_loop3A_405, %parallel_loop3A_406] {strides = array<i32>} : memref<200x64xf32, #tpu.memory_space<vmem>>, vector<1x16xf32>,
        %parallel_loop3A_408 = vector.shape_cast %parallel_loop3A_407 : vector<1x16xf32> to vector<16xf32>
        %parallel_loop3A_409 = vector.shape_cast %parallel_loop3A_404 : vector<16xf32> to vector<1x16xf32>
        tpu.vector_store %arg13[%parallel_loop3A_405, %parallel_loop3A_406], %parallel_loop3A_409 {strides = array<i32>} : memref<200x64xf32, #tpu.memory_space<vmem>>, vector<1x16xf32>,
        %parallel_loop3A_410 = arith.constant 0 : i32
        %parallel_loop3A_411 = vector.broadcast %parallel_loop3A_410 : i32 to vector<16xi32>
        %parallel_loop3A_412 = arith.cmpi slt, %add3A_25, %parallel_loop3A_411 : vector<16xi32>
        %parallel_loop3A_413 = arith.constant 16 : i32
        %parallel_loop3A_414 = vector.broadcast %parallel_loop3A_413 : i32 to vector<16xi32>
        %parallel_loop3A_415 = arith.addi %add3A_25, %parallel_loop3A_414 : vector<16xi32>
        %parallel_loop3A_416 = arith.select %parallel_loop3A_412, %parallel_loop3A_415, %add3A_25 : vector<16xi1>, vector<16xi32>
        %parallel_loop3A_417 = vector.shape_cast %parallel_loop3A_416 : vector<16xi32> to vector<16x1xi32>
        %parallel_loop3A_418 = vector.shape_cast %parallel_loop3A_417 : vector<16x1xi32> to vector<16xi32>
        %parallel_loop3A_419 = tpu.dynamic_gather %parallel_loop3A_334[%parallel_loop3A_418] in [0] : vector<16xi32>, vector<16xi32> -> vector<16xi32>
        %parallel_loop3A_420 = arith.shli %parallel_loop3A_419, %sub3A_32 : vector<16xi32>
        %parallel_loop3A_421 = arith.constant 24 : i32
        %parallel_loop3A_422 = vector.broadcast %parallel_loop3A_421 : i32 to vector<16xi32>
        %parallel_loop3A_423 = arith.shrsi %parallel_loop3A_420, %parallel_loop3A_422 : vector<16xi32>
        %parallel_loop3A_424 = arith.sitofp %parallel_loop3A_423 : vector<16xi32> to vector<16xf32>
        %parallel_loop3A_425 = arith.mulf %parallel_loop3A_424, %parallel_loop3A_346 : vector<16xf32>
        %parallel_loop3A_426 = arith.index_cast %parallel_loop3A_330 : i32 to index
        %parallel_loop3A_427 = arith.constant 48 : index
        %parallel_loop3A_428 = tpu.vector_load %arg13[%parallel_loop3A_426, %parallel_loop3A_427] {strides = array<i32>} : memref<200x64xf32, #tpu.memory_space<vmem>>, vector<1x16xf32>,
        %parallel_loop3A_429 = vector.shape_cast %parallel_loop3A_428 : vector<1x16xf32> to vector<16xf32>
        %parallel_loop3A_430 = vector.shape_cast %parallel_loop3A_425 : vector<16xf32> to vector<1x16xf32>
        tpu.vector_store %arg13[%parallel_loop3A_426, %parallel_loop3A_427], %parallel_loop3A_430 {strides = array<i32>} : memref<200x64xf32, #tpu.memory_space<vmem>>, vector<1x16xf32>,
        %parallel_loop3A_431 = arith.constant 3 : i32
        %parallel_loop3A_432 = arith.addi %parallel_loop3A_121, %parallel_loop3A_431 : i32
        %parallel_loop3A_433 = arith.index_cast %parallel_loop3A_432 : i32 to index
        %parallel_loop3A_434 = arith.constant 0 : index
        %parallel_loop3A_435 = tpu.vector_load %arg9[%parallel_loop3A_433, %parallel_loop3A_434] {strides = array<i32>} : memref<200x16xi32, #tpu.memory_space<vmem>>, vector<1x16xi32>,
        %parallel_loop3A_436 = vector.shape_cast %parallel_loop3A_435 : vector<1x16xi32> to vector<16xi32>
        %parallel_loop3A_437 = arith.constant 3 : i32
        %parallel_loop3A_438 = vector.broadcast %parallel_loop3A_437 : i32 to vector<16xi32>
        %parallel_loop3A_439 = arith.constant 0 : i32
        %parallel_loop3A_440 = vector.broadcast %parallel_loop3A_439 : i32 to vector<16xi32>
        %parallel_loop3A_441 = arith.cmpi slt, %parallel_loop3A_438, %parallel_loop3A_440 : vector<16xi32>
        %parallel_loop3A_442 = arith.constant 16 : i32
        %parallel_loop3A_443 = vector.broadcast %parallel_loop3A_442 : i32 to vector<16xi32>
        %parallel_loop3A_444 = arith.addi %parallel_loop3A_438, %parallel_loop3A_443 : vector<16xi32>
        %parallel_loop3A_445 = arith.select %parallel_loop3A_441, %parallel_loop3A_444, %parallel_loop3A_438 : vector<16xi1>, vector<16xi32>
        %parallel_loop3A_446 = vector.shape_cast %parallel_loop3A_445 : vector<16xi32> to vector<16x1xi32>
        %parallel_loop3A_447 = vector.shape_cast %parallel_loop3A_446 : vector<16x1xi32> to vector<16xi32>
        %parallel_loop3A_448 = tpu.dynamic_gather %parallel_loop3A_124[%parallel_loop3A_447] in [0] : vector<16xf32>, vector<16xi32> -> vector<16xf32>
        %parallel_loop3A_449 = arith.constant 0 : i32
        %parallel_loop3A_450 = vector.broadcast %parallel_loop3A_449 : i32 to vector<16xi32>
        %parallel_loop3A_451 = arith.cmpi slt, %add3A_7, %parallel_loop3A_450 : vector<16xi32>
        %parallel_loop3A_452 = arith.constant 16 : i32
        %parallel_loop3A_453 = vector.broadcast %parallel_loop3A_452 : i32 to vector<16xi32>
        %parallel_loop3A_454 = arith.addi %add3A_7, %parallel_loop3A_453 : vector<16xi32>
        %parallel_loop3A_455 = arith.select %parallel_loop3A_451, %parallel_loop3A_454, %add3A_7 : vector<16xi1>, vector<16xi32>
        %parallel_loop3A_456 = vector.shape_cast %parallel_loop3A_455 : vector<16xi32> to vector<16x1xi32>
        %parallel_loop3A_457 = vector.shape_cast %parallel_loop3A_456 : vector<16x1xi32> to vector<16xi32>
        %parallel_loop3A_458 = tpu.dynamic_gather %parallel_loop3A_436[%parallel_loop3A_457] in [0] : vector<16xi32>, vector<16xi32> -> vector<16xi32>
        %parallel_loop3A_459 = arith.shli %parallel_loop3A_458, %sub3A_32 : vector<16xi32>
        %parallel_loop3A_460 = arith.constant 24 : i32
        %parallel_loop3A_461 = vector.broadcast %parallel_loop3A_460 : i32 to vector<16xi32>
        %parallel_loop3A_462 = arith.shrsi %parallel_loop3A_459, %parallel_loop3A_461 : vector<16xi32>
        %parallel_loop3A_463 = arith.sitofp %parallel_loop3A_462 : vector<16xi32> to vector<16xf32>
        %parallel_loop3A_464 = arith.mulf %parallel_loop3A_463, %parallel_loop3A_448 : vector<16xf32>
        %parallel_loop3A_465 = arith.index_cast %parallel_loop3A_432 : i32 to index
        %parallel_loop3A_466 = arith.constant 0 : index
        %parallel_loop3A_467 = tpu.vector_load %arg13[%parallel_loop3A_465, %parallel_loop3A_466] {strides = array<i32>} : memref<200x64xf32, #tpu.memory_space<vmem>>, vector<1x16xf32>,
        %parallel_loop3A_468 = vector.shape_cast %parallel_loop3A_467 : vector<1x16xf32> to vector<16xf32>
        %parallel_loop3A_469 = vector.shape_cast %parallel_loop3A_464 : vector<16xf32> to vector<1x16xf32>
        tpu.vector_store %arg13[%parallel_loop3A_465, %parallel_loop3A_466], %parallel_loop3A_469 {strides = array<i32>} : memref<200x64xf32, #tpu.memory_space<vmem>>, vector<1x16xf32>,
        %parallel_loop3A_470 = arith.constant 0 : i32
        %parallel_loop3A_471 = vector.broadcast %parallel_loop3A_470 : i32 to vector<16xi32>
        %parallel_loop3A_472 = arith.cmpi slt, %add3A_13, %parallel_loop3A_471 : vector<16xi32>
        %parallel_loop3A_473 = arith.constant 16 : i32
        %parallel_loop3A_474 = vector.broadcast %parallel_loop3A_473 : i32 to vector<16xi32>
        %parallel_loop3A_475 = arith.addi %add3A_13, %parallel_loop3A_474 : vector<16xi32>
        %parallel_loop3A_476 = arith.select %parallel_loop3A_472, %parallel_loop3A_475, %add3A_13 : vector<16xi1>, vector<16xi32>
        %parallel_loop3A_477 = vector.shape_cast %parallel_loop3A_476 : vector<16xi32> to vector<16x1xi32>
        %parallel_loop3A_478 = vector.shape_cast %parallel_loop3A_477 : vector<16x1xi32> to vector<16xi32>
        %parallel_loop3A_479 = tpu.dynamic_gather %parallel_loop3A_436[%parallel_loop3A_478] in [0] : vector<16xi32>, vector<16xi32> -> vector<16xi32>
        %parallel_loop3A_480 = arith.shli %parallel_loop3A_479, %sub3A_32 : vector<16xi32>
        %parallel_loop3A_481 = arith.constant 24 : i32
        %parallel_loop3A_482 = vector.broadcast %parallel_loop3A_481 : i32 to vector<16xi32>
        %parallel_loop3A_483 = arith.shrsi %parallel_loop3A_480, %parallel_loop3A_482 : vector<16xi32>
        %parallel_loop3A_484 = arith.sitofp %parallel_loop3A_483 : vector<16xi32> to vector<16xf32>
        %parallel_loop3A_485 = arith.mulf %parallel_loop3A_484, %parallel_loop3A_448 : vector<16xf32>
        %parallel_loop3A_486 = arith.index_cast %parallel_loop3A_432 : i32 to index
        %parallel_loop3A_487 = arith.constant 16 : index
        %parallel_loop3A_488 = tpu.vector_load %arg13[%parallel_loop3A_486, %parallel_loop3A_487] {strides = array<i32>} : memref<200x64xf32, #tpu.memory_space<vmem>>, vector<1x16xf32>,
        %parallel_loop3A_489 = vector.shape_cast %parallel_loop3A_488 : vector<1x16xf32> to vector<16xf32>
        %parallel_loop3A_490 = vector.shape_cast %parallel_loop3A_485 : vector<16xf32> to vector<1x16xf32>
        tpu.vector_store %arg13[%parallel_loop3A_486, %parallel_loop3A_487], %parallel_loop3A_490 {strides = array<i32>} : memref<200x64xf32, #tpu.memory_space<vmem>>, vector<1x16xf32>,
        %parallel_loop3A_491 = arith.constant 0 : i32
        %parallel_loop3A_492 = vector.broadcast %parallel_loop3A_491 : i32 to vector<16xi32>
        %parallel_loop3A_493 = arith.cmpi slt, %add3A_19, %parallel_loop3A_492 : vector<16xi32>
        %parallel_loop3A_494 = arith.constant 16 : i32
        %parallel_loop3A_495 = vector.broadcast %parallel_loop3A_494 : i32 to vector<16xi32>
        %parallel_loop3A_496 = arith.addi %add3A_19, %parallel_loop3A_495 : vector<16xi32>
        %parallel_loop3A_497 = arith.select %parallel_loop3A_493, %parallel_loop3A_496, %add3A_19 : vector<16xi1>, vector<16xi32>
        %parallel_loop3A_498 = vector.shape_cast %parallel_loop3A_497 : vector<16xi32> to vector<16x1xi32>
        %parallel_loop3A_499 = vector.shape_cast %parallel_loop3A_498 : vector<16x1xi32> to vector<16xi32>
        %parallel_loop3A_500 = tpu.dynamic_gather %parallel_loop3A_436[%parallel_loop3A_499] in [0] : vector<16xi32>, vector<16xi32> -> vector<16xi32>
        %parallel_loop3A_501 = arith.shli %parallel_loop3A_500, %sub3A_32 : vector<16xi32>
        %parallel_loop3A_502 = arith.constant 24 : i32
        %parallel_loop3A_503 = vector.broadcast %parallel_loop3A_502 : i32 to vector<16xi32>
        %parallel_loop3A_504 = arith.shrsi %parallel_loop3A_501, %parallel_loop3A_503 : vector<16xi32>
        %parallel_loop3A_505 = arith.sitofp %parallel_loop3A_504 : vector<16xi32> to vector<16xf32>
        %parallel_loop3A_506 = arith.mulf %parallel_loop3A_505, %parallel_loop3A_448 : vector<16xf32>
        %parallel_loop3A_507 = arith.index_cast %parallel_loop3A_432 : i32 to index
        %parallel_loop3A_508 = arith.constant 32 : index
        %parallel_loop3A_509 = tpu.vector_load %arg13[%parallel_loop3A_507, %parallel_loop3A_508] {strides = array<i32>} : memref<200x64xf32, #tpu.memory_space<vmem>>, vector<1x16xf32>,
        %parallel_loop3A_510 = vector.shape_cast %parallel_loop3A_509 : vector<1x16xf32> to vector<16xf32>
        %parallel_loop3A_511 = vector.shape_cast %parallel_loop3A_506 : vector<16xf32> to vector<1x16xf32>
        tpu.vector_store %arg13[%parallel_loop3A_507, %parallel_loop3A_508], %parallel_loop3A_511 {strides = array<i32>} : memref<200x64xf32, #tpu.memory_space<vmem>>, vector<1x16xf32>,
        %parallel_loop3A_512 = arith.constant 0 : i32
        %parallel_loop3A_513 = vector.broadcast %parallel_loop3A_512 : i32 to vector<16xi32>
        %parallel_loop3A_514 = arith.cmpi slt, %add3A_25, %parallel_loop3A_513 : vector<16xi32>
        %parallel_loop3A_515 = arith.constant 16 : i32
        %parallel_loop3A_516 = vector.broadcast %parallel_loop3A_515 : i32 to vector<16xi32>
        %parallel_loop3A_517 = arith.addi %add3A_25, %parallel_loop3A_516 : vector<16xi32>
        %parallel_loop3A_518 = arith.select %parallel_loop3A_514, %parallel_loop3A_517, %add3A_25 : vector<16xi1>, vector<16xi32>
        %parallel_loop3A_519 = vector.shape_cast %parallel_loop3A_518 : vector<16xi32> to vector<16x1xi32>
        %parallel_loop3A_520 = vector.shape_cast %parallel_loop3A_519 : vector<16x1xi32> to vector<16xi32>
        %parallel_loop3A_521 = tpu.dynamic_gather %parallel_loop3A_436[%parallel_loop3A_520] in [0] : vector<16xi32>, vector<16xi32> -> vector<16xi32>
        %parallel_loop3A_522 = arith.shli %parallel_loop3A_521, %sub3A_32 : vector<16xi32>
        %parallel_loop3A_523 = arith.constant 24 : i32
        %parallel_loop3A_524 = vector.broadcast %parallel_loop3A_523 : i32 to vector<16xi32>
        %parallel_loop3A_525 = arith.shrsi %parallel_loop3A_522, %parallel_loop3A_524 : vector<16xi32>
        %parallel_loop3A_526 = arith.sitofp %parallel_loop3A_525 : vector<16xi32> to vector<16xf32>
        %parallel_loop3A_527 = arith.mulf %parallel_loop3A_526, %parallel_loop3A_448 : vector<16xf32>
        %parallel_loop3A_528 = arith.index_cast %parallel_loop3A_432 : i32 to index
        %parallel_loop3A_529 = arith.constant 48 : index
        %parallel_loop3A_530 = tpu.vector_load %arg13[%parallel_loop3A_528, %parallel_loop3A_529] {strides = array<i32>} : memref<200x64xf32, #tpu.memory_space<vmem>>, vector<1x16xf32>,
        %parallel_loop3A_531 = vector.shape_cast %parallel_loop3A_530 : vector<1x16xf32> to vector<16xf32>
        %parallel_loop3A_532 = vector.shape_cast %parallel_loop3A_527 : vector<16xf32> to vector<1x16xf32>
        tpu.vector_store %arg13[%parallel_loop3A_528, %parallel_loop3A_529], %parallel_loop3A_532 {strides = array<i32>} : memref<200x64xf32, #tpu.memory_space<vmem>>, vector<1x16xf32>,
        %parallel_loop3A_533 = arith.constant 4 : i32
        %parallel_loop3A_534 = arith.addi %parallel_loop3A_121, %parallel_loop3A_533 : i32
        %parallel_loop3A_535 = arith.index_cast %parallel_loop3A_534 : i32 to index
        %parallel_loop3A_536 = arith.constant 0 : index
        %parallel_loop3A_537 = tpu.vector_load %arg9[%parallel_loop3A_535, %parallel_loop3A_536] {strides = array<i32>} : memref<200x16xi32, #tpu.memory_space<vmem>>, vector<1x16xi32>,
        %parallel_loop3A_538 = vector.shape_cast %parallel_loop3A_537 : vector<1x16xi32> to vector<16xi32>
        %parallel_loop3A_539 = arith.constant 4 : i32
        %parallel_loop3A_540 = vector.broadcast %parallel_loop3A_539 : i32 to vector<16xi32>
        %parallel_loop3A_541 = arith.constant 0 : i32
        %parallel_loop3A_542 = vector.broadcast %parallel_loop3A_541 : i32 to vector<16xi32>
        %parallel_loop3A_543 = arith.cmpi slt, %parallel_loop3A_540, %parallel_loop3A_542 : vector<16xi32>
        %parallel_loop3A_544 = arith.constant 16 : i32
        %parallel_loop3A_545 = vector.broadcast %parallel_loop3A_544 : i32 to vector<16xi32>
        %parallel_loop3A_546 = arith.addi %parallel_loop3A_540, %parallel_loop3A_545 : vector<16xi32>
        %parallel_loop3A_547 = arith.select %parallel_loop3A_543, %parallel_loop3A_546, %parallel_loop3A_540 : vector<16xi1>, vector<16xi32>
        %parallel_loop3A_548 = vector.shape_cast %parallel_loop3A_547 : vector<16xi32> to vector<16x1xi32>
        %parallel_loop3A_549 = vector.shape_cast %parallel_loop3A_548 : vector<16x1xi32> to vector<16xi32>
        %parallel_loop3A_550 = tpu.dynamic_gather %parallel_loop3A_124[%parallel_loop3A_549] in [0] : vector<16xf32>, vector<16xi32> -> vector<16xf32>
        %parallel_loop3A_551 = arith.constant 0 : i32
        %parallel_loop3A_552 = vector.broadcast %parallel_loop3A_551 : i32 to vector<16xi32>
        %parallel_loop3A_553 = arith.cmpi slt, %add3A_7, %parallel_loop3A_552 : vector<16xi32>
        %parallel_loop3A_554 = arith.constant 16 : i32
        %parallel_loop3A_555 = vector.broadcast %parallel_loop3A_554 : i32 to vector<16xi32>
        %parallel_loop3A_556 = arith.addi %add3A_7, %parallel_loop3A_555 : vector<16xi32>
        %parallel_loop3A_557 = arith.select %parallel_loop3A_553, %parallel_loop3A_556, %add3A_7 : vector<16xi1>, vector<16xi32>
        %parallel_loop3A_558 = vector.shape_cast %parallel_loop3A_557 : vector<16xi32> to vector<16x1xi32>
        %parallel_loop3A_559 = vector.shape_cast %parallel_loop3A_558 : vector<16x1xi32> to vector<16xi32>
        %parallel_loop3A_560 = tpu.dynamic_gather %parallel_loop3A_538[%parallel_loop3A_559] in [0] : vector<16xi32>, vector<16xi32> -> vector<16xi32>
        %parallel_loop3A_561 = arith.shli %parallel_loop3A_560, %sub3A_32 : vector<16xi32>
        %parallel_loop3A_562 = arith.constant 24 : i32
        %parallel_loop3A_563 = vector.broadcast %parallel_loop3A_562 : i32 to vector<16xi32>
        %parallel_loop3A_564 = arith.shrsi %parallel_loop3A_561, %parallel_loop3A_563 : vector<16xi32>
        %parallel_loop3A_565 = arith.sitofp %parallel_loop3A_564 : vector<16xi32> to vector<16xf32>
        %parallel_loop3A_566 = arith.mulf %parallel_loop3A_565, %parallel_loop3A_550 : vector<16xf32>
        %parallel_loop3A_567 = arith.index_cast %parallel_loop3A_534 : i32 to index
        %parallel_loop3A_568 = arith.constant 0 : index
        %parallel_loop3A_569 = tpu.vector_load %arg13[%parallel_loop3A_567, %parallel_loop3A_568] {strides = array<i32>} : memref<200x64xf32, #tpu.memory_space<vmem>>, vector<1x16xf32>,
        %parallel_loop3A_570 = vector.shape_cast %parallel_loop3A_569 : vector<1x16xf32> to vector<16xf32>
        %parallel_loop3A_571 = vector.shape_cast %parallel_loop3A_566 : vector<16xf32> to vector<1x16xf32>
        tpu.vector_store %arg13[%parallel_loop3A_567, %parallel_loop3A_568], %parallel_loop3A_571 {strides = array<i32>} : memref<200x64xf32, #tpu.memory_space<vmem>>, vector<1x16xf32>,
        %parallel_loop3A_572 = arith.constant 0 : i32
        %parallel_loop3A_573 = vector.broadcast %parallel_loop3A_572 : i32 to vector<16xi32>
        %parallel_loop3A_574 = arith.cmpi slt, %add3A_13, %parallel_loop3A_573 : vector<16xi32>
        %parallel_loop3A_575 = arith.constant 16 : i32
        %parallel_loop3A_576 = vector.broadcast %parallel_loop3A_575 : i32 to vector<16xi32>
        %parallel_loop3A_577 = arith.addi %add3A_13, %parallel_loop3A_576 : vector<16xi32>
        %parallel_loop3A_578 = arith.select %parallel_loop3A_574, %parallel_loop3A_577, %add3A_13 : vector<16xi1>, vector<16xi32>
        %parallel_loop3A_579 = vector.shape_cast %parallel_loop3A_578 : vector<16xi32> to vector<16x1xi32>
        %parallel_loop3A_580 = vector.shape_cast %parallel_loop3A_579 : vector<16x1xi32> to vector<16xi32>
        %parallel_loop3A_581 = tpu.dynamic_gather %parallel_loop3A_538[%parallel_loop3A_580] in [0] : vector<16xi32>, vector<16xi32> -> vector<16xi32>
        %parallel_loop3A_582 = arith.shli %parallel_loop3A_581, %sub3A_32 : vector<16xi32>
        %parallel_loop3A_583 = arith.constant 24 : i32
        %parallel_loop3A_584 = vector.broadcast %parallel_loop3A_583 : i32 to vector<16xi32>
        %parallel_loop3A_585 = arith.shrsi %parallel_loop3A_582, %parallel_loop3A_584 : vector<16xi32>
        %parallel_loop3A_586 = arith.sitofp %parallel_loop3A_585 : vector<16xi32> to vector<16xf32>
        %parallel_loop3A_587 = arith.mulf %parallel_loop3A_586, %parallel_loop3A_550 : vector<16xf32>
        %parallel_loop3A_588 = arith.index_cast %parallel_loop3A_534 : i32 to index
        %parallel_loop3A_589 = arith.constant 16 : index
        %parallel_loop3A_590 = tpu.vector_load %arg13[%parallel_loop3A_588, %parallel_loop3A_589] {strides = array<i32>} : memref<200x64xf32, #tpu.memory_space<vmem>>, vector<1x16xf32>,
        %parallel_loop3A_591 = vector.shape_cast %parallel_loop3A_590 : vector<1x16xf32> to vector<16xf32>
        %parallel_loop3A_592 = vector.shape_cast %parallel_loop3A_587 : vector<16xf32> to vector<1x16xf32>
        tpu.vector_store %arg13[%parallel_loop3A_588, %parallel_loop3A_589], %parallel_loop3A_592 {strides = array<i32>} : memref<200x64xf32, #tpu.memory_space<vmem>>, vector<1x16xf32>,
        %parallel_loop3A_593 = arith.constant 0 : i32
        %parallel_loop3A_594 = vector.broadcast %parallel_loop3A_593 : i32 to vector<16xi32>
        %parallel_loop3A_595 = arith.cmpi slt, %add3A_19, %parallel_loop3A_594 : vector<16xi32>
        %parallel_loop3A_596 = arith.constant 16 : i32
        %parallel_loop3A_597 = vector.broadcast %parallel_loop3A_596 : i32 to vector<16xi32>
        %parallel_loop3A_598 = arith.addi %add3A_19, %parallel_loop3A_597 : vector<16xi32>
        %parallel_loop3A_599 = arith.select %parallel_loop3A_595, %parallel_loop3A_598, %add3A_19 : vector<16xi1>, vector<16xi32>
        %parallel_loop3A_600 = vector.shape_cast %parallel_loop3A_599 : vector<16xi32> to vector<16x1xi32>
        %parallel_loop3A_601 = vector.shape_cast %parallel_loop3A_600 : vector<16x1xi32> to vector<16xi32>
        %parallel_loop3A_602 = tpu.dynamic_gather %parallel_loop3A_538[%parallel_loop3A_601] in [0] : vector<16xi32>, vector<16xi32> -> vector<16xi32>
        %parallel_loop3A_603 = arith.shli %parallel_loop3A_602, %sub3A_32 : vector<16xi32>
        %parallel_loop3A_604 = arith.constant 24 : i32
        %parallel_loop3A_605 = vector.broadcast %parallel_loop3A_604 : i32 to vector<16xi32>
        %parallel_loop3A_606 = arith.shrsi %parallel_loop3A_603, %parallel_loop3A_605 : vector<16xi32>
        %parallel_loop3A_607 = arith.sitofp %parallel_loop3A_606 : vector<16xi32> to vector<16xf32>
        %parallel_loop3A_608 = arith.mulf %parallel_loop3A_607, %parallel_loop3A_550 : vector<16xf32>
        %parallel_loop3A_609 = arith.index_cast %parallel_loop3A_534 : i32 to index
        %parallel_loop3A_610 = arith.constant 32 : index
        %parallel_loop3A_611 = tpu.vector_load %arg13[%parallel_loop3A_609, %parallel_loop3A_610] {strides = array<i32>} : memref<200x64xf32, #tpu.memory_space<vmem>>, vector<1x16xf32>,
        %parallel_loop3A_612 = vector.shape_cast %parallel_loop3A_611 : vector<1x16xf32> to vector<16xf32>
        %parallel_loop3A_613 = vector.shape_cast %parallel_loop3A_608 : vector<16xf32> to vector<1x16xf32>
        tpu.vector_store %arg13[%parallel_loop3A_609, %parallel_loop3A_610], %parallel_loop3A_613 {strides = array<i32>} : memref<200x64xf32, #tpu.memory_space<vmem>>, vector<1x16xf32>,
        %parallel_loop3A_614 = arith.constant 0 : i32
        %parallel_loop3A_615 = vector.broadcast %parallel_loop3A_614 : i32 to vector<16xi32>
        %parallel_loop3A_616 = arith.cmpi slt, %add3A_25, %parallel_loop3A_615 : vector<16xi32>
        %parallel_loop3A_617 = arith.constant 16 : i32
        %parallel_loop3A_618 = vector.broadcast %parallel_loop3A_617 : i32 to vector<16xi32>
        %parallel_loop3A_619 = arith.addi %add3A_25, %parallel_loop3A_618 : vector<16xi32>
        %parallel_loop3A_620 = arith.select %parallel_loop3A_616, %parallel_loop3A_619, %add3A_25 : vector<16xi1>, vector<16xi32>
        %parallel_loop3A_621 = vector.shape_cast %parallel_loop3A_620 : vector<16xi32> to vector<16x1xi32>
        %parallel_loop3A_622 = vector.shape_cast %parallel_loop3A_621 : vector<16x1xi32> to vector<16xi32>
        %parallel_loop3A_623 = tpu.dynamic_gather %parallel_loop3A_538[%parallel_loop3A_622] in [0] : vector<16xi32>, vector<16xi32> -> vector<16xi32>
        %parallel_loop3A_624 = arith.shli %parallel_loop3A_623, %sub3A_32 : vector<16xi32>
        %parallel_loop3A_625 = arith.constant 24 : i32
        %parallel_loop3A_626 = vector.broadcast %parallel_loop3A_625 : i32 to vector<16xi32>
        %parallel_loop3A_627 = arith.shrsi %parallel_loop3A_624, %parallel_loop3A_626 : vector<16xi32>
        %parallel_loop3A_628 = arith.sitofp %parallel_loop3A_627 : vector<16xi32> to vector<16xf32>
        %parallel_loop3A_629 = arith.mulf %parallel_loop3A_628, %parallel_loop3A_550 : vector<16xf32>
        %parallel_loop3A_630 = arith.index_cast %parallel_loop3A_534 : i32 to index
        %parallel_loop3A_631 = arith.constant 48 : index
        %parallel_loop3A_632 = tpu.vector_load %arg13[%parallel_loop3A_630, %parallel_loop3A_631] {strides = array<i32>} : memref<200x64xf32, #tpu.memory_space<vmem>>, vector<1x16xf32>,
        %parallel_loop3A_633 = vector.shape_cast %parallel_loop3A_632 : vector<1x16xf32> to vector<16xf32>
        %parallel_loop3A_634 = vector.shape_cast %parallel_loop3A_629 : vector<16xf32> to vector<1x16xf32>
        tpu.vector_store %arg13[%parallel_loop3A_630, %parallel_loop3A_631], %parallel_loop3A_634 {strides = array<i32>} : memref<200x64xf32, #tpu.memory_space<vmem>>, vector<1x16xf32>,
        %parallel_loop3A_635 = arith.constant 5 : i32
        %parallel_loop3A_636 = arith.addi %parallel_loop3A_121, %parallel_loop3A_635 : i32
        %parallel_loop3A_637 = arith.index_cast %parallel_loop3A_636 : i32 to index
        %parallel_loop3A_638 = arith.constant 0 : index
        %parallel_loop3A_639 = tpu.vector_load %arg9[%parallel_loop3A_637, %parallel_loop3A_638] {strides = array<i32>} : memref<200x16xi32, #tpu.memory_space<vmem>>, vector<1x16xi32>,
        %parallel_loop3A_640 = vector.shape_cast %parallel_loop3A_639 : vector<1x16xi32> to vector<16xi32>
        %parallel_loop3A_641 = arith.constant 5 : i32
        %parallel_loop3A_642 = vector.broadcast %parallel_loop3A_641 : i32 to vector<16xi32>
        %parallel_loop3A_643 = arith.constant 0 : i32
        %parallel_loop3A_644 = vector.broadcast %parallel_loop3A_643 : i32 to vector<16xi32>
        %parallel_loop3A_645 = arith.cmpi slt, %parallel_loop3A_642, %parallel_loop3A_644 : vector<16xi32>
        %parallel_loop3A_646 = arith.constant 16 : i32
        %parallel_loop3A_647 = vector.broadcast %parallel_loop3A_646 : i32 to vector<16xi32>
        %parallel_loop3A_648 = arith.addi %parallel_loop3A_642, %parallel_loop3A_647 : vector<16xi32>
        %parallel_loop3A_649 = arith.select %parallel_loop3A_645, %parallel_loop3A_648, %parallel_loop3A_642 : vector<16xi1>, vector<16xi32>
        %parallel_loop3A_650 = vector.shape_cast %parallel_loop3A_649 : vector<16xi32> to vector<16x1xi32>
        %parallel_loop3A_651 = vector.shape_cast %parallel_loop3A_650 : vector<16x1xi32> to vector<16xi32>
        %parallel_loop3A_652 = tpu.dynamic_gather %parallel_loop3A_124[%parallel_loop3A_651] in [0] : vector<16xf32>, vector<16xi32> -> vector<16xf32>
        %parallel_loop3A_653 = arith.constant 0 : i32
        %parallel_loop3A_654 = vector.broadcast %parallel_loop3A_653 : i32 to vector<16xi32>
        %parallel_loop3A_655 = arith.cmpi slt, %add3A_7, %parallel_loop3A_654 : vector<16xi32>
        %parallel_loop3A_656 = arith.constant 16 : i32
        %parallel_loop3A_657 = vector.broadcast %parallel_loop3A_656 : i32 to vector<16xi32>
        %parallel_loop3A_658 = arith.addi %add3A_7, %parallel_loop3A_657 : vector<16xi32>
        %parallel_loop3A_659 = arith.select %parallel_loop3A_655, %parallel_loop3A_658, %add3A_7 : vector<16xi1>, vector<16xi32>
        %parallel_loop3A_660 = vector.shape_cast %parallel_loop3A_659 : vector<16xi32> to vector<16x1xi32>
        %parallel_loop3A_661 = vector.shape_cast %parallel_loop3A_660 : vector<16x1xi32> to vector<16xi32>
        %parallel_loop3A_662 = tpu.dynamic_gather %parallel_loop3A_640[%parallel_loop3A_661] in [0] : vector<16xi32>, vector<16xi32> -> vector<16xi32>
        %parallel_loop3A_663 = arith.shli %parallel_loop3A_662, %sub3A_32 : vector<16xi32>
        %parallel_loop3A_664 = arith.constant 24 : i32
        %parallel_loop3A_665 = vector.broadcast %parallel_loop3A_664 : i32 to vector<16xi32>
        %parallel_loop3A_666 = arith.shrsi %parallel_loop3A_663, %parallel_loop3A_665 : vector<16xi32>
        %parallel_loop3A_667 = arith.sitofp %parallel_loop3A_666 : vector<16xi32> to vector<16xf32>
        %parallel_loop3A_668 = arith.mulf %parallel_loop3A_667, %parallel_loop3A_652 : vector<16xf32>
        %parallel_loop3A_669 = arith.index_cast %parallel_loop3A_636 : i32 to index
        %parallel_loop3A_670 = arith.constant 0 : index
        %parallel_loop3A_671 = tpu.vector_load %arg13[%parallel_loop3A_669, %parallel_loop3A_670] {strides = array<i32>} : memref<200x64xf32, #tpu.memory_space<vmem>>, vector<1x16xf32>,
        %parallel_loop3A_672 = vector.shape_cast %parallel_loop3A_671 : vector<1x16xf32> to vector<16xf32>
        %parallel_loop3A_673 = vector.shape_cast %parallel_loop3A_668 : vector<16xf32> to vector<1x16xf32>
        tpu.vector_store %arg13[%parallel_loop3A_669, %parallel_loop3A_670], %parallel_loop3A_673 {strides = array<i32>} : memref<200x64xf32, #tpu.memory_space<vmem>>, vector<1x16xf32>,
        %parallel_loop3A_674 = arith.constant 0 : i32
        %parallel_loop3A_675 = vector.broadcast %parallel_loop3A_674 : i32 to vector<16xi32>
        %parallel_loop3A_676 = arith.cmpi slt, %add3A_13, %parallel_loop3A_675 : vector<16xi32>
        %parallel_loop3A_677 = arith.constant 16 : i32
        %parallel_loop3A_678 = vector.broadcast %parallel_loop3A_677 : i32 to vector<16xi32>
        %parallel_loop3A_679 = arith.addi %add3A_13, %parallel_loop3A_678 : vector<16xi32>
        %parallel_loop3A_680 = arith.select %parallel_loop3A_676, %parallel_loop3A_679, %add3A_13 : vector<16xi1>, vector<16xi32>
        %parallel_loop3A_681 = vector.shape_cast %parallel_loop3A_680 : vector<16xi32> to vector<16x1xi32>
        %parallel_loop3A_682 = vector.shape_cast %parallel_loop3A_681 : vector<16x1xi32> to vector<16xi32>
        %parallel_loop3A_683 = tpu.dynamic_gather %parallel_loop3A_640[%parallel_loop3A_682] in [0] : vector<16xi32>, vector<16xi32> -> vector<16xi32>
        %parallel_loop3A_684 = arith.shli %parallel_loop3A_683, %sub3A_32 : vector<16xi32>
        %parallel_loop3A_685 = arith.constant 24 : i32
        %parallel_loop3A_686 = vector.broadcast %parallel_loop3A_685 : i32 to vector<16xi32>
        %parallel_loop3A_687 = arith.shrsi %parallel_loop3A_684, %parallel_loop3A_686 : vector<16xi32>
        %parallel_loop3A_688 = arith.sitofp %parallel_loop3A_687 : vector<16xi32> to vector<16xf32>
        %parallel_loop3A_689 = arith.mulf %parallel_loop3A_688, %parallel_loop3A_652 : vector<16xf32>
        %parallel_loop3A_690 = arith.index_cast %parallel_loop3A_636 : i32 to index
        %parallel_loop3A_691 = arith.constant 16 : index
        %parallel_loop3A_692 = tpu.vector_load %arg13[%parallel_loop3A_690, %parallel_loop3A_691] {strides = array<i32>} : memref<200x64xf32, #tpu.memory_space<vmem>>, vector<1x16xf32>,
        %parallel_loop3A_693 = vector.shape_cast %parallel_loop3A_692 : vector<1x16xf32> to vector<16xf32>
        %parallel_loop3A_694 = vector.shape_cast %parallel_loop3A_689 : vector<16xf32> to vector<1x16xf32>
        tpu.vector_store %arg13[%parallel_loop3A_690, %parallel_loop3A_691], %parallel_loop3A_694 {strides = array<i32>} : memref<200x64xf32, #tpu.memory_space<vmem>>, vector<1x16xf32>,
        %parallel_loop3A_695 = arith.constant 0 : i32
        %parallel_loop3A_696 = vector.broadcast %parallel_loop3A_695 : i32 to vector<16xi32>
        %parallel_loop3A_697 = arith.cmpi slt, %add3A_19, %parallel_loop3A_696 : vector<16xi32>
        %parallel_loop3A_698 = arith.constant 16 : i32
        %parallel_loop3A_699 = vector.broadcast %parallel_loop3A_698 : i32 to vector<16xi32>
        %parallel_loop3A_700 = arith.addi %add3A_19, %parallel_loop3A_699 : vector<16xi32>
        %parallel_loop3A_701 = arith.select %parallel_loop3A_697, %parallel_loop3A_700, %add3A_19 : vector<16xi1>, vector<16xi32>
        %parallel_loop3A_702 = vector.shape_cast %parallel_loop3A_701 : vector<16xi32> to vector<16x1xi32>
        %parallel_loop3A_703 = vector.shape_cast %parallel_loop3A_702 : vector<16x1xi32> to vector<16xi32>
        %parallel_loop3A_704 = tpu.dynamic_gather %parallel_loop3A_640[%parallel_loop3A_703] in [0] : vector<16xi32>, vector<16xi32> -> vector<16xi32>
        %parallel_loop3A_705 = arith.shli %parallel_loop3A_704, %sub3A_32 : vector<16xi32>
        %parallel_loop3A_706 = arith.constant 24 : i32
        %parallel_loop3A_707 = vector.broadcast %parallel_loop3A_706 : i32 to vector<16xi32>
        %parallel_loop3A_708 = arith.shrsi %parallel_loop3A_705, %parallel_loop3A_707 : vector<16xi32>
        %parallel_loop3A_709 = arith.sitofp %parallel_loop3A_708 : vector<16xi32> to vector<16xf32>
        %parallel_loop3A_710 = arith.mulf %parallel_loop3A_709, %parallel_loop3A_652 : vector<16xf32>
        %parallel_loop3A_711 = arith.index_cast %parallel_loop3A_636 : i32 to index
        %parallel_loop3A_712 = arith.constant 32 : index
        %parallel_loop3A_713 = tpu.vector_load %arg13[%parallel_loop3A_711, %parallel_loop3A_712] {strides = array<i32>} : memref<200x64xf32, #tpu.memory_space<vmem>>, vector<1x16xf32>,
        %parallel_loop3A_714 = vector.shape_cast %parallel_loop3A_713 : vector<1x16xf32> to vector<16xf32>
        %parallel_loop3A_715 = vector.shape_cast %parallel_loop3A_710 : vector<16xf32> to vector<1x16xf32>
        tpu.vector_store %arg13[%parallel_loop3A_711, %parallel_loop3A_712], %parallel_loop3A_715 {strides = array<i32>} : memref<200x64xf32, #tpu.memory_space<vmem>>, vector<1x16xf32>,
        %parallel_loop3A_716 = arith.constant 0 : i32
        %parallel_loop3A_717 = vector.broadcast %parallel_loop3A_716 : i32 to vector<16xi32>
        %parallel_loop3A_718 = arith.cmpi slt, %add3A_25, %parallel_loop3A_717 : vector<16xi32>
        %parallel_loop3A_719 = arith.constant 16 : i32
        %parallel_loop3A_720 = vector.broadcast %parallel_loop3A_719 : i32 to vector<16xi32>
        %parallel_loop3A_721 = arith.addi %add3A_25, %parallel_loop3A_720 : vector<16xi32>
        %parallel_loop3A_722 = arith.select %parallel_loop3A_718, %parallel_loop3A_721, %add3A_25 : vector<16xi1>, vector<16xi32>
        %parallel_loop3A_723 = vector.shape_cast %parallel_loop3A_722 : vector<16xi32> to vector<16x1xi32>
        %parallel_loop3A_724 = vector.shape_cast %parallel_loop3A_723 : vector<16x1xi32> to vector<16xi32>
        %parallel_loop3A_725 = tpu.dynamic_gather %parallel_loop3A_640[%parallel_loop3A_724] in [0] : vector<16xi32>, vector<16xi32> -> vector<16xi32>
        %parallel_loop3A_726 = arith.shli %parallel_loop3A_725, %sub3A_32 : vector<16xi32>
        %parallel_loop3A_727 = arith.constant 24 : i32
        %parallel_loop3A_728 = vector.broadcast %parallel_loop3A_727 : i32 to vector<16xi32>
        %parallel_loop3A_729 = arith.shrsi %parallel_loop3A_726, %parallel_loop3A_728 : vector<16xi32>
        %parallel_loop3A_730 = arith.sitofp %parallel_loop3A_729 : vector<16xi32> to vector<16xf32>
        %parallel_loop3A_731 = arith.mulf %parallel_loop3A_730, %parallel_loop3A_652 : vector<16xf32>
        %parallel_loop3A_732 = arith.index_cast %parallel_loop3A_636 : i32 to index
        %parallel_loop3A_733 = arith.constant 48 : index
        %parallel_loop3A_734 = tpu.vector_load %arg13[%parallel_loop3A_732, %parallel_loop3A_733] {strides = array<i32>} : memref<200x64xf32, #tpu.memory_space<vmem>>, vector<1x16xf32>,
        %parallel_loop3A_735 = vector.shape_cast %parallel_loop3A_734 : vector<1x16xf32> to vector<16xf32>
        %parallel_loop3A_736 = vector.shape_cast %parallel_loop3A_731 : vector<16xf32> to vector<1x16xf32>
        tpu.vector_store %arg13[%parallel_loop3A_732, %parallel_loop3A_733], %parallel_loop3A_736 {strides = array<i32>} : memref<200x64xf32, #tpu.memory_space<vmem>>, vector<1x16xf32>,
        %parallel_loop3A_737 = arith.constant 6 : i32
        %parallel_loop3A_738 = arith.addi %parallel_loop3A_121, %parallel_loop3A_737 : i32
        %parallel_loop3A_739 = arith.index_cast %parallel_loop3A_738 : i32 to index
        %parallel_loop3A_740 = arith.constant 0 : index
        %parallel_loop3A_741 = tpu.vector_load %arg9[%parallel_loop3A_739, %parallel_loop3A_740] {strides = array<i32>} : memref<200x16xi32, #tpu.memory_space<vmem>>, vector<1x16xi32>,
        %parallel_loop3A_742 = vector.shape_cast %parallel_loop3A_741 : vector<1x16xi32> to vector<16xi32>
        %parallel_loop3A_743 = arith.constant 6 : i32
        %parallel_loop3A_744 = vector.broadcast %parallel_loop3A_743 : i32 to vector<16xi32>
        %parallel_loop3A_745 = arith.constant 0 : i32
        %parallel_loop3A_746 = vector.broadcast %parallel_loop3A_745 : i32 to vector<16xi32>
        %parallel_loop3A_747 = arith.cmpi slt, %parallel_loop3A_744, %parallel_loop3A_746 : vector<16xi32>
        %parallel_loop3A_748 = arith.constant 16 : i32
        %parallel_loop3A_749 = vector.broadcast %parallel_loop3A_748 : i32 to vector<16xi32>
        %parallel_loop3A_750 = arith.addi %parallel_loop3A_744, %parallel_loop3A_749 : vector<16xi32>
        %parallel_loop3A_751 = arith.select %parallel_loop3A_747, %parallel_loop3A_750, %parallel_loop3A_744 : vector<16xi1>, vector<16xi32>
        %parallel_loop3A_752 = vector.shape_cast %parallel_loop3A_751 : vector<16xi32> to vector<16x1xi32>
        %parallel_loop3A_753 = vector.shape_cast %parallel_loop3A_752 : vector<16x1xi32> to vector<16xi32>
        %parallel_loop3A_754 = tpu.dynamic_gather %parallel_loop3A_124[%parallel_loop3A_753] in [0] : vector<16xf32>, vector<16xi32> -> vector<16xf32>
        %parallel_loop3A_755 = arith.constant 0 : i32
        %parallel_loop3A_756 = vector.broadcast %parallel_loop3A_755 : i32 to vector<16xi32>
        %parallel_loop3A_757 = arith.cmpi slt, %add3A_7, %parallel_loop3A_756 : vector<16xi32>
        %parallel_loop3A_758 = arith.constant 16 : i32
        %parallel_loop3A_759 = vector.broadcast %parallel_loop3A_758 : i32 to vector<16xi32>
        %parallel_loop3A_760 = arith.addi %add3A_7, %parallel_loop3A_759 : vector<16xi32>
        %parallel_loop3A_761 = arith.select %parallel_loop3A_757, %parallel_loop3A_760, %add3A_7 : vector<16xi1>, vector<16xi32>
        %parallel_loop3A_762 = vector.shape_cast %parallel_loop3A_761 : vector<16xi32> to vector<16x1xi32>
        %parallel_loop3A_763 = vector.shape_cast %parallel_loop3A_762 : vector<16x1xi32> to vector<16xi32>
        %parallel_loop3A_764 = tpu.dynamic_gather %parallel_loop3A_742[%parallel_loop3A_763] in [0] : vector<16xi32>, vector<16xi32> -> vector<16xi32>
        %parallel_loop3A_765 = arith.shli %parallel_loop3A_764, %sub3A_32 : vector<16xi32>
        %parallel_loop3A_766 = arith.constant 24 : i32
        %parallel_loop3A_767 = vector.broadcast %parallel_loop3A_766 : i32 to vector<16xi32>
        %parallel_loop3A_768 = arith.shrsi %parallel_loop3A_765, %parallel_loop3A_767 : vector<16xi32>
        %parallel_loop3A_769 = arith.sitofp %parallel_loop3A_768 : vector<16xi32> to vector<16xf32>
        %parallel_loop3A_770 = arith.mulf %parallel_loop3A_769, %parallel_loop3A_754 : vector<16xf32>
        %parallel_loop3A_771 = arith.index_cast %parallel_loop3A_738 : i32 to index
        %parallel_loop3A_772 = arith.constant 0 : index
        %parallel_loop3A_773 = tpu.vector_load %arg13[%parallel_loop3A_771, %parallel_loop3A_772] {strides = array<i32>} : memref<200x64xf32, #tpu.memory_space<vmem>>, vector<1x16xf32>,
        %parallel_loop3A_774 = vector.shape_cast %parallel_loop3A_773 : vector<1x16xf32> to vector<16xf32>
        %parallel_loop3A_775 = vector.shape_cast %parallel_loop3A_770 : vector<16xf32> to vector<1x16xf32>
        tpu.vector_store %arg13[%parallel_loop3A_771, %parallel_loop3A_772], %parallel_loop3A_775 {strides = array<i32>} : memref<200x64xf32, #tpu.memory_space<vmem>>, vector<1x16xf32>,
        %parallel_loop3A_776 = arith.constant 0 : i32
        %parallel_loop3A_777 = vector.broadcast %parallel_loop3A_776 : i32 to vector<16xi32>
        %parallel_loop3A_778 = arith.cmpi slt, %add3A_13, %parallel_loop3A_777 : vector<16xi32>
        %parallel_loop3A_779 = arith.constant 16 : i32
        %parallel_loop3A_780 = vector.broadcast %parallel_loop3A_779 : i32 to vector<16xi32>
        %parallel_loop3A_781 = arith.addi %add3A_13, %parallel_loop3A_780 : vector<16xi32>
        %parallel_loop3A_782 = arith.select %parallel_loop3A_778, %parallel_loop3A_781, %add3A_13 : vector<16xi1>, vector<16xi32>
        %parallel_loop3A_783 = vector.shape_cast %parallel_loop3A_782 : vector<16xi32> to vector<16x1xi32>
        %parallel_loop3A_784 = vector.shape_cast %parallel_loop3A_783 : vector<16x1xi32> to vector<16xi32>
        %parallel_loop3A_785 = tpu.dynamic_gather %parallel_loop3A_742[%parallel_loop3A_784] in [0] : vector<16xi32>, vector<16xi32> -> vector<16xi32>
        %parallel_loop3A_786 = arith.shli %parallel_loop3A_785, %sub3A_32 : vector<16xi32>
        %parallel_loop3A_787 = arith.constant 24 : i32
        %parallel_loop3A_788 = vector.broadcast %parallel_loop3A_787 : i32 to vector<16xi32>
        %parallel_loop3A_789 = arith.shrsi %parallel_loop3A_786, %parallel_loop3A_788 : vector<16xi32>
        %parallel_loop3A_790 = arith.sitofp %parallel_loop3A_789 : vector<16xi32> to vector<16xf32>
        %parallel_loop3A_791 = arith.mulf %parallel_loop3A_790, %parallel_loop3A_754 : vector<16xf32>
        %parallel_loop3A_792 = arith.index_cast %parallel_loop3A_738 : i32 to index
        %parallel_loop3A_793 = arith.constant 16 : index
        %parallel_loop3A_794 = tpu.vector_load %arg13[%parallel_loop3A_792, %parallel_loop3A_793] {strides = array<i32>} : memref<200x64xf32, #tpu.memory_space<vmem>>, vector<1x16xf32>,
        %parallel_loop3A_795 = vector.shape_cast %parallel_loop3A_794 : vector<1x16xf32> to vector<16xf32>
        %parallel_loop3A_796 = vector.shape_cast %parallel_loop3A_791 : vector<16xf32> to vector<1x16xf32>
        tpu.vector_store %arg13[%parallel_loop3A_792, %parallel_loop3A_793], %parallel_loop3A_796 {strides = array<i32>} : memref<200x64xf32, #tpu.memory_space<vmem>>, vector<1x16xf32>,
        %parallel_loop3A_797 = arith.constant 0 : i32
        %parallel_loop3A_798 = vector.broadcast %parallel_loop3A_797 : i32 to vector<16xi32>
        %parallel_loop3A_799 = arith.cmpi slt, %add3A_19, %parallel_loop3A_798 : vector<16xi32>
        %parallel_loop3A_800 = arith.constant 16 : i32
        %parallel_loop3A_801 = vector.broadcast %parallel_loop3A_800 : i32 to vector<16xi32>
        %parallel_loop3A_802 = arith.addi %add3A_19, %parallel_loop3A_801 : vector<16xi32>
        %parallel_loop3A_803 = arith.select %parallel_loop3A_799, %parallel_loop3A_802, %add3A_19 : vector<16xi1>, vector<16xi32>
        %parallel_loop3A_804 = vector.shape_cast %parallel_loop3A_803 : vector<16xi32> to vector<16x1xi32>
        %parallel_loop3A_805 = vector.shape_cast %parallel_loop3A_804 : vector<16x1xi32> to vector<16xi32>
        %parallel_loop3A_806 = tpu.dynamic_gather %parallel_loop3A_742[%parallel_loop3A_805] in [0] : vector<16xi32>, vector<16xi32> -> vector<16xi32>
        %parallel_loop3A_807 = arith.shli %parallel_loop3A_806, %sub3A_32 : vector<16xi32>
        %parallel_loop3A_808 = arith.constant 24 : i32
        %parallel_loop3A_809 = vector.broadcast %parallel_loop3A_808 : i32 to vector<16xi32>
        %parallel_loop3A_810 = arith.shrsi %parallel_loop3A_807, %parallel_loop3A_809 : vector<16xi32>
        %parallel_loop3A_811 = arith.sitofp %parallel_loop3A_810 : vector<16xi32> to vector<16xf32>
        %parallel_loop3A_812 = arith.mulf %parallel_loop3A_811, %parallel_loop3A_754 : vector<16xf32>
        %parallel_loop3A_813 = arith.index_cast %parallel_loop3A_738 : i32 to index
        %parallel_loop3A_814 = arith.constant 32 : index
        %parallel_loop3A_815 = tpu.vector_load %arg13[%parallel_loop3A_813, %parallel_loop3A_814] {strides = array<i32>} : memref<200x64xf32, #tpu.memory_space<vmem>>, vector<1x16xf32>,
        %parallel_loop3A_816 = vector.shape_cast %parallel_loop3A_815 : vector<1x16xf32> to vector<16xf32>
        %parallel_loop3A_817 = vector.shape_cast %parallel_loop3A_812 : vector<16xf32> to vector<1x16xf32>
        tpu.vector_store %arg13[%parallel_loop3A_813, %parallel_loop3A_814], %parallel_loop3A_817 {strides = array<i32>} : memref<200x64xf32, #tpu.memory_space<vmem>>, vector<1x16xf32>,
        %parallel_loop3A_818 = arith.constant 0 : i32
        %parallel_loop3A_819 = vector.broadcast %parallel_loop3A_818 : i32 to vector<16xi32>
        %parallel_loop3A_820 = arith.cmpi slt, %add3A_25, %parallel_loop3A_819 : vector<16xi32>
        %parallel_loop3A_821 = arith.constant 16 : i32
        %parallel_loop3A_822 = vector.broadcast %parallel_loop3A_821 : i32 to vector<16xi32>
        %parallel_loop3A_823 = arith.addi %add3A_25, %parallel_loop3A_822 : vector<16xi32>
        %parallel_loop3A_824 = arith.select %parallel_loop3A_820, %parallel_loop3A_823, %add3A_25 : vector<16xi1>, vector<16xi32>
        %parallel_loop3A_825 = vector.shape_cast %parallel_loop3A_824 : vector<16xi32> to vector<16x1xi32>
        %parallel_loop3A_826 = vector.shape_cast %parallel_loop3A_825 : vector<16x1xi32> to vector<16xi32>
        %parallel_loop3A_827 = tpu.dynamic_gather %parallel_loop3A_742[%parallel_loop3A_826] in [0] : vector<16xi32>, vector<16xi32> -> vector<16xi32>
        %parallel_loop3A_828 = arith.shli %parallel_loop3A_827, %sub3A_32 : vector<16xi32>
        %parallel_loop3A_829 = arith.constant 24 : i32
        %parallel_loop3A_830 = vector.broadcast %parallel_loop3A_829 : i32 to vector<16xi32>
        %parallel_loop3A_831 = arith.shrsi %parallel_loop3A_828, %parallel_loop3A_830 : vector<16xi32>
        %parallel_loop3A_832 = arith.sitofp %parallel_loop3A_831 : vector<16xi32> to vector<16xf32>
        %parallel_loop3A_833 = arith.mulf %parallel_loop3A_832, %parallel_loop3A_754 : vector<16xf32>
        %parallel_loop3A_834 = arith.index_cast %parallel_loop3A_738 : i32 to index
        %parallel_loop3A_835 = arith.constant 48 : index
        %parallel_loop3A_836 = tpu.vector_load %arg13[%parallel_loop3A_834, %parallel_loop3A_835] {strides = array<i32>} : memref<200x64xf32, #tpu.memory_space<vmem>>, vector<1x16xf32>,
        %parallel_loop3A_837 = vector.shape_cast %parallel_loop3A_836 : vector<1x16xf32> to vector<16xf32>
        %parallel_loop3A_838 = vector.shape_cast %parallel_loop3A_833 : vector<16xf32> to vector<1x16xf32>
        tpu.vector_store %arg13[%parallel_loop3A_834, %parallel_loop3A_835], %parallel_loop3A_838 {strides = array<i32>} : memref<200x64xf32, #tpu.memory_space<vmem>>, vector<1x16xf32>,
        %parallel_loop3A_839 = arith.constant 7 : i32
        %parallel_loop3A_840 = arith.addi %parallel_loop3A_121, %parallel_loop3A_839 : i32
        %parallel_loop3A_841 = arith.index_cast %parallel_loop3A_840 : i32 to index
        %parallel_loop3A_842 = arith.constant 0 : index
        %parallel_loop3A_843 = tpu.vector_load %arg9[%parallel_loop3A_841, %parallel_loop3A_842] {strides = array<i32>} : memref<200x16xi32, #tpu.memory_space<vmem>>, vector<1x16xi32>,
        %parallel_loop3A_844 = vector.shape_cast %parallel_loop3A_843 : vector<1x16xi32> to vector<16xi32>
        %parallel_loop3A_845 = arith.constant 7 : i32
        %parallel_loop3A_846 = vector.broadcast %parallel_loop3A_845 : i32 to vector<16xi32>
        %parallel_loop3A_847 = arith.constant 0 : i32
        %parallel_loop3A_848 = vector.broadcast %parallel_loop3A_847 : i32 to vector<16xi32>
        %parallel_loop3A_849 = arith.cmpi slt, %parallel_loop3A_846, %parallel_loop3A_848 : vector<16xi32>
        %parallel_loop3A_850 = arith.constant 16 : i32
        %parallel_loop3A_851 = vector.broadcast %parallel_loop3A_850 : i32 to vector<16xi32>
        %parallel_loop3A_852 = arith.addi %parallel_loop3A_846, %parallel_loop3A_851 : vector<16xi32>
        %parallel_loop3A_853 = arith.select %parallel_loop3A_849, %parallel_loop3A_852, %parallel_loop3A_846 : vector<16xi1>, vector<16xi32>
        %parallel_loop3A_854 = vector.shape_cast %parallel_loop3A_853 : vector<16xi32> to vector<16x1xi32>
        %parallel_loop3A_855 = vector.shape_cast %parallel_loop3A_854 : vector<16x1xi32> to vector<16xi32>
        %parallel_loop3A_856 = tpu.dynamic_gather %parallel_loop3A_124[%parallel_loop3A_855] in [0] : vector<16xf32>, vector<16xi32> -> vector<16xf32>
        %parallel_loop3A_857 = arith.constant 0 : i32
        %parallel_loop3A_858 = vector.broadcast %parallel_loop3A_857 : i32 to vector<16xi32>
        %parallel_loop3A_859 = arith.cmpi slt, %add3A_7, %parallel_loop3A_858 : vector<16xi32>
        %parallel_loop3A_860 = arith.constant 16 : i32
        %parallel_loop3A_861 = vector.broadcast %parallel_loop3A_860 : i32 to vector<16xi32>
        %parallel_loop3A_862 = arith.addi %add3A_7, %parallel_loop3A_861 : vector<16xi32>
        %parallel_loop3A_863 = arith.select %parallel_loop3A_859, %parallel_loop3A_862, %add3A_7 : vector<16xi1>, vector<16xi32>
        %parallel_loop3A_864 = vector.shape_cast %parallel_loop3A_863 : vector<16xi32> to vector<16x1xi32>
        %parallel_loop3A_865 = vector.shape_cast %parallel_loop3A_864 : vector<16x1xi32> to vector<16xi32>
        %parallel_loop3A_866 = tpu.dynamic_gather %parallel_loop3A_844[%parallel_loop3A_865] in [0] : vector<16xi32>, vector<16xi32> -> vector<16xi32>
        %parallel_loop3A_867 = arith.shli %parallel_loop3A_866, %sub3A_32 : vector<16xi32>
        %parallel_loop3A_868 = arith.constant 24 : i32
        %parallel_loop3A_869 = vector.broadcast %parallel_loop3A_868 : i32 to vector<16xi32>
        %parallel_loop3A_870 = arith.shrsi %parallel_loop3A_867, %parallel_loop3A_869 : vector<16xi32>
        %parallel_loop3A_871 = arith.sitofp %parallel_loop3A_870 : vector<16xi32> to vector<16xf32>
        %parallel_loop3A_872 = arith.mulf %parallel_loop3A_871, %parallel_loop3A_856 : vector<16xf32>
        %parallel_loop3A_873 = arith.index_cast %parallel_loop3A_840 : i32 to index
        %parallel_loop3A_874 = arith.constant 0 : index
        %parallel_loop3A_875 = tpu.vector_load %arg13[%parallel_loop3A_873, %parallel_loop3A_874] {strides = array<i32>} : memref<200x64xf32, #tpu.memory_space<vmem>>, vector<1x16xf32>,
        %parallel_loop3A_876 = vector.shape_cast %parallel_loop3A_875 : vector<1x16xf32> to vector<16xf32>
        %parallel_loop3A_877 = vector.shape_cast %parallel_loop3A_872 : vector<16xf32> to vector<1x16xf32>
        tpu.vector_store %arg13[%parallel_loop3A_873, %parallel_loop3A_874], %parallel_loop3A_877 {strides = array<i32>} : memref<200x64xf32, #tpu.memory_space<vmem>>, vector<1x16xf32>,
        %parallel_loop3A_878 = arith.constant 0 : i32
        %parallel_loop3A_879 = vector.broadcast %parallel_loop3A_878 : i32 to vector<16xi32>
        %parallel_loop3A_880 = arith.cmpi slt, %add3A_13, %parallel_loop3A_879 : vector<16xi32>
        %parallel_loop3A_881 = arith.constant 16 : i32
        %parallel_loop3A_882 = vector.broadcast %parallel_loop3A_881 : i32 to vector<16xi32>
        %parallel_loop3A_883 = arith.addi %add3A_13, %parallel_loop3A_882 : vector<16xi32>
        %parallel_loop3A_884 = arith.select %parallel_loop3A_880, %parallel_loop3A_883, %add3A_13 : vector<16xi1>, vector<16xi32>
        %parallel_loop3A_885 = vector.shape_cast %parallel_loop3A_884 : vector<16xi32> to vector<16x1xi32>
        %parallel_loop3A_886 = vector.shape_cast %parallel_loop3A_885 : vector<16x1xi32> to vector<16xi32>
        %parallel_loop3A_887 = tpu.dynamic_gather %parallel_loop3A_844[%parallel_loop3A_886] in [0] : vector<16xi32>, vector<16xi32> -> vector<16xi32>
        %parallel_loop3A_888 = arith.shli %parallel_loop3A_887, %sub3A_32 : vector<16xi32>
        %parallel_loop3A_889 = arith.constant 24 : i32
        %parallel_loop3A_890 = vector.broadcast %parallel_loop3A_889 : i32 to vector<16xi32>
        %parallel_loop3A_891 = arith.shrsi %parallel_loop3A_888, %parallel_loop3A_890 : vector<16xi32>
        %parallel_loop3A_892 = arith.sitofp %parallel_loop3A_891 : vector<16xi32> to vector<16xf32>
        %parallel_loop3A_893 = arith.mulf %parallel_loop3A_892, %parallel_loop3A_856 : vector<16xf32>
        %parallel_loop3A_894 = arith.index_cast %parallel_loop3A_840 : i32 to index
        %parallel_loop3A_895 = arith.constant 16 : index
        %parallel_loop3A_896 = tpu.vector_load %arg13[%parallel_loop3A_894, %parallel_loop3A_895] {strides = array<i32>} : memref<200x64xf32, #tpu.memory_space<vmem>>, vector<1x16xf32>,
        %parallel_loop3A_897 = vector.shape_cast %parallel_loop3A_896 : vector<1x16xf32> to vector<16xf32>
        %parallel_loop3A_898 = vector.shape_cast %parallel_loop3A_893 : vector<16xf32> to vector<1x16xf32>
        tpu.vector_store %arg13[%parallel_loop3A_894, %parallel_loop3A_895], %parallel_loop3A_898 {strides = array<i32>} : memref<200x64xf32, #tpu.memory_space<vmem>>, vector<1x16xf32>,
        %parallel_loop3A_899 = arith.constant 0 : i32
        %parallel_loop3A_900 = vector.broadcast %parallel_loop3A_899 : i32 to vector<16xi32>
        %parallel_loop3A_901 = arith.cmpi slt, %add3A_19, %parallel_loop3A_900 : vector<16xi32>
        %parallel_loop3A_902 = arith.constant 16 : i32
        %parallel_loop3A_903 = vector.broadcast %parallel_loop3A_902 : i32 to vector<16xi32>
        %parallel_loop3A_904 = arith.addi %add3A_19, %parallel_loop3A_903 : vector<16xi32>
        %parallel_loop3A_905 = arith.select %parallel_loop3A_901, %parallel_loop3A_904, %add3A_19 : vector<16xi1>, vector<16xi32>
        %parallel_loop3A_906 = vector.shape_cast %parallel_loop3A_905 : vector<16xi32> to vector<16x1xi32>
        %parallel_loop3A_907 = vector.shape_cast %parallel_loop3A_906 : vector<16x1xi32> to vector<16xi32>
        %parallel_loop3A_908 = tpu.dynamic_gather %parallel_loop3A_844[%parallel_loop3A_907] in [0] : vector<16xi32>, vector<16xi32> -> vector<16xi32>
        %parallel_loop3A_909 = arith.shli %parallel_loop3A_908, %sub3A_32 : vector<16xi32>
        %parallel_loop3A_910 = arith.constant 24 : i32
        %parallel_loop3A_911 = vector.broadcast %parallel_loop3A_910 : i32 to vector<16xi32>
        %parallel_loop3A_912 = arith.shrsi %parallel_loop3A_909, %parallel_loop3A_911 : vector<16xi32>
        %parallel_loop3A_913 = arith.sitofp %parallel_loop3A_912 : vector<16xi32> to vector<16xf32>
        %parallel_loop3A_914 = arith.mulf %parallel_loop3A_913, %parallel_loop3A_856 : vector<16xf32>
        %parallel_loop3A_915 = arith.index_cast %parallel_loop3A_840 : i32 to index
        %parallel_loop3A_916 = arith.constant 32 : index
        %parallel_loop3A_917 = tpu.vector_load %arg13[%parallel_loop3A_915, %parallel_loop3A_916] {strides = array<i32>} : memref<200x64xf32, #tpu.memory_space<vmem>>, vector<1x16xf32>,
        %parallel_loop3A_918 = vector.shape_cast %parallel_loop3A_917 : vector<1x16xf32> to vector<16xf32>
        %parallel_loop3A_919 = vector.shape_cast %parallel_loop3A_914 : vector<16xf32> to vector<1x16xf32>
        tpu.vector_store %arg13[%parallel_loop3A_915, %parallel_loop3A_916], %parallel_loop3A_919 {strides = array<i32>} : memref<200x64xf32, #tpu.memory_space<vmem>>, vector<1x16xf32>,
        %parallel_loop3A_920 = arith.constant 0 : i32
        %parallel_loop3A_921 = vector.broadcast %parallel_loop3A_920 : i32 to vector<16xi32>
        %parallel_loop3A_922 = arith.cmpi slt, %add3A_25, %parallel_loop3A_921 : vector<16xi32>
        %parallel_loop3A_923 = arith.constant 16 : i32
        %parallel_loop3A_924 = vector.broadcast %parallel_loop3A_923 : i32 to vector<16xi32>
        %parallel_loop3A_925 = arith.addi %add3A_25, %parallel_loop3A_924 : vector<16xi32>
        %parallel_loop3A_926 = arith.select %parallel_loop3A_922, %parallel_loop3A_925, %add3A_25 : vector<16xi1>, vector<16xi32>
        %parallel_loop3A_927 = vector.shape_cast %parallel_loop3A_926 : vector<16xi32> to vector<16x1xi32>
        %parallel_loop3A_928 = vector.shape_cast %parallel_loop3A_927 : vector<16x1xi32> to vector<16xi32>
        %parallel_loop3A_929 = tpu.dynamic_gather %parallel_loop3A_844[%parallel_loop3A_928] in [0] : vector<16xi32>, vector<16xi32> -> vector<16xi32>
        %parallel_loop3A_930 = arith.shli %parallel_loop3A_929, %sub3A_32 : vector<16xi32>
        %parallel_loop3A_931 = arith.constant 24 : i32
        %parallel_loop3A_932 = vector.broadcast %parallel_loop3A_931 : i32 to vector<16xi32>
        %parallel_loop3A_933 = arith.shrsi %parallel_loop3A_930, %parallel_loop3A_932 : vector<16xi32>
        %parallel_loop3A_934 = arith.sitofp %parallel_loop3A_933 : vector<16xi32> to vector<16xf32>
        %parallel_loop3A_935 = arith.mulf %parallel_loop3A_934, %parallel_loop3A_856 : vector<16xf32>
        %parallel_loop3A_936 = arith.index_cast %parallel_loop3A_840 : i32 to index
        %parallel_loop3A_937 = arith.constant 48 : index
        %parallel_loop3A_938 = tpu.vector_load %arg13[%parallel_loop3A_936, %parallel_loop3A_937] {strides = array<i32>} : memref<200x64xf32, #tpu.memory_space<vmem>>, vector<1x16xf32>,
        %parallel_loop3A_939 = vector.shape_cast %parallel_loop3A_938 : vector<1x16xf32> to vector<16xf32>
        %parallel_loop3A_940 = vector.shape_cast %parallel_loop3A_935 : vector<16xf32> to vector<1x16xf32>
        tpu.vector_store %arg13[%parallel_loop3A_936, %parallel_loop3A_937], %parallel_loop3A_940 {strides = array<i32>} : memref<200x64xf32, #tpu.memory_space<vmem>>, vector<1x16xf32>,
      } {sc.loop_unroll_factor = 1 : i64, sc.parallel_access}
      %add3A_107 = arith.constant 1 : i32
      %add3A_108 = arith.addi %mul3A_59, %add3A_107 : i32
      %add3A_109 = arith.addi %mul3A_2, %add3A_108 : i32
      %mul3A_110 = arith.constant 200 : i32
      %mul3A_111 = arith.muli %add3A_109, %mul3A_110 : i32
      %dma_start3A_112 = arith.constant 0 : i32
      %dma_start3A_113 = tpu.memref_slice %arg5[%mul3A_111, %dma_start3A_112] : memref<819200x64xf32, #tpu.memory_space<hbm>> -> memref<200x64xf32, #tpu.memory_space<hbm>>
      %dma_start3A_114 = arith.constant 0 : i32
      %dma_start3A_115 = tpu.memref_slice %arg5[%mul3A_111, %dma_start3A_114] : memref<819200x64xf32, #tpu.memory_space<hbm>> -> memref<200x64xf32, #tpu.memory_space<hbm>>
      tpu.enqueue_dma source(%arg13 : memref<200x64xf32, #tpu.memory_space<vmem>>) target(%dma_start3A_115 : memref<200x64xf32, #tpu.memory_space<hbm>>) target_semaphore(%arg21 : memref<!tpu.dma_semaphore, #tpu.memory_space<semaphore_mem>>)
      %convert_element_type3A_116 = arith.extui %lt3A_60 : i1 to i32
      %cond3A_117 = arith.constant 0 : i32
      %cond3A_118 = arith.cmpi ne, %convert_element_type3A_116, %cond3A_117 : i32
      scf.if %cond3A_118 {
        %dma_wait3A_119 = arith.constant 0 : i32
        %dma_wait3A_120 = arith.constant 0 : i32
        %dma_wait3A_121 = tpu.memref_slice %arg2[%dma_wait3A_119, %dma_wait3A_120] : memref<4096x200xi32, #tpu.memory_space<hbm>> -> memref<1x200xi32, #tpu.memory_space<hbm>>
        %dma_wait3A_122 = tpu.memref_squeeze %dma_wait3A_121 : memref<1x200xi32, #tpu.memory_space<hbm>> -> memref<200xi32, #tpu.memory_space<hbm>>
        %dma_wait3A_123 = arith.constant 0 : i32
        %dma_wait3A_124 = tpu.memref_slice %arg2[%dma_wait3A_119, %dma_wait3A_123] : memref<4096x200xi32, #tpu.memory_space<hbm>> -> memref<1x200xi32, #tpu.memory_space<hbm>>
        %dma_wait3A_125 = tpu.memref_squeeze %dma_wait3A_124 : memref<1x200xi32, #tpu.memory_space<hbm>> -> memref<200xi32, #tpu.memory_space<hbm>>
        tpu.wait_dma2 semaphore(%arg14 : memref<!tpu.dma_semaphore, #tpu.memory_space<semaphore_mem>>) src(%dma_wait3A_125 : memref<200xi32, #tpu.memory_space<hbm>>) dst(%arg6 : memref<200xi32, #tpu.memory_space<vmem>>)
        %dma_start3A_126 = arith.constant 0 : i32
        %dma_start3A_127 = arith.constant 0 : i32
        %dma_start3A_128 = tpu.memref_slice %arg3[%dma_start3A_126, %dma_start3A_127] : memref<1000000x16xi32, #tpu.memory_space<hbm>> -> memref<1000000x16xi32, #tpu.memory_space<hbm>>
        tpu.enqueue_indirect_dma source(%dma_start3A_128 : memref<1000000x16xi32, #tpu.memory_space<hbm>>) target(%arg8 : memref<200x16xi32, #tpu.memory_space<vmem>>) offsets(%arg6 : memref<200xi32, #tpu.memory_space<vmem>>) semaphore(%arg16 : memref<!tpu.dma_semaphore, #tpu.memory_space<semaphore_mem>>)
        %dma_start3A_129 = arith.constant 0 : i32
        %dma_start3A_130 = tpu.memref_slice %arg10[%dma_start3A_129] : memref<208xf32, #tpu.memory_space<vmem>> -> memref<200xf32, #tpu.memory_space<vmem>>
        %dma_start3A_131 = arith.constant 0 : i32
        %dma_start3A_132 = tpu.memref_slice %arg4[%dma_start3A_131] : memref<1000000xf32, #tpu.memory_space<hbm>> -> memref<1000000xf32, #tpu.memory_space<hbm>>
        tpu.enqueue_indirect_dma source(%dma_start3A_132 : memref<1000000xf32, #tpu.memory_space<hbm>>) target(%dma_start3A_130 : memref<200xf32, #tpu.memory_space<vmem>>) offsets(%arg6 : memref<200xi32, #tpu.memory_space<vmem>>) semaphore(%arg18 : memref<!tpu.dma_semaphore, #tpu.memory_space<semaphore_mem>>)
        %dma_wait3A_133 = arith.constant 0 : i32
        %dma_wait3A_134 = arith.constant 0 : i32
        %dma_wait3A_135 = tpu.memref_slice %arg2[%dma_wait3A_133, %dma_wait3A_134] : memref<4096x200xi32, #tpu.memory_space<hbm>> -> memref<1x200xi32, #tpu.memory_space<hbm>>
        %dma_wait3A_136 = tpu.memref_squeeze %dma_wait3A_135 : memref<1x200xi32, #tpu.memory_space<hbm>> -> memref<200xi32, #tpu.memory_space<hbm>>
        %dma_wait3A_137 = arith.constant 0 : i32
        %dma_wait3A_138 = tpu.memref_slice %arg2[%dma_wait3A_133, %dma_wait3A_137] : memref<4096x200xi32, #tpu.memory_space<hbm>> -> memref<1x200xi32, #tpu.memory_space<hbm>>
        %dma_wait3A_139 = tpu.memref_squeeze %dma_wait3A_138 : memref<1x200xi32, #tpu.memory_space<hbm>> -> memref<200xi32, #tpu.memory_space<hbm>>
        tpu.wait_dma2 semaphore(%arg15 : memref<!tpu.dma_semaphore, #tpu.memory_space<semaphore_mem>>) src(%dma_wait3A_139 : memref<200xi32, #tpu.memory_space<hbm>>) dst(%arg7 : memref<200xi32, #tpu.memory_space<vmem>>)
      } else {
      }
    }
    %scan3A_45 = arith.constant 64 : i32
    %dma_wait3A = arith.constant 0 : i32
    %dma_wait3A_46 = arith.constant 0 : i32
    %dma_wait3A_47 = tpu.memref_slice %arg5[%dma_wait3A, %dma_wait3A_46] : memref<819200x64xf32, #tpu.memory_space<hbm>> -> memref<200x64xf32, #tpu.memory_space<hbm>>
    %dma_wait3A_48 = arith.constant 0 : i32
    %dma_wait3A_49 = arith.constant 0 : i32
    %dma_wait3A_50 = tpu.memref_slice %arg5[%dma_wait3A_48, %dma_wait3A_49] : memref<819200x64xf32, #tpu.memory_space<hbm>> -> memref<200x64xf32, #tpu.memory_space<hbm>>
    tpu.wait_dma2 semaphore(%arg20 : memref<!tpu.dma_semaphore, #tpu.memory_space<semaphore_mem>>) src(%arg12 : memref<200x64xf32, #tpu.memory_space<vmem>>) dst(%dma_wait3A_50 : memref<200x64xf32, #tpu.memory_space<hbm>>)
    %dma_wait3A_51 = arith.constant 0 : i32
    %dma_wait3A_52 = arith.constant 0 : i32
    %dma_wait3A_53 = tpu.memref_slice %arg5[%dma_wait3A_51, %dma_wait3A_52] : memref<819200x64xf32, #tpu.memory_space<hbm>> -> memref<200x64xf32, #tpu.memory_space<hbm>>
    %dma_wait3A_54 = arith.constant 0 : i32
    %dma_wait3A_55 = arith.constant 0 : i32
    %dma_wait3A_56 = tpu.memref_slice %arg5[%dma_wait3A_54, %dma_wait3A_55] : memref<819200x64xf32, #tpu.memory_space<hbm>> -> memref<200x64xf32, #tpu.memory_space<hbm>>
    tpu.wait_dma2 semaphore(%arg21 : memref<!tpu.dma_semaphore, #tpu.memory_space<semaphore_mem>>) src(%arg13 : memref<200x64xf32, #tpu.memory_space<vmem>>) dst(%dma_wait3A_56 : memref<200x64xf32, #tpu.memory_space<hbm>>)
    return
  }
}

</mosaic_0001>

<sc_bundles>
// kernel: kernel.3.cloned.1.call-start
scs
__scs_entry_jumppad:
0x0: {  	(pc) =	sbr.rel $0x88, $3  }
0x1: {  	(tag) =	ssettag $0x0;
	lr =	simm.s32 $0x1  }
0x2: {  	[smem:$0x3F9E] =	sst lr;
	_ =	strace $0xD0000000  }
0x3: {  	_ = 	snop  }
0x4: {  	_ = 	snop  }
0x5: {  	_ = 	snop  }
0x6: {  	_ = 	snop  }
0x7: {  	_ = 	snop  }
__scs_overlays_trampoline_lowered:
0x8: {  	[smem:$0x3FAD] =	sst s0  }
0x9: {  	[smem:$0x3FAE] =	sst s1  }
0xa: {  	[smem:$0x3FAF] =	sst s2  }
0xb: {  	[smem:$0x3FB0] =	sst s3  }
0xc: {  	[smem:$0x3FB1] =	sst s4  }
0xd: {  	[smem:$0x3FB2] =	sst s5  }
0xe: {  	[smem:$0x3FB3] =	sst s6  }
0xf: {  	[smem:$0x3FB4] =	sst s7  }
0x10: {  	[smem:$0x3FB5] =	sst s8  }
0x11: {  	[smem:$0x3FB6] =	sst s9;
	s0 =	simm.s32 @!p0 $0x0  }
0x12: {  	s1 =	sld [smem:$0x3F9C];
	s0 =	simm.s32 @p0 $0x1  }
0x13: {  	[smem:$0x3FB7] =	sst s0;
	s0 =	simm.s32 @!p1 $0x0  }
0x14: {  	s2 =	sld [smem:$0x3F9B];
	s0 =	simm.s32 @p1 $0x1  }
0x15: {  	[smem:$0x3FB8] =	sst s0;
	s0 =	simm.s32 @!p2 $0x0  }
0x16: {  	s3 =	sld [smem:$0x3FDB];
	s0 =	simm.s32 @p2 $0x1  }
0x17: {  	s4 =	simm.s32 $0x1BF5;
	[smem:$0x3FBA] =	sst s0  }
0x18: {  	s0 =	sld [smem:$0x3F9D];
	_ =	swait.ge [sflag:s4], $0x0  }
0x19: {  	s7 =	sld [smem:$0x3F9E]  }
0x1a: {  	s8 =	sadd.s32 $0xFFFFE003, lr  }
0x1b: {  	s9 =	sadd.s32 $0xFFFFFEF7, lr;
	s5 =	simm.s32 $0xFFFFFFFF;
	p2 =	slt.u32 s8, $0xFFFFF086  }
0x1c: {  	p1 =	slt.u32 s9, $0xF7A;
	s5 =	simm.s32 @!p2 $0x0  }
0x1d: {  	s5 =	simm.s32 @p1 $0x1;
	p0 =	seq.s32 s7, s2  }
0x1e: {  	s7 =	smul.u32 @!p0 $0xF7A, s2;
	p2 =	seq.s32 @!p0 s5, $0x0  }
0x1f: {  	s9 =	smul.u32 $0xF7A, s1;
	s8 =	simm.s32 @!p0 $0x1BF5;
	p2 =	por !p2, p0  }
0x20: {  	[sflag:s8] =	ssyncset.s32 @!p0 $0xFFFFF086;
	s6 =	sadd.s32 @!p0 s3, s7;
	s7 =	simm.s32 @!p0 $0x108  }
0x21: {  	s3 =	sadd.s32 s3, s9;
	s6 =	sadd.s32 @!p0 $0x88, s6;
	s7 =	simm.s32 @p2 $0x1082  }
0x22: {  	[simem:s7], [sflag:s8] =	dma.local @!p0 [hbm:s6], $0xF7A  }
0x23: {  	s9 =	sor.u32 $0xD0000000, s2;
	s6 =	simm.s32 $0x108;
	_ =	swait.ge @!p0 [sflag:s8], $0x0  }
0x24: {  	s3 =	sadd.s32 $0x88, s3;
	s6 =	simm.s32 @!p1 $0x1082;
	[sflag:s4] =	ssyncset.s32 $0xFFFFF086  }
0x25: {  	[simem:s6], [sflag:s4] =	dma.local [hbm:s3], $0xF7A  }
0x26: {  	[smem:$0x3F9E] =	sst s1;
	(tag) =	ssettag s2;
	_ =	strace s9  }
0x27: {  	s1 =	sld [smem:$0x3FAE]  }
0x28: {  	s2 =	sld [smem:$0x3FAF]  }
0x29: {  	s4 =	sld [smem:$0x3FB1]  }
0x2a: {  	p0 =	seq.s32 s5, $0x0;
	s5 =	sld [smem:$0x3FB2]  }
0x2b: {  	s6 =	sld [smem:$0x3FB3]  }
0x2c: {  	s7 =	sld [smem:$0x3FB4]  }
0x2d: {  	s3 =	simm.s32 $0x108;
	s8 =	sld [smem:$0x3FB5]  }
0x2e: {  	s3 =	simm.s32 @!p0 $0x1082;
	s9 =	sld [smem:$0x3FB6]  }
0x2f: {  	lr =	sadd.s32 s0, s3;
	s0 =	sld [smem:$0x3FAD]  }
0x30: {  	s3 =	sld [smem:$0x3FB0]  }
0x31: {  	[smem:$0x3FB9] =	sst s10  }
0x32: {  	s10 =	sld [smem:$0x3FB7];
	_ =	sdelay $0x3  }
0x33: {  	p0 =	seq.s32 s10, $0x1;
	s10 =	sld [smem:$0x3FB9];
	_ =	sdelay $0x3  }
0x34: {  	[smem:$0x3FB9] =	sst s10  }
0x35: {  	s10 =	sld [smem:$0x3FB8];
	_ =	sdelay $0x3  }
0x36: {  	p1 =	seq.s32 s10, $0x1;
	s10 =	sld [smem:$0x3FB9];
	_ =	sdelay $0x3  }
0x37: {  	[smem:$0x3FB9] =	sst s10  }
0x38: {  	s10 =	sld [smem:$0x3FBA]  }
0x39: {  	_ = 	snop;
	(pc) =	sbr.ind lr, $3  }
0x3a: {  	_ = 	snop  }
0x3b: {  	_ = 	snop  }
0x3c: {  	p2 =	seq.s32 s10, $0x1;
	s10 =	sld [smem:$0x3FB9]  }
0x3d: {  	_ =	shalt  }
0x3e: {  	_ =	shalt  }
0x3f: {  	_ =	shalt  }
0x40: {  	_ =	shalt  }
0x41: {  	_ =	shalt  }
0x42: {  	_ =	shalt  }
0x43: {  	_ =	shalt  }
0x44: {  	_ =	shalt  }
0x45: {  	_ =	shalt  }
0x46: {  	_ =	shalt  }
0x47: {  	_ =	shalt  }
0x48: {  	_ =	shalt  }
0x49: {  	_ =	shalt  }
0x4a: {  	_ =	shalt  }
0x4b: {  	_ =	shalt  }
0x4c: {  	_ =	shalt  }
0x4d: {  	_ =	shalt  }
0x4e: {  	_ =	shalt  }
0x4f: {  	_ =	shalt  }
0x50: {  	_ =	shalt  }
0x51: {  	_ =	shalt  }
0x52: {  	_ =	shalt  }
0x53: {  	_ =	shalt  }
0x54: {  	_ =	shalt  }
0x55: {  	_ =	shalt  }
0x56: {  	_ =	shalt  }
0x57: {  	_ =	shalt  }
0x58: {  	_ =	shalt  }
0x59: {  	_ =	shalt  }
0x5a: {  	_ =	shalt  }
0x5b: {  	_ =	shalt  }
0x5c: {  	_ =	shalt  }
0x5d: {  	_ =	shalt  }
0x5e: {  	_ =	shalt  }
0x5f: {  	_ =	shalt  }
0x60: {  	_ =	shalt  }
0x61: {  	_ =	shalt  }
0x62: {  	_ =	shalt  }
0x63: {  	_ =	shalt  }
0x64: {  	_ =	shalt  }
0x65: {  	_ =	shalt  }
0x66: {  	_ =	shalt  }
0x67: {  	_ =	shalt  }
0x68: {  	_ =	shalt  }
0x69: {  	_ =	shalt  }
0x6a: {  	_ =	shalt  }
0x6b: {  	_ =	shalt  }
0x6c: {  	_ =	shalt  }
0x6d: {  	_ =	shalt  }
0x6e: {  	_ =	shalt  }
0x6f: {  	_ =	shalt  }
0x70: {  	_ =	shalt  }
0x71: {  	_ =	shalt  }
0x72: {  	_ =	shalt  }
0x73: {  	_ =	shalt  }
0x74: {  	_ =	shalt  }
0x75: {  	_ =	shalt  }
0x76: {  	_ =	shalt  }
0x77: {  	_ =	shalt  }
0x78: {  	_ =	shalt  }
0x79: {  	_ =	shalt  }
0x7a: {  	_ =	shalt  }
0x7b: {  	_ =	shalt  }
0x7c: {  	_ =	shalt  }
0x7d: {  	_ =	shalt  }
0x7e: {  	_ =	shalt  }
0x7f: {  	_ =	shalt  }
0x80: {  	_ =	shalt  }
0x81: {  	_ =	shalt  }
0x82: {  	_ =	shalt  }
0x83: {  	_ =	shalt  }
0x84: {  	_ =	shalt  }
0x85: {  	_ =	shalt  }
0x86: {  	_ =	shalt  }
0x87: {  	_ =	shalt  }
.Lfunc_end0:
.L_simem_size_0:
called_computation.2_lowered:
.L_overlay_start_0:
0x88: {  	s2 =	sld [smem:$0x3FD9]  }
0x89: {  	s3 =	sld [smem:$0x3FFE];
	_ =	sdelay $0x1  }
0x8a: {  	s1 =	srdreg.scid  }
0x8b: {  	s0 =	sand.u32 $0x1, s1  }
0x8c: {  	s17 =	sshll.u32 s0, $0xA;
	s2 =	sadd.s32 s3, s2  }
0x8d: {  	s2 =	sadd.s32 s2, s17  }
0x8e: {  	[smem:$0x3FC5] =	sst s2  }
0x8f: {  	_ = 	snop  }
0x90: {  	s2 =	sld [smem:$0x3FD0];
	(tm) =	ssettm $0x1  }
0x91: {  	s18 =	sld [smem:$0x3FFB];
	_ =	sdelay $0x3  }
0x92: {  	_ =	strace s18  }
0x93: {  	s3 =	sld [smem:$0x3FFC];
	_ =	sdelay $0x3  }
0x94: {  	_ =	strace s3  }
0x95: {  	s3 =	sld [smem:$0x3FFD];
	_ =	sdelay $0x3  }
0x96: {  	_ =	strace s3  }
0x97: {  	_ =	strace $0x8FFFFFFF  }
0x98: {  	s19 =	sld [smem:$0x3FDB];
	_ =	sdelay $0x1  }
0x99: {  	s4 =	simm.s32 $_scs_section_size  }
0x9a: {  	s5 =	simm.s32 $_size__tile_overlayer_lowered;
	s6 =	simm.s32 $_tile_overlayer_lowered  }
0x9b: {  	s22 =	simm.s32 $0x1BFF;
	s21 =	sshll.u32 s6, $0x1;
	s3 =	sadd.s32 s4, s19  }
0x9c: {  	s7 =	simm.s32 $0x0;
	s20 =	sshll.u32 s5, $0x1;
	s5 =	sadd.s32 s21, s3  }
0x9d: {  	[timem:s7], [sflag:s22] =	dma.local [hbm:s5], s20  }
0x9e: {  	_ =	swait.ge [sflag:s22], s20  }
0x9f: {  	s4 =	ssub.s32 $0x0, s20;
	[sflag:s22] =	ssyncset.done $0x0  }
0xa0: {  	[sflag:s22] =	ssyncadd.s32 s4;
	_ =	sdelay $0x1  }
0xa1: {  	s23 =	simm.s32 $0x1B8B  }
0xa2: {  	_ =	swait.ge [sflag:s23], $0x1  }
0xa3: {  	[sflag:s23] =	ssyncset.done $0x0  }
0xa4: {  	s25 =	simm.s32 $0x1B8E;
	s24 =	sld [smem:$0x3FFE];
	[sflag:s23] =	ssyncadd.s32 $0xFFFFFFFF  }
0xa5: {  	s26 =	simm.s32 $execute0_lowered;
	[smem:$0x3FD2] =	sst s25  }
0xa6: {  	s5 =	sshll.u32 s26, $0x1;
	_ =	strace $0x80000049;
	[dreg:$0x1] =	wrdreg $0xFFFFFFFF  }
0xa7: {  	s28 =	simm.s32 $_size_execute0_lowered;
	s3 =	sadd.s32 s3, s5;
	[dreg:$0x0] =	wrdreg $0x0  }
0xa8: {  	s5 =	sshll.u32 s28, $0x1;
	[dreg:$0x2] =	wrdreg s3  }
0xa9: {  	[dreg:$0x3] =	wrdreg s5  }
0xaa: {  	[dreg:$0x4] =	wrdreg $0xC0  }
0xab: {  	_ =	task [dreg:s7], $0x5FFFF  }
0xac: {  	[dreg:$0x1] =	wrdreg $0xFFFFFFFF  }
0xad: {  	[dreg:$0x0] =	wrdreg $0x60  }
0xae: {  	[dreg:$0x2] =	wrdreg s24  }
0xaf: {  	[dreg:$0x3] =	wrdreg s2  }
0xb0: {  	[dreg:$0x4] =	wrdreg $0x9  }
0xb1: {  	_ =	task.clear_ibuf [dreg:s7], $0x5FFFF;
	_ =	strace $0x90000049  }
0xb2: {  	s29 =	simm.s32 $0x9;
	_ =	strace $0x8000004B  }
0xb3: {  	_ =	swait.ge [sflag:s29], $0x1  }
0xb4: {  	[sflag:s29] =	ssyncadd.s32 $0xFFFFFFFF  }
0xb5: {  	_ =	strace $0x9000004B  }
0xb6: {  	_ =	sfence  }
0xb7: {  	s30 =	sld [smem:$0x0];
	_ =	sdelay $0x2  }
0xb8: {  	s31 =	sshll.u32 s1, $0xD;
	s1 =	sshrl.u32 s1, $0x2  }
0xb9: {  	s3 =	sand.u32 $0x4000, s31;
	s1 =	sadd.s32 s1, s30  }
0xba: {  	s0 =	sor.u32 s3, s0;
	s1 =	sshll.u32 s1, $0x11  }
0xbb: {  	s0 =	sor.u32 s1, s0  }
0xbc: {  	s0 =	sadd.s32 $0x8F2B, s0  }
0xbd: {  	[sflag:s0] =	ssyncadd.remote.s32 $0x1  }
0xbe: {  	_ =	sfence.sel $0xFFFF  }
0xbf: {  	[dreg:$0x0] =	wrdreg $0xFFFFFFFF;
	(pc) =	sbr.abs _section_cstart, $3  }
0xc0: {  	[dreg:$0x1] =	wrdreg $0xFFFFFFFF  }
0xc1: {  	_ =	task.clear_ibuf [dreg:s7], $0x2FFFF;
	_ =	strace $0x9FFFFFFF  }
0xc2: {  	(tm) =	ssettm $0x7FFFFFFF  }
0xc3: {  	_ =	shalt  }
tec
execute0_lowered:
.L_overlay_start_1:
0x0: {  	(tag) =	ssettag $0x1  }
0x1: {  	s0 =	rddreg [dreg:$0x0]  }
0x2: {  	s2 =	rddreg [dreg:$0x1];
	s1 =	srdreg.scid  }
0x3: {  	s4 =	stileid.u32;
	s3 =	simm.s32 $0x0;
	s14 =	simm.s32 $0xC8  }
0x4: {  	s15 =	simm.s32 $0x190;
	s16 =	simm.s32 $0x1A90;
	s17 =	simm.s32 $0xE10  }
0x5: {  	s18 =	simm.s32 $0x1B60;
	s19 =	simm.s32 $0x3;
	s20 =	simm.s32 $0x5  }
0x6: {  	s21 =	simm.s32 $0x1C30;
	s22 =	simm.s32 $0x4;
	s23 =	simm.s32 $0x6  }
0x7: {  	s24 =	simm.s32 $0x4E30;
	s25 =	simm.s32 $0x7;
	s1 =	sand.u32 $0x1, s1  }
0x8: {  	s28 =	simm.s32 $0x1;
	s4 =	sshll.u32 s4, $0x8;
	s5 =	sshll.u32 s1, $0x7  }
0x9: {  	s29 =	simm.s32 $0x2;
	s1 =	ssub.s32 $0x2, s1;
	s4 =	sor.u32 s5, s4  }
0xa: {  	v0 =	vlaneseq.u32;
	[smem:$0x7FF] =	sst s3;
	s9 =	sshrl.u32 s1, $0x1;
	s8 =	smul.u32 $0x19, s4  }
.Ltmp0:
0xb: {  	v6 =	vimm.s32 $0x1;
	v7 =	vimm.s32 $0x2;
	v8 =	vimm.s32 $0x3;
	s6 =	sadd.s32 $0x600, s0;
	s30 =	ssub.s32 s1, s9;
	(pc) =	sbr.rel .LBB2_1-.Ltmp0, $4  }
0xc: {  	v9 =	vimm.s32 $0x4;
	v10 =	vimm.s32 $0x5;
	s7 =	sadd.s32 $0x1144000, s0;
	v1 =	vand.u32 $0x3, v0;
	s5 =	sadd.s32 $0x112B000, s0;
	s0 =	smax.u32 s30, $0x1  }
0xd: {  	v11 =	vimm.s32 $0x6;
	v0 =	vshrl.u32 v0, $0x2;
	_ =	strace $0x8000004A;
	v2 =	vmul.u32 $0xFFFFFFF8, v1;
	s31 =	sadd.s32 s5, s8;
	[dreg:$0x5] =	wrdreg s0  }
0xe: {  	v12 =	vimm.s32 $0x7;
	v1 =	vimm.s32 $0x0;
	v3 =	vor.u32 $0x4, v0;
	s10 =	sor.u32 $0x2, s4;
	[dreg:$0x3] =	wrdreg s31;
	s1 =	sadd.s32 $0x19, s31  }
0xf: {  	v4 =	vor.u32 $0x8, v0;
	v5 =	vor.u32 $0xC, v0;
	s11 =	sor.u32 $0x3, s4;
	v2 =	vadd.s32 $0x18, v2;
	s8 =	simm.s32 $0x0;
	[dreg:$0x4] =	wrdreg s1  }
.LBB2_11:
0x10: {  	_ =	swait.ge [sflag:s25], $0x3200  }
0x11: {  	[sflag:s25] =	ssyncset.done $0x0  }
0x12: {  	s1 =	simm.s32 $0x8;
	[sflag:s25] =	ssyncadd.s32 $0xFFFFCE00  }
0x13: {  	_ =	swait.ge [sflag:s1], $0x3200  }
0x14: {  	s8 =	rddreg [dreg:$0x6]  }
0x15: {  	s0 =	rddreg [dreg:$0x5];
	s8 =	sadd.s32 $0x1, s8  }
0x16: {  	p0 =	sne.s32 s8, s0  }
.Ltmp1:
0x17: {  	_ = 	snop;
	(pc) =	sbr.rel @!p0 .LBB2_12-.Ltmp1, $3  }
0x18: {  	_ =	sdelay $0x1  }
0x19: {  	[sflag:s1] =	ssyncset.done $0x0  }
0x1a: {  	[sflag:s1] =	ssyncadd.s32 $0xFFFFCE00  }
.LBB2_1:
0x1b: {  	[dreg:$0x6] =	wrdreg s8  }
0x1c: {  	s0 =	rddreg [dreg:$0x3];
	s1 =	simm.s32 $0x9  }
0x1d: {  	[tilespmem:s3], [sflag:$0x9] =	stream.linear.gather [hbm4b:s0+s3], $0xC8, $0x38;
	[tilespmem:$0x8030] =	vst v63  }
0x1e: {  	_ =	swait.ge [sflag:s1], $0xC8  }
0x1f: {  	[sflag:s1] =	ssyncset.done $0x0  }
0x20: {  	[sflag:s1] =	ssyncadd.s32 $0xFFFFFF38  }
0x21: {  	[tilespmem:s15], [sflag:$0x3] =	stream.indirect.gather [hbm4b:s6+s14], $0x10, s3, s14, $0xb8;
	[tilespmem:$0x8030] =	vst v63  }
0x22: {  	_ = 	snop  }
0x23: {  	[tilespmem:s16], [sflag:$0x5] =	stream.indirect.gather [hbm4b:s7+s14], $0x1, s3, s14, $0xb8;
	[tilespmem:$0x8030] =	vst v63  }
0x24: {  	s30 =	rddreg [dreg:$0x4]  }
0x25: {  	[tilespmem:s14], [sflag:$0x9] =	stream.linear.gather [hbm4b:s30+s3], $0xC8, $0x38;
	[tilespmem:$0x8030] =	vst v63  }
0x26: {  	_ =	swait.ge [sflag:s1], $0xC8  }
0x27: {  	[sflag:s1] =	ssyncset.done $0x0  }
0x28: {  	s31 =	simm.s32 $0x0;
	[sflag:s1] =	ssyncadd.s32 $0xFFFFFF38  }
.LBB2_2:
0x29: {  	[tilespmem:s17], [sflag:$0x4] =	stream.indirect.gather [hbm4b:s6+s14], $0x10, s14, s14, $0xb8;
	[tilespmem:$0x8030] =	vst v63  }
0x2a: {  	p0 =	seq.s32 s31, $0x3F  }
0x2b: {  	[tilespmem:s18], [sflag:$0x6] =	stream.indirect.gather [hbm4b:s7+s14], $0x1, s14, s14, $0xb8;
	[tilespmem:$0x8030] =	vst v63  }
0x2c: {  	p1 =	seq.s32 @!p0 s31, $0x0;
	_ =	swait.ge [sflag:s19], $0xC80  }
0x2d: {  	s0 =	sshll.u32 s31, $0x1;
	p1 =	por p0, !p1;
	[sflag:s19] =	ssyncset.done $0x0  }
.Ltmp2:
0x2e: {  	s1 =	sadd.s32 @!p0 s0, s10;
	[sflag:s19] =	ssyncadd.s32 $0xFFFFF380;
	(pc) =	sbr.rel @!p1 .LBB2_3-.Ltmp2, $4  }
0x2f: {  	s1 =	smul.u32 @!p0 $0x19, s1;
	_ =	swait.ge [sflag:s20], $0xC8  }
0x30: {  	[sflag:s20] =	ssyncset.done $0x0  }
0x31: {  	s8 =	simm.s32 @!p0 $0x0;
	s1 =	sadd.s32 @!p0 s5, s1;
	[sflag:s20] =	ssyncadd.s32 $0xFFFFFF38  }
0x32: {  	[tilespmem:s8], [sflag:$0x1] =	stream.linear.gather @!p0 [hbm4b:s1+s8], $0xC8, $0x38;
	[tilespmem:$0x8030] =	vst v63  }
.Ltmp3:
0x33: {  	(pc) =	sbr.rel .LBB2_5-.Ltmp3, $4  }
0x34: {  	_ = 	snop  }
0x35: {  	_ =	swait.ge [sflag:s25], $0x3200  }
0x36: {  	[sflag:s25] =	ssyncset.done $0x0  }
0x37: {  	p1 =	por $0x0, $0x0;
	[sflag:s25] =	ssyncadd.s32 $0xFFFFCE00  }
.LBB2_3:
0x38: {  	p1 =	por @!p0 $0x1, $0x1  }
.LBB2_5:
0x39: {  	s8 =	simm.s32 $0x1D0  }
0x3a: {  	v13 =	vld [tilespmem:s8+$0xFFFFFFC0];
	_ =	sdelay $0x1  }
0x3b: {  	s1 =	simm.s32 $0x0  }
0x3c: {  	v14 =	vld [tilespmem:s1+$0x1A90];
	_ =	sdelay $0x1  }
0x3d: {  	v15 =	vperm.xlane v13, v0  }
0x3e: {  	v16 =	vperm.xlane v13, v3  }
0x3f: {  	v17 =	vperm.xlane v13, v4;
	v13 =	vperm.xlane v13, v5;
	v15 =	vshll.u32 v15, v2  }
0x40: {  	v18 =	vperm.xlane v14, v1;
	v16 =	vshll.u32 v16, v2;
	v15 =	vshra.s32 v15, $0x18  }
0x41: {  	v13 =	vshll.u32 v13, v2;
	v16 =	vshra.s32 v16, $0x18;
	v15 =	vcvt.s32.f32 v15  }
0x42: {  	v17 =	vshll.u32 v17, v2;
	v13 =	vshra.s32 v13, $0x18;
	v16 =	vcvt.s32.f32 v16  }
0x43: {  	v17 =	vshra.s32 v17, $0x18;
	v13 =	vcvt.s32.f32 v13;
	v15 =	vmul.f32 v15, v18  }
0x44: {  	s1 =	simm.s32 $0x1D30;
	v17 =	vcvt.s32.f32 v17;
	v16 =	vmul.f32 v16, v18  }
0x45: {  	v13 =	vmul.f32 v13, v18;
	[tilespmem:s1+$0xFFFFFF00] =	vst v15  }
0x46: {  	v15 =	vmul.f32 v17, v18;
	[tilespmem:s1+$0xFFFFFF10] =	vst v16  }
0x47: {  	[tilespmem:s1+$0xFFFFFF30] =	vst v13  }
0x48: {  	[tilespmem:s1+$0xFFFFFF20] =	vst v15  }
0x49: {  	v13 =	vld [tilespmem:s8+$0xFFFFFFD0];
	_ =	sdelay $0x4  }
0x4a: {  	v15 =	vperm.xlane v13, v0  }
0x4b: {  	v16 =	vperm.xlane v13, v3  }
0x4c: {  	v17 =	vperm.xlane v13, v4;
	v13 =	vperm.xlane v13, v5;
	v15 =	vshll.u32 v15, v2  }
0x4d: {  	v18 =	vperm.xlane v14, v6;
	v16 =	vshll.u32 v16, v2;
	v15 =	vshra.s32 v15, $0x18  }
0x4e: {  	v13 =	vshll.u32 v13, v2;
	v16 =	vshra.s32 v16, $0x18;
	v15 =	vcvt.s32.f32 v15  }
0x4f: {  	v17 =	vshll.u32 v17, v2;
	v13 =	vshra.s32 v13, $0x18;
	v16 =	vcvt.s32.f32 v16  }
0x50: {  	v17 =	vshra.s32 v17, $0x18;
	v13 =	vcvt.s32.f32 v13;
	v15 =	vmul.f32 v15, v18  }
0x51: {  	v17 =	vcvt.s32.f32 v17;
	v16 =	vmul.f32 v16, v18  }
0x52: {  	v13 =	vmul.f32 v13, v18;
	[tilespmem:s1+$0xFFFFFF40] =	vst v15  }
0x53: {  	v15 =	vmul.f32 v17, v18;
	[tilespmem:s1+$0xFFFFFF50] =	vst v16  }
0x54: {  	[tilespmem:s1+$0xFFFFFF70] =	vst v13  }
0x55: {  	[tilespmem:s1+$0xFFFFFF60] =	vst v15  }
0x56: {  	v13 =	vld [tilespmem:s8+$0xFFFFFFE0];
	_ =	sdelay $0x4  }
0x57: {  	v15 =	vperm.xlane v13, v0  }
0x58: {  	v16 =	vperm.xlane v13, v3  }
0x59: {  	v18 =	vperm.xlane v14, v7;
	v17 =	vperm.xlane v13, v4;
	v15 =	vshll.u32 v15, v2  }
0x5a: {  	v13 =	vperm.xlane v13, v5;
	v16 =	vshll.u32 v16, v2;
	v15 =	vshra.s32 v15, $0x18  }
0x5b: {  	v17 =	vshll.u32 v17, v2;
	v16 =	vshra.s32 v16, $0x18;
	v15 =	vcvt.s32.f32 v15  }
0x5c: {  	v13 =	vshll.u32 v13, v2;
	v17 =	vshra.s32 v17, $0x18;
	v16 =	vcvt.s32.f32 v16  }
0x5d: {  	v13 =	vshra.s32 v13, $0x18;
	v17 =	vcvt.s32.f32 v17;
	v15 =	vmul.f32 v15, v18  }
0x5e: {  	v13 =	vcvt.s32.f32 v13;
	v16 =	vmul.f32 v16, v18  }
0x5f: {  	v17 =	vmul.f32 v17, v18;
	[tilespmem:s1+$0xFFFFFF80] =	vst v15  }
0x60: {  	v13 =	vmul.f32 v13, v18;
	[tilespmem:s1+$0xFFFFFF90] =	vst v16  }
0x61: {  	[tilespmem:s1+$0xFFFFFFA0] =	vst v17  }
0x62: {  	[tilespmem:s1+$0xFFFFFFB0] =	vst v13  }
0x63: {  	v13 =	vld [tilespmem:s8+$0xFFFFFFF0];
	_ =	sdelay $0x4  }
0x64: {  	v15 =	vperm.xlane v13, v0  }
0x65: {  	v16 =	vperm.xlane v13, v3  }
0x66: {  	v18 =	vperm.xlane v14, v8;
	v17 =	vperm.xlane v13, v4;
	v15 =	vshll.u32 v15, v2  }
0x67: {  	s12 =	simm.s32 $0x250;
	v13 =	vperm.xlane v13, v5;
	v16 =	vshll.u32 v16, v2;
	v15 =	vshra.s32 v15, $0x18  }
0x68: {  	v19 =	vld [tilespmem:s12+$0xFFFFFFC0];
	v17 =	vshll.u32 v17, v2;
	v16 =	vshra.s32 v16, $0x18;
	v15 =	vcvt.s32.f32 v15  }
0x69: {  	v13 =	vshll.u32 v13, v2;
	v17 =	vshra.s32 v17, $0x18;
	v16 =	vcvt.s32.f32 v16  }
0x6a: {  	s9 =	simm.s32 $0x8;
	v13 =	vshra.s32 v13, $0x18;
	v17 =	vcvt.s32.f32 v17;
	v15 =	vmul.f32 v15, v18  }
0x6b: {  	v20 =	vcvt.s32.f32 v13;
	v13 =	vld [tilespmem:s9+$0x1A90];
	v16 =	vmul.f32 v16, v18  }
0x6c: {  	[tilespmem:s1+$0xFFFFFFC0] =	vst v15;
	v15 =	vmul.f32 v17, v18  }
0x6d: {  	[tilespmem:s1+$0xFFFFFFD0] =	vst v16;
	v16 =	vmul.f32 v20, v18;
	v18 =	vperm.xlane v19, v3  }
0x6e: {  	[tilespmem:s1+$0xFFFFFFE0] =	vst v15;
	v15 =	vperm.xlane v19, v0  }
0x6f: {  	[tilespmem:s1+$0xFFFFFFF0] =	vst v16;
	v16 =	vperm.xlane v19, v4;
	v19 =	vperm.xlane v19, v5;
	v18 =	vshll.u32 v18, v2  }
0x70: {  	v20 =	vperm.xlane v13, v1;
	v21 =	vld [tilespmem:s8+$0x0];
	v18 =	vshra.s32 v18, $0x18;
	v15 =	vshll.u32 v15, v2  }
0x71: {  	v19 =	vshll.u32 v19, v2;
	v18 =	vcvt.s32.f32 v18;
	v15 =	vshra.s32 v15, $0x18  }
0x72: {  	v16 =	vshll.u32 v16, v2;
	v19 =	vshra.s32 v19, $0x18;
	v15 =	vcvt.s32.f32 v15  }
0x73: {  	v16 =	vshra.s32 v16, $0x18;
	v19 =	vcvt.s32.f32 v19;
	v18 =	vmul.f32 v18, v20  }
0x74: {  	s9 =	simm.s32 $0x1F30;
	v16 =	vcvt.s32.f32 v16;
	v15 =	vmul.f32 v15, v20  }
0x75: {  	v22 =	vperm.xlane v21, v0;
	[tilespmem:s9+$0xFFFFFF10] =	vst v18;
	v18 =	vmul.f32 v19, v20  }
0x76: {  	[tilespmem:s9+$0xFFFFFF00] =	vst v15;
	v15 =	vmul.f32 v16, v20;
	v16 =	vperm.xlane v21, v3  }
0x77: {  	v17 =	vperm.xlane v14, v9;
	v19 =	vshll.u32 v22, v2;
	v20 =	vperm.xlane v21, v4;
	[tilespmem:s9+$0xFFFFFF30] =	vst v18  }
0x78: {  	[tilespmem:s9+$0xFFFFFF20] =	vst v15;
	v15 =	vshra.s32 v19, $0x18;
	v16 =	vshll.u32 v16, v2;
	v19 =	vperm.xlane v21, v5  }
0x79: {  	v18 =	vshll.u32 v20, v2;
	v15 =	vcvt.s32.f32 v15;
	v16 =	vshra.s32 v16, $0x18;
	v20 =	vld [tilespmem:s12+$0xFFFFFFD0]  }
0x7a: {  	v18 =	vshra.s32 v18, $0x18;
	v16 =	vcvt.s32.f32 v16;
	v19 =	vshll.u32 v19, v2  }
0x7b: {  	v18 =	vcvt.s32.f32 v18;
	v15 =	vmul.f32 v15, v17;
	v19 =	vshra.s32 v19, $0x18  }
0x7c: {  	v16 =	vmul.f32 v16, v17;
	v19 =	vcvt.s32.f32 v19  }
0x7d: {  	[tilespmem:s1+$0x0] =	vst v15;
	v15 =	vmul.f32 v18, v17  }
0x7e: {  	[tilespmem:s1+$0x10] =	vst v16;
	v16 =	vmul.f32 v19, v17;
	v18 =	vperm.xlane v20, v0  }
0x7f: {  	v19 =	vperm.xlane v20, v3;
	[tilespmem:s1+$0x20] =	vst v15  }
0x80: {  	v15 =	vperm.xlane v20, v4;
	v20 =	vperm.xlane v20, v5;
	[tilespmem:s1+$0x30] =	vst v16;
	v18 =	vshll.u32 v18, v2  }
0x81: {  	v16 =	vperm.xlane v13, v6;
	v19 =	vshll.u32 v19, v2;
	v21 =	vld [tilespmem:s8+$0x10];
	v18 =	vshra.s32 v18, $0x18  }
0x82: {  	v15 =	vshll.u32 v15, v2;
	v19 =	vshra.s32 v19, $0x18;
	v18 =	vcvt.s32.f32 v18  }
0x83: {  	v20 =	vshll.u32 v20, v2;
	v15 =	vshra.s32 v15, $0x18;
	v19 =	vcvt.s32.f32 v19  }
0x84: {  	v20 =	vshra.s32 v20, $0x18;
	v15 =	vcvt.s32.f32 v15;
	v18 =	vmul.f32 v18, v16  }
0x85: {  	v20 =	vcvt.s32.f32 v20;
	v19 =	vmul.f32 v19, v16  }
0x86: {  	v15 =	vmul.f32 v15, v16;
	v22 =	vperm.xlane v21, v0;
	[tilespmem:s9+$0xFFFFFF40] =	vst v18  }
0x87: {  	v16 =	vmul.f32 v20, v16;
	v18 =	vperm.xlane v21, v3;
	[tilespmem:s9+$0xFFFFFF50] =	vst v19  }
0x88: {  	v17 =	vperm.xlane v14, v10;
	v20 =	vperm.xlane v21, v4;
	[tilespmem:s9+$0xFFFFFF60] =	vst v15;
	v19 =	vshll.u32 v22, v2  }
0x89: {  	[tilespmem:s9+$0xFFFFFF70] =	vst v16;
	v18 =	vshll.u32 v18, v2;
	v15 =	vshra.s32 v19, $0x18;
	v19 =	vperm.xlane v21, v5  }
0x8a: {  	v16 =	vshra.s32 v18, $0x18;
	v18 =	vshll.u32 v20, v2;
	v20 =	vld [tilespmem:s12+$0xFFFFFFE0];
	v15 =	vcvt.s32.f32 v15  }
0x8b: {  	v16 =	vcvt.s32.f32 v16;
	v18 =	vshra.s32 v18, $0x18;
	v19 =	vshll.u32 v19, v2  }
0x8c: {  	v18 =	vcvt.s32.f32 v18;
	v15 =	vmul.f32 v15, v17;
	v19 =	vshra.s32 v19, $0x18  }
0x8d: {  	v16 =	vmul.f32 v16, v17;
	v19 =	vcvt.s32.f32 v19  }
0x8e: {  	[tilespmem:s1+$0x40] =	vst v15;
	v15 =	vmul.f32 v18, v17  }
0x8f: {  	[tilespmem:s1+$0x50] =	vst v16;
	v18 =	vperm.xlane v20, v0;
	v16 =	vmul.f32 v19, v17  }
0x90: {  	v17 =	vperm.xlane v14, v11;
	v19 =	vperm.xlane v20, v3;
	[tilespmem:s1+$0x60] =	vst v15  }
0x91: {  	v15 =	vperm.xlane v20, v4;
	v20 =	vperm.xlane v20, v5;
	[tilespmem:s1+$0x70] =	vst v16  }
0x92: {  	v18 =	vshll.u32 v18, v2;
	v16 =	vperm.xlane v13, v7;
	v19 =	vshll.u32 v19, v2;
	v21 =	vld [tilespmem:s8+$0x20]  }
0x93: {  	v18 =	vshra.s32 v18, $0x18;
	v15 =	vshll.u32 v15, v2;
	v20 =	vshll.u32 v20, v2  }
0x94: {  	v18 =	vcvt.s32.f32 v18;
	v19 =	vshra.s32 v19, $0x18;
	v15 =	vshra.s32 v15, $0x18  }
0x95: {  	v19 =	vcvt.s32.f32 v19;
	v20 =	vshra.s32 v20, $0x18;
	v15 =	vcvt.s32.f32 v15  }
0x96: {  	v18 =	vmul.f32 v18, v16;
	v20 =	vcvt.s32.f32 v20  }
0x97: {  	v19 =	vmul.f32 v19, v16;
	v22 =	vperm.xlane v21, v0  }
0x98: {  	v15 =	vmul.f32 v15, v16;
	v23 =	vperm.xlane v21, v3  }
0x99: {  	v16 =	vmul.f32 v20, v16;
	v20 =	vshll.u32 v22, v2;
	v22 =	vperm.xlane v21, v4  }
0x9a: {  	[tilespmem:s9+$0xFFFFFF80] =	vst v18;
	v23 =	vshll.u32 v23, v2;
	v21 =	vperm.xlane v21, v5;
	v20 =	vshra.s32 v20, $0x18  }
0x9b: {  	[tilespmem:s9+$0xFFFFFF90] =	vst v19;
	v18 =	vcvt.s32.f32 v20;
	v20 =	vshra.s32 v23, $0x18;
	v22 =	vshll.u32 v22, v2  }
0x9c: {  	[tilespmem:s9+$0xFFFFFFA0] =	vst v15;
	v21 =	vshll.u32 v21, v2;
	v19 =	vcvt.s32.f32 v20;
	v20 =	vshra.s32 v22, $0x18  }
0x9d: {  	[tilespmem:s9+$0xFFFFFFB0] =	vst v16;
	v15 =	vmul.f32 v18, v17;
	v18 =	vcvt.s32.f32 v20;
	v20 =	vshra.s32 v21, $0x18  }
0x9e: {  	v16 =	vmul.f32 v19, v17;
	v19 =	vcvt.s32.f32 v20;
	v20 =	vld [tilespmem:s12+$0xFFFFFFF0];
	_ =	sdelay $0x2  }
0x9f: {  	[tilespmem:s1+$0x80] =	vst v15;
	v15 =	vmul.f32 v18, v17  }
0xa0: {  	[tilespmem:s1+$0x90] =	vst v16;
	v16 =	vmul.f32 v19, v17  }
0xa1: {  	[tilespmem:s1+$0xA0] =	vst v15;
	v15 =	vperm.xlane v20, v0;
	v17 =	vperm.xlane v20, v3  }
0xa2: {  	[tilespmem:s1+$0xB0] =	vst v16;
	v18 =	vperm.xlane v20, v4;
	v19 =	vperm.xlane v20, v5  }
0xa3: {  	v16 =	vld [tilespmem:s8+$0x30];
	v20 =	vperm.xlane v13, v8;
	v15 =	vshll.u32 v15, v2;
	v17 =	vshll.u32 v17, v2  }
0xa4: {  	v18 =	vshll.u32 v18, v2;
	v19 =	vshll.u32 v19, v2;
	v15 =	vshra.s32 v15, $0x18  }
0xa5: {  	s26 =	simm.s32 $0x2D0;
	v17 =	vshra.s32 v17, $0x18;
	v18 =	vshra.s32 v18, $0x18;
	v15 =	vcvt.s32.f32 v15  }
0xa6: {  	v22 =	vld [tilespmem:s26+$0xFFFFFFC0];
	v19 =	vshra.s32 v19, $0x18;
	v17 =	vcvt.s32.f32 v17;
	v18 =	vcvt.s32.f32 v18  }
0xa7: {  	v19 =	vcvt.s32.f32 v19;
	v23 =	vmul.f32 v15, v20  }
0xa8: {  	v21 =	vperm.xlane v16, v5;
	v17 =	vmul.f32 v17, v20  }
0xa9: {  	v18 =	vmul.f32 v18, v20;
	[tilespmem:s9+$0xFFFFFFC0] =	vst v23  }
0xaa: {  	s30 =	simm.s32 $0x10;
	v14 =	vperm.xlane v14, v12;
	v19 =	vmul.f32 v19, v20;
	v15 =	vshll.u32 v21, v2;
	[tilespmem:s9+$0xFFFFFFD0] =	vst v17  }
0xab: {  	v21 =	vshra.s32 v15, $0x18;
	v15 =	vld [tilespmem:s30+$0x1A90];
	[tilespmem:s9+$0xFFFFFFE0] =	vst v18;
	v17 =	vperm.xlane v22, v0;
	v18 =	vperm.xlane v22, v3  }
0xac: {  	[tilespmem:s9+$0xFFFFFFF0] =	vst v19;
	v19 =	vperm.xlane v22, v4;
	v21 =	vcvt.s32.f32 v21  }
0xad: {  	v20 =	vperm.xlane v16, v0;
	v23 =	vperm.xlane v13, v9;
	v25 =	vld [tilespmem:s12+$0x0];
	v17 =	vshll.u32 v17, v2  }
0xae: {  	v18 =	vshll.u32 v18, v2;
	v19 =	vshll.u32 v19, v2;
	v24 =	vmul.f32 v21, v14  }
0xaf: {  	v21 =	vperm.xlane v22, v5;
	v17 =	vshra.s32 v17, $0x18;
	v18 =	vshra.s32 v18, $0x18  }
0xb0: {  	v19 =	vshra.s32 v19, $0x18;
	v17 =	vcvt.s32.f32 v17;
	v22 =	vperm.xlane v15, v1  }
0xb1: {  	v18 =	vcvt.s32.f32 v18;
	v19 =	vcvt.s32.f32 v19;
	v21 =	vshll.u32 v21, v2  }
0xb2: {  	v21 =	vshra.s32 v21, $0x18;
	v26 =	vperm.xlane v25, v0;
	v17 =	vmul.f32 v17, v22  }
0xb3: {  	s8 =	simm.s32 $0x2130;
	v21 =	vcvt.s32.f32 v21;
	v18 =	vmul.f32 v18, v22  }
0xb4: {  	[tilespmem:s8+$0xFFFFFF00] =	vst v17;
	v17 =	vmul.f32 v19, v22;
	v19 =	vperm.xlane v25, v3  }
0xb5: {  	[tilespmem:s8+$0xFFFFFF10] =	vst v18;
	v18 =	vmul.f32 v21, v22;
	v21 =	vshll.u32 v26, v2;
	v22 =	vperm.xlane v25, v4  }
0xb6: {  	[tilespmem:s8+$0xFFFFFF20] =	vst v17;
	v17 =	vshra.s32 v21, $0x18;
	v19 =	vshll.u32 v19, v2;
	v21 =	vperm.xlane v25, v5  }
0xb7: {  	[tilespmem:s8+$0xFFFFFF30] =	vst v18;
	v17 =	vcvt.s32.f32 v17;
	v18 =	vshra.s32 v19, $0x18;
	v19 =	vshll.u32 v22, v2  }
0xb8: {  	v22 =	vld [tilespmem:s26+$0xFFFFFFD0];
	v18 =	vcvt.s32.f32 v18;
	v19 =	vshra.s32 v19, $0x18;
	v21 =	vshll.u32 v21, v2  }
0xb9: {  	v25 =	vmul.f32 v17, v23;
	v17 =	vcvt.s32.f32 v19;
	v19 =	vshra.s32 v21, $0x18  }
0xba: {  	v18 =	vmul.f32 v18, v23;
	v19 =	vcvt.s32.f32 v19  }
0xbb: {  	v20 =	vshll.u32 v20, v2;
	v26 =	vperm.xlane v16, v3;
	v21 =	vmul.f32 v17, v23;
	[tilespmem:s9+$0x0] =	vst v25  }
0xbc: {  	v17 =	vshra.s32 v20, $0x18;
	v20 =	vmul.f32 v19, v23;
	v19 =	vperm.xlane v13, v10;
	[tilespmem:s9+$0x10] =	vst v18  }
0xbd: {  	v23 =	vperm.xlane v22, v0;
	v25 =	vperm.xlane v22, v3;
	v18 =	vshll.u32 v26, v2;
	[tilespmem:s9+$0x20] =	vst v21  }
0xbe: {  	v26 =	vperm.xlane v22, v4;
	v27 =	vperm.xlane v22, v5;
	v18 =	vshra.s32 v18, $0x18;
	[tilespmem:s9+$0x30] =	vst v20  }
0xbf: {  	v21 =	vperm.xlane v15, v6;
	v23 =	vshll.u32 v23, v2;
	v22 =	vshll.u32 v25, v2;
	v20 =	vld [tilespmem:s12+$0x10]  }
0xc0: {  	s13 =	simm.s32 $0x60;
	[tilespmem:s1+$0xF0] =	vst v24;
	v24 =	vshll.u32 v26, v2;
	v25 =	vshra.s32 v23, $0x18;
	v23 =	vshll.u32 v27, v2  }
.LBB2_6:
0xc1: {  	p2 =	sne.s32 s13, $0x300;
	v25 =	vcvt.s32.f32 v25;
	v22 =	vshra.s32 v22, $0x18;
	v24 =	vshra.s32 v24, $0x18  }
0xc2: {  	v23 =	vshra.s32 v23, $0x18;
	v22 =	vcvt.s32.f32 v22;
	v24 =	vcvt.s32.f32 v24  }
0xc3: {  	v23 =	vcvt.s32.f32 v23;
	v25 =	vmul.f32 v25, v21  }
0xc4: {  	v22 =	vmul.f32 v22, v21;
	v26 =	vperm.xlane v20, v0  }
0xc5: {  	v24 =	vmul.f32 v24, v21;
	[tilespmem:s8+$0xFFFFFF40] =	vst v25;
	v25 =	vperm.xlane v20, v3  }
0xc6: {  	v21 =	vmul.f32 v23, v21;
	v23 =	vperm.xlane v20, v4;
	[tilespmem:s8+$0xFFFFFF50] =	vst v22;
	v22 =	vshll.u32 v26, v2  }
0xc7: {  	v20 =	vperm.xlane v20, v5;
	[tilespmem:s8+$0xFFFFFF60] =	vst v24;
	v22 =	vshra.s32 v22, $0x18;
	v24 =	vshll.u32 v25, v2  }
0xc8: {  	v23 =	vshll.u32 v23, v2;
	[tilespmem:s8+$0xFFFFFF70] =	vst v21;
	v21 =	vcvt.s32.f32 v22;
	v22 =	vshra.s32 v24, $0x18  }
0xc9: {  	v23 =	vshra.s32 v23, $0x18;
	v20 =	vshll.u32 v20, v2;
	v24 =	vld [tilespmem:s26+$0xFFFFFFE0];
	v22 =	vcvt.s32.f32 v22  }
0xca: {  	v23 =	vcvt.s32.f32 v23;
	v20 =	vshra.s32 v20, $0x18;
	v21 =	vmul.f32 v21, v19  }
0xcb: {  	v20 =	vcvt.s32.f32 v20;
	v22 =	vmul.f32 v22, v19  }
0xcc: {  	v16 =	vperm.xlane v16, v4;
	[tilespmem:s9+$0x40] =	vst v21;
	v21 =	vmul.f32 v23, v19  }
0xcd: {  	v19 =	vmul.f32 v20, v19;
	v20 =	vperm.xlane v13, v11;
	[tilespmem:s9+$0x50] =	vst v22  }
0xce: {  	v16 =	vshll.u32 v16, v2;
	v22 =	vperm.xlane v24, v0;
	v23 =	vperm.xlane v24, v3;
	[tilespmem:s9+$0x60] =	vst v21  }
0xcf: {  	v16 =	vshra.s32 v16, $0x18;
	v21 =	vperm.xlane v24, v4;
	v24 =	vperm.xlane v24, v5;
	[tilespmem:s9+$0x70] =	vst v19  }
0xd0: {  	v19 =	vperm.xlane v15, v7;
	v22 =	vshll.u32 v22, v2;
	v23 =	vshll.u32 v23, v2;
	v25 =	vld [tilespmem:s12+$0x20]  }
0xd1: {  	v21 =	vshll.u32 v21, v2;
	v24 =	vshll.u32 v24, v2;
	v22 =	vshra.s32 v22, $0x18  }
0xd2: {  	v23 =	vshra.s32 v23, $0x18;
	v21 =	vshra.s32 v21, $0x18;
	v22 =	vcvt.s32.f32 v22  }
0xd3: {  	v24 =	vshra.s32 v24, $0x18;
	v23 =	vcvt.s32.f32 v23;
	v21 =	vcvt.s32.f32 v21  }
0xd4: {  	v24 =	vcvt.s32.f32 v24;
	v22 =	vmul.f32 v22, v19  }
0xd5: {  	v23 =	vmul.f32 v23, v19;
	v26 =	vperm.xlane v25, v0  }
0xd6: {  	v21 =	vmul.f32 v21, v19;
	v27 =	vperm.xlane v25, v3  }
0xd7: {  	v19 =	vmul.f32 v24, v19;
	v24 =	vshll.u32 v26, v2;
	v26 =	vperm.xlane v25, v4  }
0xd8: {  	v27 =	vshll.u32 v27, v2;
	v25 =	vperm.xlane v25, v5;
	v24 =	vshra.s32 v24, $0x18  }
0xd9: {  	[tilespmem:s8+$0xFFFFFF80] =	vst v22;
	v22 =	vcvt.s32.f32 v24;
	v24 =	vshra.s32 v27, $0x18;
	v26 =	vshll.u32 v26, v2  }
0xda: {  	v25 =	vshll.u32 v25, v2;
	[tilespmem:s8+$0xFFFFFF90] =	vst v23;
	v23 =	vcvt.s32.f32 v24;
	v24 =	vshra.s32 v26, $0x18  }
0xdb: {  	[tilespmem:s8+$0xFFFFFFA0] =	vst v21;
	v21 =	vmul.f32 v22, v20;
	v22 =	vcvt.s32.f32 v24;
	v24 =	vshra.s32 v25, $0x18  }
0xdc: {  	[tilespmem:s8+$0xFFFFFFB0] =	vst v19;
	v19 =	vmul.f32 v23, v20;
	v23 =	vcvt.s32.f32 v24  }
0xdd: {  	v17 =	vcvt.s32.f32 v17;
	v24 =	vld [tilespmem:s26+$0xFFFFFFF0];
	[tilespmem:s9+$0x80] =	vst v21;
	v21 =	vmul.f32 v22, v20  }
0xde: {  	v18 =	vcvt.s32.f32 v18;
	[tilespmem:s9+$0x90] =	vst v19;
	v19 =	vmul.f32 v23, v20  }
0xdf: {  	v17 =	vmul.f32 v17, v14;
	v20 =	vcvt.s32.f32 v16;
	[tilespmem:s9+$0xA0] =	vst v21  }
0xe0: {  	v18 =	vmul.f32 v18, v14;
	[tilespmem:s9+$0xB0] =	vst v19  }
0xe1: {  	v16 =	vld [tilespmem:s12+$0x30];
	[tilespmem:s1+$0xC0] =	vst v17;
	v17 =	vmul.f32 v20, v14;
	v14 =	vperm.xlane v13, v12;
	v13 =	vmov v15;
	s12 =	smov.u32 s26  }
0xe2: {  	v15 =	vperm.xlane v24, v0;
	v19 =	vperm.xlane v24, v3;
	[tilespmem:s1+$0xD0] =	vst v18  }
0xe3: {  	v18 =	vperm.xlane v24, v4;
	v20 =	vperm.xlane v24, v5;
	[tilespmem:s1+$0xE0] =	vst v17;
	s1 =	smov.u32 s9;
	s9 =	smov.u32 s8  }
0xe4: {  	v17 =	vperm.xlane v13, v8;
	v15 =	vshll.u32 v15, v2;
	v19 =	vshll.u32 v19, v2  }
0xe5: {  	v18 =	vshll.u32 v18, v2;
	v20 =	vshll.u32 v20, v2;
	v15 =	vshra.s32 v15, $0x18  }
0xe6: {  	v19 =	vshra.s32 v19, $0x18;
	v15 =	vcvt.s32.f32 v15;
	v21 =	vperm.xlane v16, v5  }
0xe7: {  	s26 =	sadd.s32 $0x80, s26;
	v18 =	vshra.s32 v18, $0x18;
	v20 =	vshra.s32 v20, $0x18;
	v19 =	vcvt.s32.f32 v19  }
0xe8: {  	v18 =	vcvt.s32.f32 v18;
	v22 =	vld [tilespmem:s26+$0xFFFFFFC0];
	v23 =	vmul.f32 v15, v17;
	v15 =	vshll.u32 v21, v2  }
0xe9: {  	s30 =	sshra.s32 s13, $0x2;
	v20 =	vcvt.s32.f32 v20;
	v19 =	vmul.f32 v19, v17;
	v21 =	vshra.s32 v15, $0x18  }
0xea: {  	v18 =	vmul.f32 v18, v17;
	v15 =	vld [tilespmem:s30+$0x1A90];
	[tilespmem:s8+$0xFFFFFFC0] =	vst v23;
	v21 =	vcvt.s32.f32 v21  }
0xeb: {  	v17 =	vmul.f32 v20, v17;
	[tilespmem:s8+$0xFFFFFFD0] =	vst v19;
	v19 =	vperm.xlane v16, v0  }
0xec: {  	[tilespmem:s8+$0xFFFFFFE0] =	vst v18;
	v18 =	vperm.xlane v13, v9;
	v20 =	vmul.f32 v21, v14  }
0xed: {  	v21 =	vperm.xlane v22, v0;
	v23 =	vperm.xlane v22, v3;
	[tilespmem:s8+$0xFFFFFFF0] =	vst v17;
	v17 =	vshll.u32 v19, v2  }
0xee: {  	v19 =	vperm.xlane v22, v4;
	v22 =	vperm.xlane v22, v5;
	v17 =	vshra.s32 v17, $0x18;
	[tilespmem:s1+$0xF0] =	vst v20  }
0xef: {  	v20 =	vperm.xlane v15, v1;
	v21 =	vshll.u32 v21, v2;
	v23 =	vshll.u32 v23, v2;
	v24 =	vld [tilespmem:s12+$0x0]  }
0xf0: {  	v19 =	vshll.u32 v19, v2;
	v22 =	vshll.u32 v22, v2;
	v21 =	vshra.s32 v21, $0x18  }
0xf1: {  	v23 =	vshra.s32 v23, $0x18;
	v19 =	vshra.s32 v19, $0x18;
	v21 =	vcvt.s32.f32 v21  }
0xf2: {  	v22 =	vshra.s32 v22, $0x18;
	v23 =	vcvt.s32.f32 v23;
	v19 =	vcvt.s32.f32 v19  }
0xf3: {  	v22 =	vcvt.s32.f32 v22;
	v21 =	vmul.f32 v21, v20  }
0xf4: {  	s8 =	sadd.s32 $0x200, s8;
	v23 =	vmul.f32 v23, v20;
	v25 =	vperm.xlane v24, v0  }
0xf5: {  	v19 =	vmul.f32 v19, v20;
	[tilespmem:s8+$0xFFFFFF00] =	vst v21;
	v21 =	vperm.xlane v24, v3  }
0xf6: {  	v20 =	vmul.f32 v22, v20;
	[tilespmem:s8+$0xFFFFFF10] =	vst v23;
	v22 =	vshll.u32 v25, v2;
	v23 =	vperm.xlane v24, v4  }
0xf7: {  	[tilespmem:s8+$0xFFFFFF20] =	vst v19;
	v19 =	vshra.s32 v22, $0x18;
	v21 =	vshll.u32 v21, v2;
	v22 =	vperm.xlane v24, v5  }
0xf8: {  	[tilespmem:s8+$0xFFFFFF30] =	vst v20;
	v19 =	vcvt.s32.f32 v19;
	v20 =	vshra.s32 v21, $0x18;
	v21 =	vshll.u32 v23, v2  }
0xf9: {  	v23 =	vld [tilespmem:s26+$0xFFFFFFD0];
	v20 =	vcvt.s32.f32 v20;
	v21 =	vshra.s32 v21, $0x18;
	v22 =	vshll.u32 v22, v2  }
0xfa: {  	v19 =	vmul.f32 v19, v18;
	v21 =	vcvt.s32.f32 v21;
	v22 =	vshra.s32 v22, $0x18  }
0xfb: {  	v20 =	vmul.f32 v20, v18;
	v22 =	vcvt.s32.f32 v22  }
0xfc: {  	v24 =	vperm.xlane v16, v3;
	[tilespmem:s9+$0x0] =	vst v19;
	v21 =	vmul.f32 v21, v18  }
.Ltmp4:
0xfd: {  	v19 =	vperm.xlane v13, v10;
	[tilespmem:s9+$0x10] =	vst v20;
	v18 =	vmul.f32 v22, v18;
	(pc) =	sbr.rel @p2 .LBB2_6-.Ltmp4, $4  }
0xfe: {  	v20 =	vperm.xlane v23, v0;
	v22 =	vperm.xlane v23, v3;
	[tilespmem:s9+$0x20] =	vst v21;
	v21 =	vshll.u32 v24, v2  }
0xff: {  	v24 =	vperm.xlane v23, v4;
	v23 =	vperm.xlane v23, v5;
	[tilespmem:s9+$0x30] =	vst v18;
	v18 =	vshra.s32 v21, $0x18  }
0x100: {  	v21 =	vperm.xlane v15, v6;
	v25 =	vshll.u32 v20, v2;
	v22 =	vshll.u32 v22, v2;
	v20 =	vld [tilespmem:s12+$0x10]  }
0x101: {  	s13 =	sadd.s32 $0x20, s13;
	v24 =	vshll.u32 v24, v2;
	v23 =	vshll.u32 v23, v2;
	v25 =	vshra.s32 v25, $0x18  }
0x102: {  	v25 =	vcvt.s32.f32 v25;
	v22 =	vshra.s32 v22, $0x18  }
0x103: {  	v24 =	vshra.s32 v24, $0x18;
	v22 =	vcvt.s32.f32 v22  }
0x104: {  	v23 =	vshra.s32 v23, $0x18;
	v24 =	vcvt.s32.f32 v24;
	v25 =	vmul.f32 v25, v21  }
0x105: {  	v23 =	vcvt.s32.f32 v23;
	v22 =	vmul.f32 v22, v21  }
0x106: {  	v24 =	vmul.f32 v24, v21;
	[tilespmem:s8+$0xFFFFFF40] =	vst v25  }
0x107: {  	v21 =	vmul.f32 v23, v21;
	[tilespmem:s8+$0xFFFFFF50] =	vst v22  }
0x108: {  	[tilespmem:s8+$0xFFFFFF60] =	vst v24  }
0x109: {  	[tilespmem:s8+$0xFFFFFF70] =	vst v21  }
0x10a: {  	v21 =	vld [tilespmem:s26+$0xFFFFFFE0];
	_ =	sdelay $0x4  }
0x10b: {  	v22 =	vperm.xlane v21, v0  }
0x10c: {  	v23 =	vperm.xlane v21, v3  }
0x10d: {  	v25 =	vperm.xlane v15, v7;
	v24 =	vperm.xlane v21, v4;
	v22 =	vshll.u32 v22, v2  }
0x10e: {  	v21 =	vperm.xlane v21, v5;
	v23 =	vshll.u32 v23, v2;
	v22 =	vshra.s32 v22, $0x18  }
0x10f: {  	v24 =	vshll.u32 v24, v2;
	v23 =	vshra.s32 v23, $0x18;
	v22 =	vcvt.s32.f32 v22  }
0x110: {  	v21 =	vshll.u32 v21, v2;
	v24 =	vshra.s32 v24, $0x18;
	v23 =	vcvt.s32.f32 v23  }
0x111: {  	v21 =	vshra.s32 v21, $0x18;
	v24 =	vcvt.s32.f32 v24;
	v22 =	vmul.f32 v22, v25  }
0x112: {  	v21 =	vcvt.s32.f32 v21;
	v23 =	vmul.f32 v23, v25  }
0x113: {  	v24 =	vmul.f32 v24, v25;
	[tilespmem:s8+$0xFFFFFF80] =	vst v22  }
0x114: {  	v21 =	vmul.f32 v21, v25;
	[tilespmem:s8+$0xFFFFFF90] =	vst v23  }
0x115: {  	[tilespmem:s8+$0xFFFFFFA0] =	vst v24  }
0x116: {  	[tilespmem:s8+$0xFFFFFFB0] =	vst v21  }
0x117: {  	v21 =	vld [tilespmem:s26+$0xFFFFFFF0];
	_ =	sdelay $0x4  }
0x118: {  	v22 =	vperm.xlane v21, v0  }
0x119: {  	v23 =	vperm.xlane v21, v3  }
0x11a: {  	v24 =	vperm.xlane v21, v4;
	v21 =	vperm.xlane v21, v5;
	v22 =	vshll.u32 v22, v2  }
0x11b: {  	v25 =	vperm.xlane v15, v8;
	v23 =	vshll.u32 v23, v2;
	v22 =	vshra.s32 v22, $0x18  }
0x11c: {  	v21 =	vshll.u32 v21, v2;
	v23 =	vshra.s32 v23, $0x18;
	v22 =	vcvt.s32.f32 v22  }
0x11d: {  	v24 =	vshll.u32 v24, v2;
	v21 =	vshra.s32 v21, $0x18;
	v23 =	vcvt.s32.f32 v23  }
0x11e: {  	v24 =	vshra.s32 v24, $0x18;
	v21 =	vcvt.s32.f32 v21;
	v22 =	vmul.f32 v22, v25  }
0x11f: {  	v24 =	vcvt.s32.f32 v24;
	v23 =	vmul.f32 v23, v25  }
0x120: {  	v21 =	vmul.f32 v21, v25;
	[tilespmem:s8+$0xFFFFFFC0] =	vst v22  }
0x121: {  	v22 =	vmul.f32 v24, v25;
	[tilespmem:s8+$0xFFFFFFD0] =	vst v23  }
0x122: {  	v23 =	vperm.xlane v20, v0;
	[tilespmem:s8+$0xFFFFFFF0] =	vst v21  }
0x123: {  	[tilespmem:s8+$0xFFFFFFE0] =	vst v22  }
0x124: {  	v22 =	vperm.xlane v20, v3;
	v21 =	vshll.u32 v23, v2;
	v24 =	vld [tilespmem:s26+$0x0]  }
0x125: {  	v23 =	vperm.xlane v20, v4;
	v21 =	vshra.s32 v21, $0x18  }
0x126: {  	v27 =	vperm.xlane v15, v9;
	v22 =	vshll.u32 v22, v2;
	v21 =	vcvt.s32.f32 v21  }
0x127: {  	v20 =	vperm.xlane v20, v5;
	v23 =	vshll.u32 v23, v2;
	v22 =	vshra.s32 v22, $0x18  }
0x128: {  	v23 =	vshra.s32 v23, $0x18;
	v22 =	vcvt.s32.f32 v22;
	v21 =	vmul.f32 v21, v19  }
0x129: {  	v23 =	vcvt.s32.f32 v23;
	v25 =	vperm.xlane v24, v0  }
0x12a: {  	v20 =	vshll.u32 v20, v2;
	v22 =	vmul.f32 v22, v19;
	v26 =	vperm.xlane v24, v3  }
0x12b: {  	v23 =	vmul.f32 v23, v19;
	v28 =	vperm.xlane v24, v4;
	v25 =	vshll.u32 v25, v2  }
0x12c: {  	v24 =	vperm.xlane v24, v5;
	v26 =	vshll.u32 v26, v2;
	v25 =	vshra.s32 v25, $0x18  }
0x12d: {  	v28 =	vshll.u32 v28, v2;
	v26 =	vshra.s32 v26, $0x18;
	v25 =	vcvt.s32.f32 v25  }
0x12e: {  	[tilespmem:s9+$0x40] =	vst v21;
	v24 =	vshll.u32 v24, v2;
	v21 =	vcvt.s32.f32 v26;
	v26 =	vshra.s32 v28, $0x18  }
0x12f: {  	[tilespmem:s9+$0x50] =	vst v22;
	v24 =	vshra.s32 v24, $0x18;
	v22 =	vmul.f32 v25, v27;
	v25 =	vcvt.s32.f32 v26  }
0x130: {  	v20 =	vshra.s32 v20, $0x18;
	[tilespmem:s9+$0x60] =	vst v23;
	v23 =	vcvt.s32.f32 v24;
	v21 =	vmul.f32 v21, v27  }
0x131: {  	v20 =	vcvt.s32.f32 v20;
	[tilespmem:s8+$0x0] =	vst v22;
	v22 =	vmul.f32 v25, v27  }
0x132: {  	[tilespmem:s8+$0x10] =	vst v21;
	v21 =	vmul.f32 v23, v27  }
0x133: {  	v19 =	vmul.f32 v20, v19;
	[tilespmem:s8+$0x20] =	vst v22  }
0x134: {  	[tilespmem:s8+$0x30] =	vst v21  }
0x135: {  	[tilespmem:s9+$0x70] =	vst v19;
	v19 =	vld [tilespmem:s26+$0x10]  }
0x136: {  	v20 =	vld [tilespmem:s12+$0x20];
	_ =	sdelay $0x3  }
0x137: {  	v22 =	vperm.xlane v19, v0  }
0x138: {  	v23 =	vperm.xlane v20, v0;
	v24 =	vperm.xlane v19, v3  }
0x139: {  	v26 =	vperm.xlane v19, v4;
	v19 =	vperm.xlane v19, v5;
	v22 =	vshll.u32 v22, v2  }
0x13a: {  	v25 =	vperm.xlane v15, v10;
	v24 =	vshll.u32 v24, v2;
	v22 =	vshra.s32 v22, $0x18  }
0x13b: {  	v19 =	vshll.u32 v19, v2;
	v24 =	vshra.s32 v24, $0x18;
	v22 =	vcvt.s32.f32 v22  }
0x13c: {  	v26 =	vshll.u32 v26, v2;
	v19 =	vshra.s32 v19, $0x18;
	v24 =	vcvt.s32.f32 v24  }
0x13d: {  	v26 =	vshra.s32 v26, $0x18;
	v19 =	vcvt.s32.f32 v19;
	v22 =	vmul.f32 v22, v25  }
0x13e: {  	v26 =	vcvt.s32.f32 v26;
	v24 =	vmul.f32 v24, v25  }
0x13f: {  	v27 =	vperm.xlane v20, v3;
	v19 =	vmul.f32 v19, v25;
	[tilespmem:s8+$0x40] =	vst v22  }
0x140: {  	v23 =	vshll.u32 v23, v2;
	v22 =	vmul.f32 v26, v25;
	v26 =	vperm.xlane v20, v4;
	[tilespmem:s8+$0x50] =	vst v24  }
0x141: {  	v23 =	vshra.s32 v23, $0x18;
	v24 =	vshll.u32 v27, v2;
	v20 =	vperm.xlane v20, v5;
	[tilespmem:s8+$0x70] =	vst v19  }
0x142: {  	[tilespmem:s8+$0x60] =	vst v22;
	v22 =	vcvt.s32.f32 v23;
	v23 =	vshra.s32 v24, $0x18;
	v24 =	vshll.u32 v26, v2  }
0x143: {  	v16 =	vperm.xlane v16, v4;
	v19 =	vcvt.s32.f32 v23;
	v23 =	vshra.s32 v24, $0x18;
	v24 =	vld [tilespmem:s26+$0x20]  }
0x144: {  	v17 =	vcvt.s32.f32 v17;
	v21 =	vperm.xlane v13, v11;
	v20 =	vshll.u32 v20, v2  }
0x145: {  	v18 =	vcvt.s32.f32 v18;
	v20 =	vshra.s32 v20, $0x18;
	v23 =	vcvt.s32.f32 v23  }
0x146: {  	v22 =	vmul.f32 v22, v21;
	v20 =	vcvt.s32.f32 v20  }
0x147: {  	v19 =	vmul.f32 v19, v21;
	v23 =	vmul.f32 v23, v21  }
0x148: {  	v20 =	vmul.f32 v20, v21;
	[tilespmem:s9+$0x80] =	vst v22;
	v21 =	vperm.xlane v24, v0  }
0x149: {  	v16 =	vshll.u32 v16, v2;
	v17 =	vmul.f32 v17, v14;
	[tilespmem:s9+$0x90] =	vst v19;
	v19 =	vperm.xlane v24, v3  }
0x14a: {  	v22 =	vperm.xlane v15, v11;
	[tilespmem:s9+$0xA0] =	vst v23;
	v23 =	vperm.xlane v24, v4;
	v21 =	vshll.u32 v21, v2  }
0x14b: {  	[tilespmem:s9+$0xB0] =	vst v20;
	v19 =	vshll.u32 v19, v2;
	v20 =	vshra.s32 v21, $0x18;
	v21 =	vperm.xlane v24, v5  }
0x14c: {  	v23 =	vshll.u32 v23, v2;
	v24 =	vld [tilespmem:s12+$0x30];
	v19 =	vshra.s32 v19, $0x18;
	v20 =	vcvt.s32.f32 v20  }
0x14d: {  	v23 =	vshra.s32 v23, $0x18;
	v19 =	vcvt.s32.f32 v19;
	v21 =	vshll.u32 v21, v2  }
0x14e: {  	v23 =	vcvt.s32.f32 v23;
	v20 =	vmul.f32 v20, v22;
	v21 =	vshra.s32 v21, $0x18  }
0x14f: {  	v16 =	vshra.s32 v16, $0x18;
	v19 =	vmul.f32 v19, v22;
	v21 =	vcvt.s32.f32 v21  }
0x150: {  	v16 =	vcvt.s32.f32 v16;
	[tilespmem:s8+$0x80] =	vst v20;
	v20 =	vmul.f32 v23, v22  }
0x151: {  	v23 =	vperm.xlane v24, v5;
	[tilespmem:s8+$0x90] =	vst v19;
	v19 =	vmul.f32 v21, v22  }
0x152: {  	v18 =	vmul.f32 v18, v14;
	v21 =	vperm.xlane v24, v0;
	[tilespmem:s8+$0xA0] =	vst v20  }
0x153: {  	v14 =	vmul.f32 v16, v14;
	v13 =	vperm.xlane v13, v12;
	v16 =	vshll.u32 v23, v2;
	[tilespmem:s8+$0xB0] =	vst v19  }
0x154: {  	v20 =	vperm.xlane v24, v3;
	v16 =	vshra.s32 v16, $0x18;
	v19 =	vshll.u32 v21, v2;
	v22 =	vld [tilespmem:s26+$0x30]  }
0x155: {  	v21 =	vperm.xlane v24, v4;
	v16 =	vcvt.s32.f32 v16;
	v19 =	vshra.s32 v19, $0x18  }
0x156: {  	v15 =	vperm.xlane v15, v12;
	v20 =	vshll.u32 v20, v2;
	v19 =	vcvt.s32.f32 v19  }
0x157: {  	v20 =	vshra.s32 v20, $0x18;
	v21 =	vshll.u32 v21, v2;
	v16 =	vmul.f32 v16, v13  }
0x158: {  	v21 =	vshra.s32 v21, $0x18;
	v20 =	vcvt.s32.f32 v20;
	v19 =	vmul.f32 v19, v13  }
0x159: {  	v21 =	vcvt.s32.f32 v21;
	v23 =	vperm.xlane v22, v5  }
0x15a: {  	[tilespmem:s1+$0xC0] =	vst v17;
	v20 =	vmul.f32 v20, v13;
	v17 =	vperm.xlane v22, v0  }
0x15b: {  	[tilespmem:s1+$0xD0] =	vst v18;
	v13 =	vmul.f32 v21, v13;
	v21 =	vperm.xlane v22, v3;
	v18 =	vshll.u32 v23, v2  }
0x15c: {  	[tilespmem:s1+$0xE0] =	vst v14;
	v17 =	vshll.u32 v17, v2;
	v14 =	vshra.s32 v18, $0x18;
	v18 =	vperm.xlane v22, v4  }
0x15d: {  	[tilespmem:s9+$0xF0] =	vst v16;
	v16 =	vshra.s32 v17, $0x18;
	v17 =	vshll.u32 v21, v2;
	v14 =	vcvt.s32.f32 v14  }
0x15e: {  	[tilespmem:s9+$0xC0] =	vst v19;
	v17 =	vshra.s32 v17, $0x18;
	v16 =	vcvt.s32.f32 v16;
	v18 =	vshll.u32 v18, v2  }
0x15f: {  	[tilespmem:s9+$0xD0] =	vst v20;
	v17 =	vcvt.s32.f32 v17;
	v14 =	vmul.f32 v14, v15;
	v18 =	vshra.s32 v18, $0x18  }
0x160: {  	[tilespmem:s9+$0xE0] =	vst v13;
	v13 =	vmul.f32 v16, v15;
	v16 =	vcvt.s32.f32 v18  }
0x161: {  	s26 =	sadd.s32 s4, s0;
	[tilespmem:s8+$0xF0] =	vst v14;
	v14 =	vmul.f32 v17, v15  }
0x162: {  	s1 =	smul.u32 $0x640, s26;
	[tilespmem:s8+$0xC0] =	vst v13;
	v13 =	vmul.f32 v16, v15  }
0x163: {  	[tilespmem:s8+$0xD0] =	vst v14  }
0x164: {  	s1 =	sadd.s32 s2, s1;
	[tilespmem:s8+$0xE0] =	vst v13  }
0x165: {  	[hbm4b:s1+s3] =	stream.linear.scatter [tilespmem:s21], [sflag:$0x7], $0x3200, $0x38;
	[tilespmem:$0x8030] =	vst v63  }
0x166: {  	_ =	swait.ge [sflag:s22], $0xC80  }
0x167: {  	[sflag:s22] =	ssyncset.done $0x0  }
0x168: {  	s1 =	sadd.s32 @!p0 s0, s11;
	[sflag:s22] =	ssyncadd.s32 $0xFFFFF380  }
0x169: {  	s1 =	smul.u32 @!p0 $0x19, s1;
	_ =	swait.ge [sflag:s23], $0xC8  }
0x16a: {  	s9 =	simm.s32 @!p0 $0xC8;
	[sflag:s23] =	ssyncset.done $0x0  }
0x16b: {  	s8 =	simm.s32 @!p0 $0x0;
	s1 =	sadd.s32 @!p0 s5, s1;
	[sflag:s23] =	ssyncadd.s32 $0xFFFFFF38  }
0x16c: {  	[tilespmem:s9], [sflag:$0x2] =	stream.linear.gather @!p0 [hbm4b:s1+s8], $0xC8, $0x38;
	[tilespmem:$0x8030] =	vst v63  }
0x16d: {  	s1 =	simm.s32 @!p1 $0x8  }
0x16e: {  	_ =	swait.ge @!p1 [sflag:s1], $0x3200  }
0x16f: {  	[sflag:s1] =	ssyncset.done @!p1 $0x0  }
0x170: {  	s30 =	simm.s32 $0xE50;
	[sflag:s1] =	ssyncadd.s32 @!p1 $0xFFFFCE00  }
0x171: {  	v13 =	vld [tilespmem:s30+$0xFFFFFFC0];
	_ =	sdelay $0x1  }
0x172: {  	s13 =	simm.s32 $0x0  }
0x173: {  	v14 =	vld [tilespmem:s13+$0x1B60];
	_ =	sdelay $0x1  }
0x174: {  	v15 =	vperm.xlane v13, v0  }
0x175: {  	v16 =	vperm.xlane v13, v3  }
0x176: {  	v17 =	vperm.xlane v13, v4;
	v13 =	vperm.xlane v13, v5;
	v15 =	vshll.u32 v15, v2  }
0x177: {  	v18 =	vperm.xlane v14, v1;
	v16 =	vshll.u32 v16, v2;
	v15 =	vshra.s32 v15, $0x18  }
0x178: {  	v13 =	vshll.u32 v13, v2;
	v16 =	vshra.s32 v16, $0x18;
	v15 =	vcvt.s32.f32 v15  }
0x179: {  	v17 =	vshll.u32 v17, v2;
	v13 =	vshra.s32 v13, $0x18;
	v16 =	vcvt.s32.f32 v16  }
0x17a: {  	v17 =	vshra.s32 v17, $0x18;
	v13 =	vcvt.s32.f32 v13;
	v15 =	vmul.f32 v15, v18  }
0x17b: {  	s1 =	simm.s32 $0x4F30;
	v17 =	vcvt.s32.f32 v17;
	v16 =	vmul.f32 v16, v18  }
0x17c: {  	v13 =	vmul.f32 v13, v18;
	[tilespmem:s1+$0xFFFFFF00] =	vst v15  }
0x17d: {  	v15 =	vmul.f32 v17, v18;
	[tilespmem:s1+$0xFFFFFF10] =	vst v16  }
0x17e: {  	[tilespmem:s1+$0xFFFFFF30] =	vst v13  }
0x17f: {  	[tilespmem:s1+$0xFFFFFF20] =	vst v15  }
0x180: {  	v13 =	vld [tilespmem:s30+$0xFFFFFFD0];
	_ =	sdelay $0x4  }
0x181: {  	v15 =	vperm.xlane v13, v0  }
0x182: {  	v16 =	vperm.xlane v13, v3  }
0x183: {  	v17 =	vperm.xlane v13, v4;
	v13 =	vperm.xlane v13, v5;
	v15 =	vshll.u32 v15, v2  }
0x184: {  	v18 =	vperm.xlane v14, v6;
	v16 =	vshll.u32 v16, v2;
	v15 =	vshra.s32 v15, $0x18  }
0x185: {  	v13 =	vshll.u32 v13, v2;
	v16 =	vshra.s32 v16, $0x18;
	v15 =	vcvt.s32.f32 v15  }
0x186: {  	v17 =	vshll.u32 v17, v2;
	v13 =	vshra.s32 v13, $0x18;
	v16 =	vcvt.s32.f32 v16  }
0x187: {  	v17 =	vshra.s32 v17, $0x18;
	v13 =	vcvt.s32.f32 v13;
	v15 =	vmul.f32 v15, v18  }
0x188: {  	v17 =	vcvt.s32.f32 v17;
	v16 =	vmul.f32 v16, v18  }
0x189: {  	v13 =	vmul.f32 v13, v18;
	[tilespmem:s1+$0xFFFFFF40] =	vst v15  }
0x18a: {  	v15 =	vmul.f32 v17, v18;
	[tilespmem:s1+$0xFFFFFF50] =	vst v16  }
0x18b: {  	[tilespmem:s1+$0xFFFFFF70] =	vst v13  }
0x18c: {  	[tilespmem:s1+$0xFFFFFF60] =	vst v15  }
0x18d: {  	v13 =	vld [tilespmem:s30+$0xFFFFFFE0];
	_ =	sdelay $0x4  }
0x18e: {  	v15 =	vperm.xlane v13, v0  }
0x18f: {  	v16 =	vperm.xlane v13, v3  }
0x190: {  	v18 =	vperm.xlane v14, v7;
	v17 =	vperm.xlane v13, v4;
	v15 =	vshll.u32 v15, v2  }
0x191: {  	v13 =	vperm.xlane v13, v5;
	v16 =	vshll.u32 v16, v2;
	v15 =	vshra.s32 v15, $0x18  }
0x192: {  	v17 =	vshll.u32 v17, v2;
	v16 =	vshra.s32 v16, $0x18;
	v15 =	vcvt.s32.f32 v15  }
0x193: {  	v13 =	vshll.u32 v13, v2;
	v17 =	vshra.s32 v17, $0x18;
	v16 =	vcvt.s32.f32 v16  }
0x194: {  	v13 =	vshra.s32 v13, $0x18;
	v17 =	vcvt.s32.f32 v17;
	v15 =	vmul.f32 v15, v18  }
0x195: {  	v13 =	vcvt.s32.f32 v13;
	v16 =	vmul.f32 v16, v18  }
0x196: {  	v17 =	vmul.f32 v17, v18;
	[tilespmem:s1+$0xFFFFFF80] =	vst v15  }
0x197: {  	v13 =	vmul.f32 v13, v18;
	[tilespmem:s1+$0xFFFFFF90] =	vst v16  }
0x198: {  	[tilespmem:s1+$0xFFFFFFA0] =	vst v17  }
0x199: {  	[tilespmem:s1+$0xFFFFFFB0] =	vst v13  }
0x19a: {  	v13 =	vld [tilespmem:s30+$0xFFFFFFF0];
	_ =	sdelay $0x4  }
0x19b: {  	v15 =	vperm.xlane v13, v0  }
0x19c: {  	v16 =	vperm.xlane v13, v3  }
0x19d: {  	v18 =	vperm.xlane v14, v8;
	v17 =	vperm.xlane v13, v4;
	v15 =	vshll.u32 v15, v2  }
0x19e: {  	s12 =	simm.s32 $0xED0;
	v13 =	vperm.xlane v13, v5;
	v16 =	vshll.u32 v16, v2;
	v15 =	vshra.s32 v15, $0x18  }
0x19f: {  	v19 =	vld [tilespmem:s12+$0xFFFFFFC0];
	v17 =	vshll.u32 v17, v2;
	v16 =	vshra.s32 v16, $0x18;
	v15 =	vcvt.s32.f32 v15  }
0x1a0: {  	v13 =	vshll.u32 v13, v2;
	v17 =	vshra.s32 v17, $0x18;
	v16 =	vcvt.s32.f32 v16  }
0x1a1: {  	s26 =	simm.s32 $0x8;
	v13 =	vshra.s32 v13, $0x18;
	v17 =	vcvt.s32.f32 v17;
	v15 =	vmul.f32 v15, v18  }
0x1a2: {  	v20 =	vcvt.s32.f32 v13;
	v13 =	vld [tilespmem:s26+$0x1B60];
	v16 =	vmul.f32 v16, v18  }
0x1a3: {  	[tilespmem:s1+$0xFFFFFFC0] =	vst v15;
	v15 =	vmul.f32 v17, v18  }
0x1a4: {  	[tilespmem:s1+$0xFFFFFFD0] =	vst v16;
	v16 =	vmul.f32 v20, v18;
	v18 =	vperm.xlane v19, v3  }
0x1a5: {  	[tilespmem:s1+$0xFFFFFFE0] =	vst v15;
	v15 =	vperm.xlane v19, v0  }
0x1a6: {  	[tilespmem:s1+$0xFFFFFFF0] =	vst v16;
	v16 =	vperm.xlane v19, v4;
	v19 =	vperm.xlane v19, v5;
	v18 =	vshll.u32 v18, v2  }
0x1a7: {  	v20 =	vperm.xlane v13, v1;
	v21 =	vld [tilespmem:s30+$0x0];
	v18 =	vshra.s32 v18, $0x18;
	v15 =	vshll.u32 v15, v2  }
0x1a8: {  	v19 =	vshll.u32 v19, v2;
	v18 =	vcvt.s32.f32 v18;
	v15 =	vshra.s32 v15, $0x18  }
0x1a9: {  	v16 =	vshll.u32 v16, v2;
	v19 =	vshra.s32 v19, $0x18;
	v15 =	vcvt.s32.f32 v15  }
0x1aa: {  	v16 =	vshra.s32 v16, $0x18;
	v19 =	vcvt.s32.f32 v19;
	v18 =	vmul.f32 v18, v20  }
0x1ab: {  	s9 =	simm.s32 $0x5130;
	v16 =	vcvt.s32.f32 v16;
	v15 =	vmul.f32 v15, v20  }
0x1ac: {  	v22 =	vperm.xlane v21, v0;
	[tilespmem:s9+$0xFFFFFF10] =	vst v18;
	v18 =	vmul.f32 v19, v20  }
0x1ad: {  	[tilespmem:s9+$0xFFFFFF00] =	vst v15;
	v15 =	vmul.f32 v16, v20;
	v16 =	vperm.xlane v21, v3  }
0x1ae: {  	v17 =	vperm.xlane v14, v9;
	v19 =	vshll.u32 v22, v2;
	v20 =	vperm.xlane v21, v4;
	[tilespmem:s9+$0xFFFFFF30] =	vst v18  }
0x1af: {  	[tilespmem:s9+$0xFFFFFF20] =	vst v15;
	v15 =	vshra.s32 v19, $0x18;
	v16 =	vshll.u32 v16, v2;
	v19 =	vperm.xlane v21, v5  }
0x1b0: {  	v18 =	vshll.u32 v20, v2;
	v15 =	vcvt.s32.f32 v15;
	v16 =	vshra.s32 v16, $0x18;
	v20 =	vld [tilespmem:s12+$0xFFFFFFD0]  }
0x1b1: {  	v18 =	vshra.s32 v18, $0x18;
	v16 =	vcvt.s32.f32 v16;
	v19 =	vshll.u32 v19, v2  }
0x1b2: {  	v18 =	vcvt.s32.f32 v18;
	v15 =	vmul.f32 v15, v17;
	v19 =	vshra.s32 v19, $0x18  }
0x1b3: {  	v16 =	vmul.f32 v16, v17;
	v19 =	vcvt.s32.f32 v19  }
0x1b4: {  	[tilespmem:s1+$0x0] =	vst v15;
	v15 =	vmul.f32 v18, v17  }
0x1b5: {  	[tilespmem:s1+$0x10] =	vst v16;
	v16 =	vmul.f32 v19, v17;
	v18 =	vperm.xlane v20, v0  }
0x1b6: {  	v19 =	vperm.xlane v20, v3;
	[tilespmem:s1+$0x20] =	vst v15  }
0x1b7: {  	v15 =	vperm.xlane v20, v4;
	v20 =	vperm.xlane v20, v5;
	[tilespmem:s1+$0x30] =	vst v16;
	v18 =	vshll.u32 v18, v2  }
0x1b8: {  	v16 =	vperm.xlane v13, v6;
	v19 =	vshll.u32 v19, v2;
	v21 =	vld [tilespmem:s30+$0x10];
	v18 =	vshra.s32 v18, $0x18  }
0x1b9: {  	v15 =	vshll.u32 v15, v2;
	v19 =	vshra.s32 v19, $0x18;
	v18 =	vcvt.s32.f32 v18  }
0x1ba: {  	v20 =	vshll.u32 v20, v2;
	v15 =	vshra.s32 v15, $0x18;
	v19 =	vcvt.s32.f32 v19  }
0x1bb: {  	v20 =	vshra.s32 v20, $0x18;
	v15 =	vcvt.s32.f32 v15;
	v18 =	vmul.f32 v18, v16  }
0x1bc: {  	v20 =	vcvt.s32.f32 v20;
	v19 =	vmul.f32 v19, v16  }
0x1bd: {  	v15 =	vmul.f32 v15, v16;
	v22 =	vperm.xlane v21, v0;
	[tilespmem:s9+$0xFFFFFF40] =	vst v18  }
0x1be: {  	v16 =	vmul.f32 v20, v16;
	v18 =	vperm.xlane v21, v3;
	[tilespmem:s9+$0xFFFFFF50] =	vst v19  }
0x1bf: {  	v17 =	vperm.xlane v14, v10;
	v20 =	vperm.xlane v21, v4;
	[tilespmem:s9+$0xFFFFFF60] =	vst v15;
	v19 =	vshll.u32 v22, v2  }
0x1c0: {  	[tilespmem:s9+$0xFFFFFF70] =	vst v16;
	v18 =	vshll.u32 v18, v2;
	v15 =	vshra.s32 v19, $0x18;
	v19 =	vperm.xlane v21, v5  }
0x1c1: {  	v16 =	vshra.s32 v18, $0x18;
	v18 =	vshll.u32 v20, v2;
	v20 =	vld [tilespmem:s12+$0xFFFFFFE0];
	v15 =	vcvt.s32.f32 v15  }
0x1c2: {  	v16 =	vcvt.s32.f32 v16;
	v18 =	vshra.s32 v18, $0x18;
	v19 =	vshll.u32 v19, v2  }
0x1c3: {  	v18 =	vcvt.s32.f32 v18;
	v15 =	vmul.f32 v15, v17;
	v19 =	vshra.s32 v19, $0x18  }
0x1c4: {  	v16 =	vmul.f32 v16, v17;
	v19 =	vcvt.s32.f32 v19  }
0x1c5: {  	[tilespmem:s1+$0x40] =	vst v15;
	v15 =	vmul.f32 v18, v17  }
0x1c6: {  	[tilespmem:s1+$0x50] =	vst v16;
	v18 =	vperm.xlane v20, v0;
	v16 =	vmul.f32 v19, v17  }
0x1c7: {  	v17 =	vperm.xlane v14, v11;
	v19 =	vperm.xlane v20, v3;
	[tilespmem:s1+$0x60] =	vst v15  }
0x1c8: {  	v15 =	vperm.xlane v20, v4;
	v20 =	vperm.xlane v20, v5;
	[tilespmem:s1+$0x70] =	vst v16  }
0x1c9: {  	v18 =	vshll.u32 v18, v2;
	v16 =	vperm.xlane v13, v7;
	v19 =	vshll.u32 v19, v2;
	v21 =	vld [tilespmem:s30+$0x20]  }
0x1ca: {  	v18 =	vshra.s32 v18, $0x18;
	v15 =	vshll.u32 v15, v2;
	v20 =	vshll.u32 v20, v2  }
0x1cb: {  	v18 =	vcvt.s32.f32 v18;
	v19 =	vshra.s32 v19, $0x18;
	v15 =	vshra.s32 v15, $0x18  }
0x1cc: {  	v19 =	vcvt.s32.f32 v19;
	v20 =	vshra.s32 v20, $0x18;
	v15 =	vcvt.s32.f32 v15  }
0x1cd: {  	v18 =	vmul.f32 v18, v16;
	v20 =	vcvt.s32.f32 v20  }
0x1ce: {  	v19 =	vmul.f32 v19, v16;
	v22 =	vperm.xlane v21, v0  }
0x1cf: {  	v15 =	vmul.f32 v15, v16;
	v23 =	vperm.xlane v21, v3  }
0x1d0: {  	v16 =	vmul.f32 v20, v16;
	v20 =	vshll.u32 v22, v2;
	v22 =	vperm.xlane v21, v4  }
0x1d1: {  	[tilespmem:s9+$0xFFFFFF80] =	vst v18;
	v23 =	vshll.u32 v23, v2;
	v21 =	vperm.xlane v21, v5;
	v20 =	vshra.s32 v20, $0x18  }
0x1d2: {  	[tilespmem:s9+$0xFFFFFF90] =	vst v19;
	v18 =	vcvt.s32.f32 v20;
	v20 =	vshra.s32 v23, $0x18;
	v22 =	vshll.u32 v22, v2  }
0x1d3: {  	[tilespmem:s9+$0xFFFFFFA0] =	vst v15;
	v21 =	vshll.u32 v21, v2;
	v19 =	vcvt.s32.f32 v20;
	v20 =	vshra.s32 v22, $0x18  }
0x1d4: {  	[tilespmem:s9+$0xFFFFFFB0] =	vst v16;
	v15 =	vmul.f32 v18, v17;
	v18 =	vcvt.s32.f32 v20;
	v20 =	vshra.s32 v21, $0x18  }
0x1d5: {  	v16 =	vmul.f32 v19, v17;
	v19 =	vcvt.s32.f32 v20;
	v20 =	vld [tilespmem:s12+$0xFFFFFFF0];
	_ =	sdelay $0x2  }
0x1d6: {  	[tilespmem:s1+$0x80] =	vst v15;
	v15 =	vmul.f32 v18, v17  }
0x1d7: {  	[tilespmem:s1+$0x90] =	vst v16;
	v16 =	vmul.f32 v19, v17  }
0x1d8: {  	[tilespmem:s1+$0xA0] =	vst v15;
	v15 =	vperm.xlane v20, v0;
	v17 =	vperm.xlane v20, v3  }
0x1d9: {  	[tilespmem:s1+$0xB0] =	vst v16;
	v18 =	vperm.xlane v20, v4;
	v19 =	vperm.xlane v20, v5  }
0x1da: {  	v16 =	vld [tilespmem:s30+$0x30];
	v20 =	vperm.xlane v13, v8;
	v15 =	vshll.u32 v15, v2;
	v17 =	vshll.u32 v17, v2  }
0x1db: {  	v18 =	vshll.u32 v18, v2;
	v19 =	vshll.u32 v19, v2;
	v15 =	vshra.s32 v15, $0x18  }
0x1dc: {  	s26 =	simm.s32 $0xF50;
	v17 =	vshra.s32 v17, $0x18;
	v18 =	vshra.s32 v18, $0x18;
	v15 =	vcvt.s32.f32 v15  }
0x1dd: {  	v22 =	vld [tilespmem:s26+$0xFFFFFFC0];
	v19 =	vshra.s32 v19, $0x18;
	v17 =	vcvt.s32.f32 v17;
	v18 =	vcvt.s32.f32 v18  }
0x1de: {  	v19 =	vcvt.s32.f32 v19;
	v23 =	vmul.f32 v15, v20  }
0x1df: {  	v21 =	vperm.xlane v16, v5;
	v17 =	vmul.f32 v17, v20  }
0x1e0: {  	v18 =	vmul.f32 v18, v20;
	[tilespmem:s9+$0xFFFFFFC0] =	vst v23  }
0x1e1: {  	v14 =	vperm.xlane v14, v12;
	s30 =	simm.s32 $0x10;
	v19 =	vmul.f32 v19, v20;
	v15 =	vshll.u32 v21, v2;
	[tilespmem:s9+$0xFFFFFFD0] =	vst v17  }
0x1e2: {  	v21 =	vshra.s32 v15, $0x18;
	v15 =	vld [tilespmem:s30+$0x1B60];
	[tilespmem:s9+$0xFFFFFFE0] =	vst v18;
	v17 =	vperm.xlane v22, v0;
	v18 =	vperm.xlane v22, v3  }
0x1e3: {  	[tilespmem:s9+$0xFFFFFFF0] =	vst v19;
	v19 =	vperm.xlane v22, v4;
	v21 =	vcvt.s32.f32 v21  }
0x1e4: {  	v20 =	vperm.xlane v16, v0;
	v23 =	vperm.xlane v13, v9;
	v25 =	vld [tilespmem:s12+$0x0];
	v17 =	vshll.u32 v17, v2  }
0x1e5: {  	v18 =	vshll.u32 v18, v2;
	v19 =	vshll.u32 v19, v2;
	v24 =	vmul.f32 v21, v14  }
0x1e6: {  	v21 =	vperm.xlane v22, v5;
	v17 =	vshra.s32 v17, $0x18;
	v18 =	vshra.s32 v18, $0x18  }
0x1e7: {  	v19 =	vshra.s32 v19, $0x18;
	v17 =	vcvt.s32.f32 v17;
	v22 =	vperm.xlane v15, v1  }
0x1e8: {  	v18 =	vcvt.s32.f32 v18;
	v19 =	vcvt.s32.f32 v19;
	v21 =	vshll.u32 v21, v2  }
0x1e9: {  	v21 =	vshra.s32 v21, $0x18;
	v26 =	vperm.xlane v25, v0;
	v17 =	vmul.f32 v17, v22  }
0x1ea: {  	s8 =	simm.s32 $0x5330;
	v21 =	vcvt.s32.f32 v21;
	v18 =	vmul.f32 v18, v22  }
0x1eb: {  	[tilespmem:s8+$0xFFFFFF00] =	vst v17;
	v17 =	vmul.f32 v19, v22;
	v19 =	vperm.xlane v25, v3  }
0x1ec: {  	[tilespmem:s8+$0xFFFFFF10] =	vst v18;
	v18 =	vmul.f32 v21, v22;
	v21 =	vshll.u32 v26, v2;
	v22 =	vperm.xlane v25, v4  }
0x1ed: {  	[tilespmem:s8+$0xFFFFFF20] =	vst v17;
	v17 =	vshra.s32 v21, $0x18;
	v19 =	vshll.u32 v19, v2;
	v21 =	vperm.xlane v25, v5  }
0x1ee: {  	[tilespmem:s8+$0xFFFFFF30] =	vst v18;
	v17 =	vcvt.s32.f32 v17;
	v18 =	vshra.s32 v19, $0x18;
	v19 =	vshll.u32 v22, v2  }
0x1ef: {  	v22 =	vld [tilespmem:s26+$0xFFFFFFD0];
	v18 =	vcvt.s32.f32 v18;
	v19 =	vshra.s32 v19, $0x18;
	v21 =	vshll.u32 v21, v2  }
0x1f0: {  	v25 =	vmul.f32 v17, v23;
	v17 =	vcvt.s32.f32 v19;
	v19 =	vshra.s32 v21, $0x18  }
0x1f1: {  	v18 =	vmul.f32 v18, v23;
	v19 =	vcvt.s32.f32 v19  }
0x1f2: {  	v20 =	vshll.u32 v20, v2;
	v26 =	vperm.xlane v16, v3;
	v21 =	vmul.f32 v17, v23;
	[tilespmem:s9+$0x0] =	vst v25  }
0x1f3: {  	v17 =	vshra.s32 v20, $0x18;
	v20 =	vmul.f32 v19, v23;
	v19 =	vperm.xlane v13, v10;
	[tilespmem:s9+$0x10] =	vst v18  }
0x1f4: {  	v23 =	vperm.xlane v22, v0;
	v25 =	vperm.xlane v22, v3;
	v18 =	vshll.u32 v26, v2;
	[tilespmem:s9+$0x20] =	vst v21  }
0x1f5: {  	v26 =	vperm.xlane v22, v4;
	v27 =	vperm.xlane v22, v5;
	v18 =	vshra.s32 v18, $0x18;
	[tilespmem:s9+$0x30] =	vst v20  }
0x1f6: {  	v21 =	vperm.xlane v15, v6;
	v23 =	vshll.u32 v23, v2;
	v22 =	vshll.u32 v25, v2;
	v20 =	vld [tilespmem:s12+$0x10]  }
0x1f7: {  	s13 =	simm.s32 $0x60;
	[tilespmem:s1+$0xF0] =	vst v24;
	v24 =	vshll.u32 v26, v2;
	v25 =	vshra.s32 v23, $0x18;
	v23 =	vshll.u32 v27, v2  }
.LBB2_8:
0x1f8: {  	p1 =	sne.s32 s13, $0x300;
	v25 =	vcvt.s32.f32 v25;
	v22 =	vshra.s32 v22, $0x18;
	v24 =	vshra.s32 v24, $0x18  }
0x1f9: {  	v23 =	vshra.s32 v23, $0x18;
	v22 =	vcvt.s32.f32 v22;
	v24 =	vcvt.s32.f32 v24  }
0x1fa: {  	v23 =	vcvt.s32.f32 v23;
	v25 =	vmul.f32 v25, v21  }
0x1fb: {  	v22 =	vmul.f32 v22, v21;
	v26 =	vperm.xlane v20, v0  }
0x1fc: {  	v24 =	vmul.f32 v24, v21;
	[tilespmem:s8+$0xFFFFFF40] =	vst v25;
	v25 =	vperm.xlane v20, v3  }
0x1fd: {  	v21 =	vmul.f32 v23, v21;
	v23 =	vperm.xlane v20, v4;
	[tilespmem:s8+$0xFFFFFF50] =	vst v22;
	v22 =	vshll.u32 v26, v2  }
0x1fe: {  	v20 =	vperm.xlane v20, v5;
	[tilespmem:s8+$0xFFFFFF60] =	vst v24;
	v22 =	vshra.s32 v22, $0x18;
	v24 =	vshll.u32 v25, v2  }
0x1ff: {  	v23 =	vshll.u32 v23, v2;
	[tilespmem:s8+$0xFFFFFF70] =	vst v21;
	v21 =	vcvt.s32.f32 v22;
	v22 =	vshra.s32 v24, $0x18  }
0x200: {  	v23 =	vshra.s32 v23, $0x18;
	v20 =	vshll.u32 v20, v2;
	v24 =	vld [tilespmem:s26+$0xFFFFFFE0];
	v22 =	vcvt.s32.f32 v22  }
0x201: {  	v23 =	vcvt.s32.f32 v23;
	v20 =	vshra.s32 v20, $0x18;
	v21 =	vmul.f32 v21, v19  }
0x202: {  	v20 =	vcvt.s32.f32 v20;
	v22 =	vmul.f32 v22, v19  }
0x203: {  	v16 =	vperm.xlane v16, v4;
	[tilespmem:s9+$0x40] =	vst v21;
	v21 =	vmul.f32 v23, v19  }
0x204: {  	v19 =	vmul.f32 v20, v19;
	v20 =	vperm.xlane v13, v11;
	[tilespmem:s9+$0x50] =	vst v22  }
0x205: {  	v16 =	vshll.u32 v16, v2;
	v22 =	vperm.xlane v24, v0;
	v23 =	vperm.xlane v24, v3;
	[tilespmem:s9+$0x60] =	vst v21  }
0x206: {  	v16 =	vshra.s32 v16, $0x18;
	v21 =	vperm.xlane v24, v4;
	v24 =	vperm.xlane v24, v5;
	[tilespmem:s9+$0x70] =	vst v19  }
0x207: {  	v19 =	vperm.xlane v15, v7;
	v22 =	vshll.u32 v22, v2;
	v23 =	vshll.u32 v23, v2;
	v25 =	vld [tilespmem:s12+$0x20]  }
0x208: {  	v21 =	vshll.u32 v21, v2;
	v24 =	vshll.u32 v24, v2;
	v22 =	vshra.s32 v22, $0x18  }
0x209: {  	v23 =	vshra.s32 v23, $0x18;
	v21 =	vshra.s32 v21, $0x18;
	v22 =	vcvt.s32.f32 v22  }
0x20a: {  	v24 =	vshra.s32 v24, $0x18;
	v23 =	vcvt.s32.f32 v23;
	v21 =	vcvt.s32.f32 v21  }
0x20b: {  	v24 =	vcvt.s32.f32 v24;
	v22 =	vmul.f32 v22, v19  }
0x20c: {  	v23 =	vmul.f32 v23, v19;
	v26 =	vperm.xlane v25, v0  }
0x20d: {  	v21 =	vmul.f32 v21, v19;
	v27 =	vperm.xlane v25, v3  }
0x20e: {  	v19 =	vmul.f32 v24, v19;
	v24 =	vshll.u32 v26, v2;
	v26 =	vperm.xlane v25, v4  }
0x20f: {  	v27 =	vshll.u32 v27, v2;
	v25 =	vperm.xlane v25, v5;
	v24 =	vshra.s32 v24, $0x18  }
0x210: {  	[tilespmem:s8+$0xFFFFFF80] =	vst v22;
	v22 =	vcvt.s32.f32 v24;
	v24 =	vshra.s32 v27, $0x18;
	v26 =	vshll.u32 v26, v2  }
0x211: {  	v25 =	vshll.u32 v25, v2;
	[tilespmem:s8+$0xFFFFFF90] =	vst v23;
	v23 =	vcvt.s32.f32 v24;
	v24 =	vshra.s32 v26, $0x18  }
0x212: {  	[tilespmem:s8+$0xFFFFFFA0] =	vst v21;
	v21 =	vmul.f32 v22, v20;
	v22 =	vcvt.s32.f32 v24;
	v24 =	vshra.s32 v25, $0x18  }
0x213: {  	[tilespmem:s8+$0xFFFFFFB0] =	vst v19;
	v19 =	vmul.f32 v23, v20;
	v23 =	vcvt.s32.f32 v24  }
0x214: {  	v17 =	vcvt.s32.f32 v17;
	v24 =	vld [tilespmem:s26+$0xFFFFFFF0];
	[tilespmem:s9+$0x80] =	vst v21;
	v21 =	vmul.f32 v22, v20  }
0x215: {  	v18 =	vcvt.s32.f32 v18;
	[tilespmem:s9+$0x90] =	vst v19;
	v19 =	vmul.f32 v23, v20  }
0x216: {  	v17 =	vmul.f32 v17, v14;
	v20 =	vcvt.s32.f32 v16;
	[tilespmem:s9+$0xA0] =	vst v21  }
0x217: {  	v18 =	vmul.f32 v18, v14;
	[tilespmem:s9+$0xB0] =	vst v19  }
0x218: {  	v16 =	vld [tilespmem:s12+$0x30];
	[tilespmem:s1+$0xC0] =	vst v17;
	v17 =	vmul.f32 v20, v14;
	v14 =	vperm.xlane v13, v12;
	v13 =	vmov v15;
	s12 =	smov.u32 s26  }
0x219: {  	v15 =	vperm.xlane v24, v0;
	v19 =	vperm.xlane v24, v3;
	[tilespmem:s1+$0xD0] =	vst v18  }
0x21a: {  	v18 =	vperm.xlane v24, v4;
	v20 =	vperm.xlane v24, v5;
	[tilespmem:s1+$0xE0] =	vst v17;
	s1 =	smov.u32 s9;
	s9 =	smov.u32 s8  }
0x21b: {  	v17 =	vperm.xlane v13, v8;
	v15 =	vshll.u32 v15, v2;
	v19 =	vshll.u32 v19, v2  }
0x21c: {  	v18 =	vshll.u32 v18, v2;
	v20 =	vshll.u32 v20, v2;
	v15 =	vshra.s32 v15, $0x18  }
0x21d: {  	v19 =	vshra.s32 v19, $0x18;
	v15 =	vcvt.s32.f32 v15;
	v21 =	vperm.xlane v16, v5  }
0x21e: {  	s26 =	sadd.s32 $0x80, s26;
	v18 =	vshra.s32 v18, $0x18;
	v20 =	vshra.s32 v20, $0x18;
	v19 =	vcvt.s32.f32 v19  }
0x21f: {  	v18 =	vcvt.s32.f32 v18;
	v22 =	vld [tilespmem:s26+$0xFFFFFFC0];
	v23 =	vmul.f32 v15, v17;
	v15 =	vshll.u32 v21, v2  }
0x220: {  	s30 =	sshra.s32 s13, $0x2;
	v20 =	vcvt.s32.f32 v20;
	v19 =	vmul.f32 v19, v17;
	v21 =	vshra.s32 v15, $0x18  }
0x221: {  	v18 =	vmul.f32 v18, v17;
	v15 =	vld [tilespmem:s30+$0x1B60];
	[tilespmem:s8+$0xFFFFFFC0] =	vst v23;
	v21 =	vcvt.s32.f32 v21  }
0x222: {  	v17 =	vmul.f32 v20, v17;
	[tilespmem:s8+$0xFFFFFFD0] =	vst v19;
	v19 =	vperm.xlane v16, v0  }
0x223: {  	[tilespmem:s8+$0xFFFFFFE0] =	vst v18;
	v18 =	vperm.xlane v13, v9;
	v20 =	vmul.f32 v21, v14  }
0x224: {  	v21 =	vperm.xlane v22, v0;
	v23 =	vperm.xlane v22, v3;
	[tilespmem:s8+$0xFFFFFFF0] =	vst v17;
	v17 =	vshll.u32 v19, v2  }
0x225: {  	v19 =	vperm.xlane v22, v4;
	v22 =	vperm.xlane v22, v5;
	v17 =	vshra.s32 v17, $0x18;
	[tilespmem:s1+$0xF0] =	vst v20  }
0x226: {  	v20 =	vperm.xlane v15, v1;
	v21 =	vshll.u32 v21, v2;
	v23 =	vshll.u32 v23, v2;
	v24 =	vld [tilespmem:s12+$0x0]  }
0x227: {  	v19 =	vshll.u32 v19, v2;
	v22 =	vshll.u32 v22, v2;
	v21 =	vshra.s32 v21, $0x18  }
0x228: {  	v23 =	vshra.s32 v23, $0x18;
	v19 =	vshra.s32 v19, $0x18;
	v21 =	vcvt.s32.f32 v21  }
0x229: {  	v22 =	vshra.s32 v22, $0x18;
	v23 =	vcvt.s32.f32 v23;
	v19 =	vcvt.s32.f32 v19  }
0x22a: {  	v22 =	vcvt.s32.f32 v22;
	v21 =	vmul.f32 v21, v20  }
0x22b: {  	s8 =	sadd.s32 $0x200, s8;
	v23 =	vmul.f32 v23, v20;
	v25 =	vperm.xlane v24, v0  }
0x22c: {  	v19 =	vmul.f32 v19, v20;
	[tilespmem:s8+$0xFFFFFF00] =	vst v21;
	v21 =	vperm.xlane v24, v3  }
0x22d: {  	v20 =	vmul.f32 v22, v20;
	[tilespmem:s8+$0xFFFFFF10] =	vst v23;
	v22 =	vshll.u32 v25, v2;
	v23 =	vperm.xlane v24, v4  }
0x22e: {  	[tilespmem:s8+$0xFFFFFF20] =	vst v19;
	v19 =	vshra.s32 v22, $0x18;
	v21 =	vshll.u32 v21, v2;
	v22 =	vperm.xlane v24, v5  }
0x22f: {  	[tilespmem:s8+$0xFFFFFF30] =	vst v20;
	v19 =	vcvt.s32.f32 v19;
	v20 =	vshra.s32 v21, $0x18;
	v21 =	vshll.u32 v23, v2  }
0x230: {  	v23 =	vld [tilespmem:s26+$0xFFFFFFD0];
	v20 =	vcvt.s32.f32 v20;
	v21 =	vshra.s32 v21, $0x18;
	v22 =	vshll.u32 v22, v2  }
0x231: {  	v19 =	vmul.f32 v19, v18;
	v21 =	vcvt.s32.f32 v21;
	v22 =	vshra.s32 v22, $0x18  }
0x232: {  	v20 =	vmul.f32 v20, v18;
	v22 =	vcvt.s32.f32 v22  }
0x233: {  	v24 =	vperm.xlane v16, v3;
	[tilespmem:s9+$0x0] =	vst v19;
	v21 =	vmul.f32 v21, v18  }
.Ltmp5:
0x234: {  	v19 =	vperm.xlane v13, v10;
	[tilespmem:s9+$0x10] =	vst v20;
	v18 =	vmul.f32 v22, v18;
	(pc) =	sbr.rel @p1 .LBB2_8-.Ltmp5, $4  }
0x235: {  	v20 =	vperm.xlane v23, v0;
	v22 =	vperm.xlane v23, v3;
	[tilespmem:s9+$0x20] =	vst v21;
	v21 =	vshll.u32 v24, v2  }
0x236: {  	v24 =	vperm.xlane v23, v4;
	v23 =	vperm.xlane v23, v5;
	[tilespmem:s9+$0x30] =	vst v18;
	v18 =	vshra.s32 v21, $0x18  }
0x237: {  	v21 =	vperm.xlane v15, v6;
	v25 =	vshll.u32 v20, v2;
	v22 =	vshll.u32 v22, v2;
	v20 =	vld [tilespmem:s12+$0x10]  }
0x238: {  	s13 =	sadd.s32 $0x20, s13;
	v24 =	vshll.u32 v24, v2;
	v23 =	vshll.u32 v23, v2;
	v25 =	vshra.s32 v25, $0x18  }
0x239: {  	v25 =	vcvt.s32.f32 v25;
	v22 =	vshra.s32 v22, $0x18  }
0x23a: {  	v24 =	vshra.s32 v24, $0x18;
	v22 =	vcvt.s32.f32 v22  }
0x23b: {  	v23 =	vshra.s32 v23, $0x18;
	v24 =	vcvt.s32.f32 v24;
	v25 =	vmul.f32 v25, v21  }
0x23c: {  	v23 =	vcvt.s32.f32 v23;
	v22 =	vmul.f32 v22, v21  }
0x23d: {  	v24 =	vmul.f32 v24, v21;
	[tilespmem:s8+$0xFFFFFF40] =	vst v25  }
0x23e: {  	v32 =	vmul.f32 v23, v21;
	[tilespmem:s8+$0xFFFFFF50] =	vst v22  }
0x23f: {  	[tilespmem:s8+$0xFFFFFF60] =	vst v24  }
0x240: {  	[tilespmem:s8+$0xFFFFFF70] =	vst v32  }
0x241: {  	v21 =	vld [tilespmem:s26+$0xFFFFFFE0];
	_ =	sdelay $0x4  }
0x242: {  	v33 =	vperm.xlane v21, v0  }
0x243: {  	v34 =	vperm.xlane v21, v3  }
0x244: {  	v36 =	vperm.xlane v15, v7;
	v35 =	vperm.xlane v21, v4;
	v22 =	vshll.u32 v33, v2  }
0x245: {  	v21 =	vperm.xlane v21, v5;
	v23 =	vshll.u32 v34, v2;
	v22 =	vshra.s32 v22, $0x18  }
0x246: {  	v24 =	vshll.u32 v35, v2;
	v23 =	vshra.s32 v23, $0x18;
	v22 =	vcvt.s32.f32 v22  }
0x247: {  	v21 =	vshll.u32 v21, v2;
	v24 =	vshra.s32 v24, $0x18;
	v23 =	vcvt.s32.f32 v23  }
0x248: {  	v21 =	vshra.s32 v21, $0x18;
	v24 =	vcvt.s32.f32 v24;
	v22 =	vmul.f32 v22, v36  }
0x249: {  	v21 =	vcvt.s32.f32 v21;
	v23 =	vmul.f32 v23, v36  }
0x24a: {  	v24 =	vmul.f32 v24, v36;
	[tilespmem:s8+$0xFFFFFF80] =	vst v22  }
0x24b: {  	v21 =	vmul.f32 v21, v36;
	[tilespmem:s8+$0xFFFFFF90] =	vst v23  }
0x24c: {  	[tilespmem:s8+$0xFFFFFFA0] =	vst v24  }
0x24d: {  	[tilespmem:s8+$0xFFFFFFB0] =	vst v21  }
0x24e: {  	v21 =	vld [tilespmem:s26+$0xFFFFFFF0];
	_ =	sdelay $0x4  }
0x24f: {  	v37 =	vperm.xlane v21, v0  }
0x250: {  	v38 =	vperm.xlane v21, v3  }
0x251: {  	v40 =	vperm.xlane v15, v8;
	v39 =	vperm.xlane v21, v4;
	v22 =	vshll.u32 v37, v2  }
0x252: {  	v21 =	vperm.xlane v21, v5;
	v23 =	vshll.u32 v38, v2;
	v22 =	vshra.s32 v22, $0x18  }
0x253: {  	v24 =	vshll.u32 v39, v2;
	v23 =	vshra.s32 v23, $0x18;
	v22 =	vcvt.s32.f32 v22  }
0x254: {  	v21 =	vshll.u32 v21, v2;
	v24 =	vshra.s32 v24, $0x18;
	v23 =	vcvt.s32.f32 v23  }
0x255: {  	v21 =	vshra.s32 v21, $0x18;
	v24 =	vcvt.s32.f32 v24;
	v22 =	vmul.f32 v22, v40  }
0x256: {  	v21 =	vcvt.s32.f32 v21;
	v23 =	vmul.f32 v23, v40  }
0x257: {  	v41 =	vmul.f32 v24, v40;
	[tilespmem:s8+$0xFFFFFFC0] =	vst v22  }
0x258: {  	v21 =	vmul.f32 v21, v40;
	[tilespmem:s8+$0xFFFFFFD0] =	vst v23  }
0x259: {  	v47 =	vperm.xlane v20, v5;
	[tilespmem:s8+$0xFFFFFFE0] =	vst v41  }
0x25a: {  	v42 =	vperm.xlane v20, v0;
	[tilespmem:s8+$0xFFFFFFF0] =	vst v21  }
0x25b: {  	v43 =	vperm.xlane v20, v3;
	v45 =	vperm.xlane v20, v4;
	v20 =	vshll.u32 v47, v2;
	v46 =	vld [tilespmem:s26+$0x0]  }
0x25c: {  	v20 =	vshra.s32 v20, $0x18  }
0x25d: {  	v20 =	vcvt.s32.f32 v20  }
0x25e: {  	v44 =	vshll.u32 v42, v2  }
0x25f: {  	v27 =	vperm.xlane v15, v9;
	v56 =	vmul.f32 v20, v19;
	v21 =	vshra.s32 v44, $0x18  }
0x260: {  	v21 =	vcvt.s32.f32 v21;
	v48 =	vperm.xlane v46, v0  }
0x261: {  	v22 =	vshll.u32 v43, v2;
	v23 =	vshll.u32 v45, v2;
	v26 =	vperm.xlane v46, v3  }
0x262: {  	v21 =	vmul.f32 v21, v19;
	v28 =	vperm.xlane v46, v4;
	v25 =	vshll.u32 v48, v2  }
0x263: {  	v24 =	vperm.xlane v46, v5;
	v26 =	vshll.u32 v26, v2;
	v25 =	vshra.s32 v25, $0x18  }
0x264: {  	v28 =	vshll.u32 v28, v2;
	v26 =	vshra.s32 v26, $0x18;
	v25 =	vcvt.s32.f32 v25  }
0x265: {  	v24 =	vshll.u32 v24, v2;
	v50 =	vshra.s32 v28, $0x18;
	v49 =	vcvt.s32.f32 v26  }
0x266: {  	[tilespmem:s9+$0x70] =	vst v56;
	v24 =	vshra.s32 v24, $0x18;
	v52 =	vcvt.s32.f32 v50;
	v51 =	vmul.f32 v25, v27  }
0x267: {  	v22 =	vshra.s32 v22, $0x18;
	[tilespmem:s9+$0x40] =	vst v21;
	v53 =	vcvt.s32.f32 v24;
	v21 =	vmul.f32 v49, v27  }
0x268: {  	v23 =	vshra.s32 v23, $0x18;
	v22 =	vcvt.s32.f32 v22;
	v54 =	vmul.f32 v52, v27;
	[tilespmem:s8+$0x0] =	vst v51  }
0x269: {  	v23 =	vcvt.s32.f32 v23;
	v55 =	vmul.f32 v53, v27;
	[tilespmem:s8+$0x10] =	vst v21  }
0x26a: {  	v22 =	vmul.f32 v22, v19;
	[tilespmem:s8+$0x20] =	vst v54  }
0x26b: {  	v23 =	vmul.f32 v23, v19;
	[tilespmem:s8+$0x30] =	vst v55  }
0x26c: {  	[tilespmem:s9+$0x50] =	vst v22;
	v57 =	vld [tilespmem:s26+$0x10]  }
0x26d: {  	[tilespmem:s9+$0x60] =	vst v23  }
0x26e: {  	v58 =	vld [tilespmem:s12+$0x20];
	_ =	sdelay $0x1  }
0x26f: {  	v16 =	vperm.xlane v16, v4  }
0x270: {  	v59 =	vperm.xlane v13, v11;
	v60 =	vperm.xlane v57, v0  }
0x271: {  	v63 =	vperm.xlane v15, v10;
	v62 =	vperm.xlane v57, v3  }
0x272: {  	v61 =	vperm.xlane v58, v0;
	v29 =	vperm.xlane v57, v4;
	v22 =	vshll.u32 v60, v2  }
0x273: {  	v19 =	vperm.xlane v57, v5;
	v24 =	vshll.u32 v62, v2;
	v22 =	vshra.s32 v22, $0x18  }
0x274: {  	v26 =	vshll.u32 v29, v2;
	v24 =	vshra.s32 v24, $0x18;
	v22 =	vcvt.s32.f32 v22  }
0x275: {  	v19 =	vshll.u32 v19, v2;
	v26 =	vshra.s32 v26, $0x18;
	v24 =	vcvt.s32.f32 v24  }
0x276: {  	v19 =	vshra.s32 v19, $0x18;
	v26 =	vcvt.s32.f32 v26;
	v22 =	vmul.f32 v22, v63  }
0x277: {  	v19 =	vcvt.s32.f32 v19;
	v24 =	vmul.f32 v24, v63  }
0x278: {  	v32 =	vperm.xlane v58, v4;
	v31 =	vmul.f32 v26, v63;
	[tilespmem:s8+$0x40] =	vst v22  }
0x279: {  	v20 =	vperm.xlane v58, v5;
	v19 =	vmul.f32 v19, v63;
	[tilespmem:s8+$0x50] =	vst v24  }
0x27a: {  	v30 =	vperm.xlane v58, v3;
	v23 =	vshll.u32 v61, v2;
	v36 =	vshll.u32 v32, v2;
	[tilespmem:s8+$0x60] =	vst v31  }
0x27b: {  	v20 =	vshll.u32 v20, v2;
	v23 =	vshra.s32 v23, $0x18;
	v38 =	vshra.s32 v36, $0x18;
	[tilespmem:s8+$0x70] =	vst v19  }
0x27c: {  	v20 =	vshra.s32 v20, $0x18;
	v34 =	vcvt.s32.f32 v23;
	v23 =	vcvt.s32.f32 v38;
	v39 =	vld [tilespmem:s26+$0x20]  }
0x27d: {  	v17 =	vcvt.s32.f32 v17;
	v33 =	vshll.u32 v30, v2;
	v20 =	vcvt.s32.f32 v20  }
0x27e: {  	v18 =	vcvt.s32.f32 v18;
	v35 =	vshra.s32 v33, $0x18;
	v23 =	vmul.f32 v23, v59  }
0x27f: {  	v37 =	vcvt.s32.f32 v35;
	v20 =	vmul.f32 v20, v59  }
0x280: {  	v13 =	vperm.xlane v13, v12;
	v16 =	vshll.u32 v16, v2;
	[tilespmem:s9+$0xA0] =	vst v23;
	v22 =	vmul.f32 v34, v59  }
0x281: {  	v16 =	vshra.s32 v16, $0x18;
	[tilespmem:s9+$0xB0] =	vst v20;
	v19 =	vmul.f32 v37, v59;
	v40 =	vperm.xlane v39, v0  }
0x282: {  	v16 =	vcvt.s32.f32 v16;
	[tilespmem:s9+$0x80] =	vst v22;
	v41 =	vperm.xlane v39, v3  }
0x283: {  	v42 =	vperm.xlane v15, v11;
	[tilespmem:s9+$0x90] =	vst v19;
	v43 =	vperm.xlane v39, v4;
	v21 =	vshll.u32 v40, v2  }
0x284: {  	v46 =	vld [tilespmem:s12+$0x30];
	v45 =	vperm.xlane v39, v5;
	v19 =	vshll.u32 v41, v2;
	v44 =	vshra.s32 v21, $0x18  }
0x285: {  	v23 =	vshll.u32 v43, v2;
	v19 =	vshra.s32 v19, $0x18;
	v20 =	vcvt.s32.f32 v44  }
0x286: {  	v23 =	vshra.s32 v23, $0x18;
	v21 =	vshll.u32 v45, v2;
	v19 =	vcvt.s32.f32 v19  }
0x287: {  	v23 =	vcvt.s32.f32 v23;
	v21 =	vshra.s32 v21, $0x18;
	v20 =	vmul.f32 v20, v42  }
0x288: {  	v21 =	vcvt.s32.f32 v21;
	v19 =	vmul.f32 v19, v42  }
0x289: {  	v48 =	vperm.xlane v46, v5;
	v47 =	vmul.f32 v23, v42;
	[tilespmem:s8+$0x80] =	vst v20  }
0x28a: {  	v17 =	vmul.f32 v17, v14;
	v49 =	vmul.f32 v21, v42;
	[tilespmem:s8+$0x90] =	vst v19  }
0x28b: {  	v18 =	vmul.f32 v18, v14;
	v14 =	vmul.f32 v16, v14;
	v51 =	vshll.u32 v48, v2;
	[tilespmem:s8+$0xA0] =	vst v47  }
0x28c: {  	v50 =	vperm.xlane v46, v0;
	v54 =	vperm.xlane v46, v4;
	v16 =	vshra.s32 v51, $0x18;
	[tilespmem:s8+$0xB0] =	vst v49  }
0x28d: {  	v52 =	vperm.xlane v46, v3;
	v16 =	vcvt.s32.f32 v16;
	v55 =	vld [tilespmem:s26+$0x30]  }
0x28e: {  	v15 =	vperm.xlane v15, v12;
	v53 =	vshll.u32 v50, v2;
	v21 =	vshll.u32 v54, v2  }
0x28f: {  	v19 =	vshra.s32 v53, $0x18;
	v20 =	vshll.u32 v52, v2;
	v16 =	vmul.f32 v16, v13  }
0x290: {  	v21 =	vshra.s32 v21, $0x18;
	v20 =	vshra.s32 v20, $0x18;
	v19 =	vcvt.s32.f32 v19  }
0x291: {  	v21 =	vcvt.s32.f32 v21;
	v20 =	vcvt.s32.f32 v20  }
0x292: {  	v19 =	vmul.f32 v19, v13;
	v56 =	vperm.xlane v55, v5  }
0x293: {  	[tilespmem:s1+$0xC0] =	vst v17;
	v20 =	vmul.f32 v20, v13;
	v57 =	vperm.xlane v55, v0  }
0x294: {  	[tilespmem:s1+$0xD0] =	vst v18;
	v13 =	vmul.f32 v21, v13;
	v59 =	vperm.xlane v55, v3;
	v58 =	vshll.u32 v56, v2  }
0x295: {  	[tilespmem:s1+$0xE0] =	vst v14;
	v60 =	vperm.xlane v55, v4;
	v17 =	vshll.u32 v57, v2;
	v14 =	vshra.s32 v58, $0x18  }
0x296: {  	[tilespmem:s9+$0xF0] =	vst v16;
	v62 =	vshll.u32 v59, v2;
	v61 =	vshra.s32 v17, $0x18;
	v14 =	vcvt.s32.f32 v14  }
0x297: {  	[tilespmem:s9+$0xC0] =	vst v19;
	v18 =	vshll.u32 v60, v2;
	v17 =	vshra.s32 v62, $0x18;
	v16 =	vcvt.s32.f32 v61  }
0x298: {  	s0 =	sadd.s32 s0, s4;
	[tilespmem:s9+$0xD0] =	vst v20;
	v18 =	vshra.s32 v18, $0x18;
	v17 =	vcvt.s32.f32 v17;
	v14 =	vmul.f32 v14, v15  }
0x299: {  	s0 =	smul.u32 $0x640, s0;
	[tilespmem:s9+$0xE0] =	vst v13;
	v63 =	vcvt.s32.f32 v18;
	v13 =	vmul.f32 v16, v15  }
.Ltmp6:
0x29a: {  	[tilespmem:s8+$0xF0] =	vst v14;
	v14 =	vmul.f32 v17, v15;
	(pc) =	sbr.rel @p0 .LBB2_11-.Ltmp6, $4  }
0x29b: {  	[tilespmem:s8+$0xC0] =	vst v13;
	v13 =	vmul.f32 v63, v15  }
0x29c: {  	s0 =	sadd.s32 s2, s0;
	[tilespmem:s8+$0xD0] =	vst v14  }
0x29d: {  	s0 =	sadd.s32 $0x640, s0;
	[tilespmem:s8+$0xE0] =	vst v13  }
0x29e: {  	[hbm4b:s0+s3] =	stream.linear.scatter [tilespmem:s24], [sflag:$0x8], $0x3200, $0x38;
	[tilespmem:$0x8030] =	vst v63  }
0x29f: {  	_ =	swait.ge [sflag:s28], $0xC8  }
0x2a0: {  	[sflag:s28] =	ssyncset.done $0x0  }
0x2a1: {  	[sflag:s28] =	ssyncadd.s32 $0xFFFFFF38  }
0x2a2: {  	[tilespmem:s15], [sflag:$0x3] =	stream.indirect.gather [hbm4b:s6+s14], $0x10, s3, s14, $0xb8;
	[tilespmem:$0x8030] =	vst v63  }
.Ltmp7:
0x2a3: {  	_ = 	snop;
	(pc) =	sbr.rel .LBB2_2-.Ltmp7, $4  }
0x2a4: {  	[tilespmem:s16], [sflag:$0x5] =	stream.indirect.gather [hbm4b:s7+s14], $0x1, s3, s14, $0xb8;
	[tilespmem:$0x8030] =	vst v63  }
0x2a5: {  	_ =	swait.ge [sflag:s29], $0xC8  }
0x2a6: {  	[sflag:s29] =	ssyncset.done $0x0  }
0x2a7: {  	s31 =	sadd.s32 $0x1, s31;
	[sflag:s29] =	ssyncadd.s32 $0xFFFFFF38  }
.LBB2_12:
0x2a8: {  	_ =	sfence.sel $0x180000  }
0x2a9: {  	[bflag:$0x0] =	sbarrier.arrive $0xFFFF  }
0x2aa: {  	_ =	strace $0x9000004A  }
0x2ab: {  	s0 =	stileid.u32;
	[bflag:$0x2] =	sbarrier.arrive $0xFFFF  }
0x2ac: {  	p0 =	sne.s32 s0, $0x0;
	s0 =	rddreg [dreg:$0x2]  }
0x2ad: {  	s0 =	sadd.s32 @!p0 $0x100000, s0  }
0x2ae: {  	[sflag:s0] =	ssyncadd.tile.s32 @!p0 $0x1;
	_ =	shalt  }
.Lfunc_end2:
_tile_overlayer_lowered:
.L_overlay_start_2:
0x2af: {  	(tag) =	ssettag $0x2  }
0x2b0: {  	s0 =	rddreg [dreg:$0x0];
	s2 =	stileid.u32  }
0x2b1: {  	s1 =	rddreg [dreg:$0x1];
	p0 =	sne.s32 s2, $0x0  }
0x2b2: {  	s3 =	rddreg [dreg:$0x2];
	[bflag:$0x3] =	sbarrier.arrive $0xFFFF;
	s2 =	simm.s32 @!p0 $0x1C09  }
0x2b3: {  	[timem:s3], [sflag:s2] =	dma.local @!p0 [hbm:s0], s1  }
0x2b4: {  	s0 =	simm.s32 @!p0 $0x9  }
0x2b5: {  	_ =	swait.ge @!p0 [sflag:s0], s1  }
0x2b6: {  	s1 =	ssub.s32 @!p0 $0x0, s1;
	[sflag:s0] =	ssyncset.done @!p0 $0x0  }
0x2b7: {  	[sflag:s0] =	ssyncadd.s32 @!p0 s1  }
0x2b8: {  	[bflag:$0x3] =	sbarrier.arrive $0xFFFF  }
0x2b9: {  	_ =	shalt  }

// kernel: sparse-core-data-format-call.1.cloned.1.call-start
scs
called_computation.1_lowered:
.L_overlay_start_0:
0x0: {  	s1 =	sld [smem:$0x3FD9]  }
0x1: {  	s2 =	sld [smem:$0x3FFE];
	_ =	sdelay $0x1  }
0x2: {  	s3 =	srdreg.scid  }
0x3: {  	s0 =	sand.u32 $0x1, s3  }
0x4: {  	s17 =	sshll.u32 s0, $0xA;
	s1 =	sadd.s32 s2, s1  }
0x5: {  	s1 =	sadd.s32 s1, s17  }
0x6: {  	[smem:$0x3FC5] =	sst s1  }
0x7: {  	_ = 	snop  }
0x8: {  	(tm) =	ssettm $0x1  }
0x9: {  	s18 =	sld [smem:$0x3FFB];
	_ =	sdelay $0x3  }
0xa: {  	_ =	strace s18  }
0xb: {  	s1 =	sld [smem:$0x3FFC];
	_ =	sdelay $0x3  }
0xc: {  	_ =	strace s1  }
0xd: {  	s1 =	sld [smem:$0x3FFD];
	_ =	sdelay $0x3  }
0xe: {  	_ =	strace s1  }
0xf: {  	_ =	strace $0x8FFFFFFF  }
0x10: {  	s19 =	sld [smem:$0x3FDB];
	_ =	sdelay $0x1  }
0x11: {  	s20 =	simm.s32 $_scs_section_size  }
0x12: {  	s4 =	simm.s32 $_size__tile_overlayer_lowered;
	s5 =	simm.s32 $_tile_overlayer_lowered  }
0x13: {  	s23 =	simm.s32 $0x1BFF;
	s22 =	sshll.u32 s5, $0x1;
	s1 =	sadd.s32 s20, s19  }
0x14: {  	s6 =	simm.s32 $0x0;
	s21 =	sshll.u32 s4, $0x1;
	s4 =	sadd.s32 s22, s1  }
0x15: {  	[timem:s6], [sflag:s23] =	dma.local [hbm:s4], s21  }
0x16: {  	_ =	swait.ge [sflag:s23], s21  }
0x17: {  	s2 =	ssub.s32 $0x0, s21;
	[sflag:s23] =	ssyncset.done $0x0  }
0x18: {  	[sflag:s23] =	ssyncadd.s32 s2;
	_ =	sdelay $0x1  }
0x19: {  	s24 =	simm.s32 $0x1B8B  }
0x1a: {  	_ =	swait.ge [sflag:s24], $0x1  }
0x1b: {  	[sflag:s24] =	ssyncset.done $0x0  }
0x1c: {  	s26 =	simm.s32 $0x1B8E;
	s25 =	sld [smem:$0x3FFE];
	[sflag:s24] =	ssyncadd.s32 $0xFFFFFFFF  }
0x1d: {  	s27 =	simm.s32 $execute0_lowered;
	[smem:$0x3FD2] =	sst s26  }
0x1e: {  	s4 =	sshll.u32 s27, $0x1;
	_ =	strace $0x80000046;
	[dreg:$0x1] =	wrdreg $0xFFFFFFFF  }
0x1f: {  	s28 =	simm.s32 $_size_execute0_lowered;
	s1 =	sadd.s32 s1, s4;
	[dreg:$0x0] =	wrdreg $0x0  }
0x20: {  	s4 =	sshll.u32 s28, $0x1;
	[dreg:$0x2] =	wrdreg s1  }
0x21: {  	[dreg:$0x3] =	wrdreg s4  }
0x22: {  	[dreg:$0x4] =	wrdreg $0xC0  }
0x23: {  	_ =	task [dreg:s6], $0x5FFFF  }
0x24: {  	[dreg:$0x1] =	wrdreg $0xFFFFFFFF  }
0x25: {  	[dreg:$0x0] =	wrdreg $0x60  }
0x26: {  	[dreg:$0x2] =	wrdreg s25  }
0x27: {  	[dreg:$0x3] =	wrdreg $0x9  }
0x28: {  	_ =	task.clear_ibuf [dreg:s6], $0x4FFFF;
	_ =	strace $0x90000046  }
0x29: {  	s29 =	simm.s32 $0x9;
	_ =	strace $0x80000048  }
0x2a: {  	_ =	swait.ge [sflag:s29], $0x1  }
0x2b: {  	[sflag:s29] =	ssyncadd.s32 $0xFFFFFFFF  }
0x2c: {  	_ =	strace $0x90000048  }
0x2d: {  	_ =	sfence  }
0x2e: {  	s30 =	sld [smem:$0x0];
	_ =	sdelay $0x2  }
0x2f: {  	s31 =	sshll.u32 s3, $0xD;
	s3 =	sshrl.u32 s3, $0x2  }
0x30: {  	s2 =	sand.u32 $0x4000, s31;
	s1 =	sadd.s32 s3, s30  }
0x31: {  	s0 =	sor.u32 s2, s0;
	s1 =	sshll.u32 s1, $0x11  }
0x32: {  	s0 =	sor.u32 s1, s0  }
0x33: {  	s0 =	sadd.s32 $0x8F2B, s0  }
0x34: {  	[sflag:s0] =	ssyncadd.remote.s32 $0x1  }
0x35: {  	_ =	sfence.sel $0xFFFF  }
0x36: {  	[dreg:$0x0] =	wrdreg $0xFFFFFFFF;
	(pc) =	sbr.abs _section_cstart, $3  }
0x37: {  	[dreg:$0x1] =	wrdreg $0xFFFFFFFF  }
0x38: {  	_ =	task.clear_ibuf [dreg:s6], $0x2FFFF;
	_ =	strace $0x9FFFFFFF  }
0x39: {  	(tm) =	ssettm $0x7FFFFFFF  }
tec
execute0_lowered:
.L_overlay_start_1:
0x0: {  	(tag) =	ssettag $0x1  }
0x1: {  	s0 =	srdreg.scid  }
0x2: {  	s5 =	rddreg [dreg:$0x0];
	s1 =	stileid.u32;
	s4 =	simm.s32 $0x1  }
0x3: {  	s6 =	simm.s32 $0x2;
	s15 =	simm.s32 $0x0;
	p0 =	por $0x0, $0x0  }
0x4: {  	s8 =	simm.s32 $0x80;
	s14 =	simm.s32 $0x0;
	s2 =	sshll.u32 s0, $0x4  }
0x5: {  	s9 =	simm.s32 $0x0;
	s10 =	simm.s32 $0x0;
	s2 =	sand.u32 $0x10, s2  }
.Ltmp0:
0x6: {  	s12 =	simm.s32 $0x0;
	s3 =	sor.u32 s1, s2;
	(pc) =	sbr.rel .LBB1_1-.Ltmp0, $4  }
0x7: {  	s0 =	rddreg [dreg:$0x1];
	_ =	strace $0x80000047;
	s3 =	sshll.u32 s3, $0x7  }
0x8: {  	s13 =	simm.s32 $0x0;
	[sflag:s4] =	ssyncpa.u1 $0x0;
	s7 =	ssub.s32 $0xF4200, s3  }
0x9: {  	s2 =	sadd.s32 $0x600, s5;
	[sflag:s6] =	ssyncpa.u1 $0x0;
	s6 =	sshrl.u32 s7, $0xC  }
0xa: {  	s5 =	sadd.s32 $0x1E8C00, s5;
	s11 =	smov.u32 s3;
	s7 =	sadd.s32 $0x2, s6  }
.LBB1_5:
0xb: {  	p1 =	slt.u32 s13, $0x2  }
0xc: {  	s17 =	smov.u32 s15;
	p2 =	sgt.s32 @!p1 s15, $0xF41C0;
	s16 =	sshra.s32 @!p1 s15, $0x1F  }
0xd: {  	p3 =	sgt.s32 @!p1 s14, $0x70;
	s18 =	sshra.s32 @!p1 s14, $0x1F;
	p2 =	por !p2, p1  }
0xe: {  	s15 =	sand.u32 @!p1 s16, s15;
	p3 =	por !p3, p1;
	s16 =	smov.u32 s14  }
0xf: {  	s14 =	sand.u32 @!p1 s18, s14;
	s17 =	simm.s32 @p2 $0xF41C0;
	s16 =	simm.s32 @p3 $0x70  }
0x10: {  	s15 =	ssub.s32 @!p1 s17, s15;
	s14 =	ssub.s32 @!p1 s16, s14  }
0x11: {  	s18 =	smov.u32 s12;
	s16 =	sadd.s32 @!p1 $0xFFF0BE40, s15;
	s17 =	sadd.s32 @!p1 $0xFFFFFF90, s14  }
0x12: {  	s15 =	ssub.s32 @!p1 $0xF4240, s15;
	p2 =	sgt.s32 @!p1 s16, $0x7F;
	p3 =	sgt.s32 @!p1 s17, $0xF  }
0x13: {  	s14 =	ssub.s32 @!p1 $0x80, s14;
	p2 =	por !p2, p1;
	p3 =	por !p3, p1  }
0x14: {  	s16 =	sadd.s32 $0x1000, s11;
	s15 =	simm.s32 @!p2 $0x0;
	s14 =	simm.s32 @!p3 $0x0  }
0x15: {  	p2 =	sgt.s32 s16, $0xF423F;
	s14 =	smul.u32 @!p1 s14, s15;
	s15 =	sadd.s32 $0x10, s12  }
0x16: {  	s18 =	smov.u32 @p2 s15  }
0x17: {  	s16 =	smov.u32 @p2 s3;
	p2 =	sgt.s32 s18, $0xF  }
0x18: {  	s18 =	simm.s32 @p2 $0x0;
	p2 =	sne.s32 s13, s7  }
.Ltmp1:
0x19: {  	p0 =	por !p0, !p0;
	s17 =	simm.s32 @!p1 $0x2;
	(pc) =	sbr.rel @!p2 .LBB1_6-.Ltmp1, $4  }
0x1a: {  	s15 =	smov.u32 s9;
	s9 =	smov.u32 s11;
	s14 =	sand.u32 @!p1 $0x3FFFFFFF, s14  }
0x1b: {  	s11 =	smov.u32 s16;
	_ =	swait.ge @!p1 [sflag:s17], s14;
	s19 =	ssub.s32 @!p1 $0x0, s14  }
0x1c: {  	s14 =	smov.u32 s10;
	s13 =	sadd.s32 $0x1, s13;
	[sflag:s17] =	ssyncset.done @!p1 $0x0  }
0x1d: {  	s10 =	smov.u32 s12;
	s12 =	smov.u32 s18;
	[sflag:s17] =	ssyncadd.s32 @!p1 s19  }
.LBB1_1:
0x1e: {  	p1 =	sgt.u32 s13, s6  }
0x1f: {  	s16 =	sshrl.u32 @!p1 s12, $0x3  }
0x20: {  	s17 =	sshll.u32 @!p1 s11, $0x3;
	s16 =	smul.u32 @!p1 $0x7A1400, s16  }
0x21: {  	s18 =	sshll.u32 @!p1 s12, $0x7;
	s17 =	sand.u32 @!p1 $0xFFFFFC00, s17  }
0x22: {  	s16 =	sadd.s32 @!p1 s16, s17;
	s17 =	sand.u32 @!p1 $0x380, s18  }
0x23: {  	s18 =	sand.u32 @!p1 $0x7F, s11;
	s16 =	sor.u32 @!p1 s17, s16  }
0x24: {  	s17 =	sor.u32 @!p1 s18, s16  }
0x25: {  	s18 =	smulhi.u32 @!p1 $0x218D6287, s17;
	_ =	sdelay $0x1  }
0x26: {  	s16 =	smulhi.u32 @!p1 $0x218D6287, s16;
	s18 =	sshrl.u32 @!p1 s18, $0x11  }
0x27: {  	s18 =	smul.u32 @!p1 $0xF4280, s18  }
0x28: {  	s19 =	sxor.u32 @!p1 $0xFFFFFFFF, s13;
	s16 =	sshrl.u32 @!p1 s16, $0x11  }
0x29: {  	s19 =	sshll.u32 @!p1 s19, $0xB;
	s16 =	sand.u32 @!p1 $0xF, s16;
	s17 =	ssub.s32 @!p1 s17, s18  }
0x2a: {  	s16 =	smul.u32 @!p1 $0x1E850, s16;
	s18 =	sshrl.u32 @!p1 s17, $0x3;
	s17 =	sand.u32 @!p1 $0x7, s17  }
0x2b: {  	s19 =	sand.u32 @!p1 $0x800, s19;
	s18 =	sadd.s32 @!p1 s2, s18;
	s17 =	sshll.u32 @!p1 s17, $0x12  }
0x2c: {  	s16 =	sadd.s32 @!p1 s16, s18;
	s17 =	sor.u32 @!p1 $0x400, s17;
	s18 =	simm.s32 @!p1 $0x7A1400  }
0x2d: {  	[tilespmem:s19], [sflag:$0x1] =	stream.strided.gather @!p1 [hbm4b:s16+s17], $0x800, s18, s17, $0x38;
	[tilespmem:$0x2100] =	vst v63  }
0x2e: {  	p1 =	seq.s32 s13, $0x0  }
0x2f: {  	p2 =	sge.u32 @!p1 s13, s7  }
0x30: {  	p1 =	por p1, p2  }
.Ltmp2:
0x31: {  	_ = 	snop;
	(pc) =	sbr.rel @p1 .LBB1_5-.Ltmp2, $1  }
0x32: {  	_ =	sdelay $0x3  }
0x33: {  	s16 =	simm.s32 $0x1  }
0x34: {  	_ =	swait.ge [sflag:s4], $0x800;
	s16 =	simm.s32 @!p0 $0x0  }
0x35: {  	[sflag:s4] =	ssyncset.done $0x0;
	s17 =	sshll.u32 s16, $0xB  }
0x36: {  	[sflag:s4] =	ssyncadd.s32 $0xFFFFF800;
	s17 =	sor.u32 $0x40, s17  }
0x37: {  	s16 =	smul.u32 $0x2200, s16;
	v0 =	vld [tilespmem:s17+$0x30]  }
0x38: {  	v1 =	vld [tilespmem:s17+$0xFFFFFFD0]  }
0x39: {  	s16 =	sshrl.u32 s16, $0x2;
	v5 =	vld [tilespmem:s17+$0xFFFFFFE0]  }
0x3a: {  	v6 =	vld [tilespmem:s17+$0xFFFFFFF0];
	s19 =	sor.u32 $0x1000, s16  }
0x3b: {  	s31 =	sand.u32 $0x1, s13;
	v4 =	vld [tilespmem:s17+$0x0];
	s18 =	sadd.s32 $0x0, s19  }
0x3c: {  	v3 =	vld [tilespmem:s17+$0x10];
	s16 =	smul.u32 $0x2200, s31;
	[tilespmem:s18+$0x770 ss:$0x11] =	vst.msk $0xffff, v0  }
0x3d: {  	v2 =	vld [tilespmem:s17+$0x20];
	[tilespmem:s18+$0x110 ss:$0x11] =	vst.msk $0xffff, v1  }
0x3e: {  	s16 =	sshrl.u32 s16, $0x2;
	v1 =	vld [tilespmem:s17+$0xFFFFFFC0];
	[tilespmem:s18+$0x220 ss:$0x11] =	vst.msk $0xffff, v5;
	s17 =	sadd.s32 $0x80, s17  }
0x3f: {  	s20 =	simm.s32 $0x4;
	s21 =	simm.s32 $0x8;
	s16 =	sor.u32 $0x1000, s16;
	[tilespmem:s18+$0x330 ss:$0x11] =	vst.msk $0xffff, v6;
	v0 =	vld [tilespmem:s17+$0x30]  }
.LBB1_3:
0x40: {  	p1 =	sne.s32 s21, $0x3C;
	v5 =	vld [tilespmem:s17+$0xFFFFFFD0];
	[tilespmem:s18+$0x440 ss:$0x11] =	vst.msk $0xffff, v4  }
0x41: {  	v6 =	vld [tilespmem:s17+$0xFFFFFFE0];
	[tilespmem:s18+$0x550 ss:$0x11] =	vst.msk $0xffff, v3  }
0x42: {  	s22 =	sshra.s32 s20, $0x2;
	s20 =	smov.u32 s21;
	v7 =	vld [tilespmem:s17+$0xFFFFFFF0];
	[tilespmem:s18+$0x660 ss:$0x11] =	vst.msk $0xffff, v2  }
.Ltmp3:
0x43: {  	v4 =	vld [tilespmem:s17+$0x0];
	[tilespmem:s18+$0x0 ss:$0x11] =	vst.msk $0xffff, v1;
	s18 =	sadd.s32 s22, s19;
	(pc) =	sbr.rel @p1 .LBB1_3-.Ltmp3, $4  }
0x44: {  	v3 =	vld [tilespmem:s17+$0x10];
	[tilespmem:s18+$0x770 ss:$0x11] =	vst.msk $0xffff, v0  }
0x45: {  	[tilespmem:s18+$0x110 ss:$0x11] =	vst.msk $0xffff, v5;
	v2 =	vld [tilespmem:s17+$0x20]  }
0x46: {  	v1 =	vld [tilespmem:s17+$0xFFFFFFC0];
	[tilespmem:s18+$0x220 ss:$0x11] =	vst.msk $0xffff, v6;
	s17 =	sadd.s32 $0x80, s17  }
0x47: {  	s21 =	sadd.s32 $0x4, s21;
	v0 =	vld [tilespmem:s17+$0x30];
	[tilespmem:s18+$0x330 ss:$0x11] =	vst.msk $0xffff, v7  }
0x48: {  	s21 =	sshll.u32 s9, $0x7;
	s22 =	sshll.u32 s10, $0x3;
	s20 =	sshra.s32 s20, $0x2  }
0x49: {  	p1 =	sgt.s32 s9, $0xF41C0;
	s30 =	sshra.s32 s9, $0x1F;
	s25 =	sshra.s32 s10, $0x1F  }
0x4a: {  	v5 =	vld [tilespmem:s17+$0xFFFFFFD0];
	s28 =	sshrl.u32 s10, $0x3;
	s23 =	sand.u32 $0xFFFFFC00, s21;
	s22 =	sand.u32 $0xFFFFFC00, s22  }
0x4b: {  	[tilespmem:s18+$0x440 ss:$0x11] =	vst.msk $0xffff, v4;
	v58 =	vld [tilespmem:s17+$0xFFFFFFE0];
	s21 =	sand.u32 $0x380, s21;
	s19 =	sadd.s32 s20, s19;
	s22 =	sadd.s32 s22, s23  }
0x4c: {  	v59 =	vld [tilespmem:s17+$0xFFFFFFF0];
	[tilespmem:s18+$0x550 ss:$0x11] =	vst.msk $0xffff, v3;
	s29 =	sor.u32 s21, s22;
	s21 =	smov.u32 s9;
	s22 =	sand.u32 s30, s9  }
0x4d: {  	v60 =	vld [tilespmem:s17+$0x0];
	[tilespmem:s18+$0x660 ss:$0x11] =	vst.msk $0xffff, v2;
	s30 =	sand.u32 $0x7, s10;
	s20 =	sshrl.u32 s29, $0x7;
	s21 =	simm.s32 @!p1 $0xF41C0  }
0x4e: {  	v61 =	vld [tilespmem:s17+$0x10];
	[tilespmem:s18+$0x0 ss:$0x11] =	vst.msk $0xffff, v1;
	p1 =	sgt.s32 s10, $0x70;
	s24 =	ssub.s32 s21, s22;
	s21 =	smov.u32 s10  }
0x4f: {  	v62 =	vld [tilespmem:s17+$0x20];
	[tilespmem:s19+$0x770 ss:$0x11] =	vst.msk $0xffff, v0;
	s31 =	smulhi.u32 $0x218DEF5, s20;
	s22 =	sand.u32 s25, s10;
	s21 =	simm.s32 @!p1 $0x70  }
0x50: {  	v63 =	vld [tilespmem:s17+$0xFFFFFFC0];
	[tilespmem:s19+$0x110 ss:$0x11] =	vst.msk $0xffff, v5;
	s26 =	sadd.s32 $0xFFF0BE40, s24;
	s17 =	ssub.s32 $0xF4240, s24;
	s21 =	ssub.s32 s21, s22  }
0x51: {  	[tilespmem:s19+$0x220 ss:$0x11] =	vst.msk $0xffff, v58;
	s23 =	sshrl.u32 s31, $0xD;
	p1 =	sgt.s32 s26, $0x7F;
	s27 =	sadd.s32 $0xFFFFFF90, s21  }
0x52: {  	[tilespmem:s19+$0x330 ss:$0x11] =	vst.msk $0xffff, v59;
	s23 =	smul.u32 $0xF4240, s23;
	s18 =	ssub.s32 $0x80, s21;
	p2 =	sgt.s32 s27, $0xF  }
.Ltmp4:
0x53: {  	[tilespmem:s19+$0x440 ss:$0x11] =	vst.msk $0xffff, v60;
	s17 =	simm.s32 @p1 $0x0;
	s18 =	simm.s32 @p2 $0x0;
	(pc) =	sbr.rel .LBB1_5-.Ltmp4, $4  }
0x54: {  	s29 =	sand.u32 $0xF, s28;
	[tilespmem:s19+$0x550 ss:$0x11] =	vst.msk $0xffff, v61;
	s20 =	ssub.s32 s20, s23;
	s17 =	smul.u32 s18, s17  }
0x55: {  	[tilespmem:s19+$0x660 ss:$0x11] =	vst.msk $0xffff, v62;
	s21 =	sshll.u32 s30, $0x12;
	s20 =	sshll.u32 s20, $0x4;
	s18 =	sadd.s32 s5, s29  }
0x56: {  	[tilespmem:s19+$0x0 ss:$0x11] =	vst.msk $0xffff, v63;
	s31 =	sor.u32 $0x10, s21;
	s18 =	sadd.s32 s20, s18;
	s17 =	sand.u32 $0x3FFFFFFF, s17  }
0x57: {  	[hbm4b:s18+s31] =	stream.strided.scatter [tilespmem:s16], [sflag:$0x2], s17, s8, s31, $0x8;
	[tilespmem:$0x2100] =	vst v63  }
.LBB1_6:
0x58: {  	_ =	sfence.sel $0x180000  }
0x59: {  	s2 =	simm.s32 $0x1;
	[bflag:$0x0] =	sbarrier.arrive $0xFFFF  }
0x5a: {  	s31 =	simm.s32 $0x2;
	[sflag:s2] =	ssyncpa.u1 $0x1  }
0x5b: {  	[sflag:s31] =	ssyncpa.u1 $0x1  }
0x5c: {  	p0 =	sne.s32 s1, $0x0;
	_ =	strace $0x90000047  }
0x5d: {  	s0 =	sadd.s32 @!p0 $0x100000, s0;
	[bflag:$0x2] =	sbarrier.arrive $0xFFFF  }
0x5e: {  	[sflag:s0] =	ssyncadd.tile.s32 @!p0 $0x1;
	_ =	shalt  }
.Lfunc_end1:
_tile_overlayer_lowered:
.L_overlay_start_2:
0x5f: {  	(tag) =	ssettag $0x2  }
0x60: {  	s0 =	rddreg [dreg:$0x0];
	s2 =	stileid.u32  }
0x61: {  	s1 =	rddreg [dreg:$0x1];
	p0 =	sne.s32 s2, $0x0  }
0x62: {  	s3 =	rddreg [dreg:$0x2];
	[bflag:$0x3] =	sbarrier.arrive $0xFFFF;
	s2 =	simm.s32 @!p0 $0x1C01  }
0x63: {  	[timem:s3], [sflag:s2] =	dma.local @!p0 [hbm:s0], s1  }
0x64: {  	s0 =	simm.s32 @!p0 $0x1  }
0x65: {  	_ =	swait.ge @!p0 [sflag:s0], s1  }
0x66: {  	s1 =	ssub.s32 @!p0 $0x0, s1;
	[sflag:s0] =	ssyncset.done @!p0 $0x0  }
0x67: {  	[sflag:s0] =	ssyncadd.s32 @!p0 s1  }
0x68: {  	[bflag:$0x3] =	sbarrier.arrive $0xFFFF  }
0x69: {  	_ =	shalt  }

// kernel: sparse-core-data-format-call.cloned.1.call-start
scs
called_computation_lowered:
.L_overlay_start_0:
0x0: {  	s2 =	sld [smem:$0x3FD9]  }
0x1: {  	s3 =	sld [smem:$0x3FFE];
	_ =	sdelay $0x1  }
0x2: {  	s1 =	srdreg.scid  }
0x3: {  	s0 =	sand.u32 $0x1, s1  }
0x4: {  	s18 =	sshll.u32 s0, $0xA;
	s2 =	sadd.s32 s3, s2  }
0x5: {  	s2 =	sadd.s32 s2, s18  }
0x6: {  	[smem:$0x3FC5] =	sst s2  }
0x7: {  	_ = 	snop  }
0x8: {  	s2 =	sld [smem:$0x3FD0];
	(tm) =	ssettm $0x1  }
0x9: {  	s19 =	sld [smem:$0x3FFB];
	_ =	sdelay $0x3  }
0xa: {  	_ =	strace s19  }
0xb: {  	s3 =	sld [smem:$0x3FFC];
	_ =	sdelay $0x3  }
0xc: {  	_ =	strace s3  }
0xd: {  	s3 =	sld [smem:$0x3FFD];
	_ =	sdelay $0x3  }
0xe: {  	_ =	strace s3  }
0xf: {  	_ =	strace $0x8FFFFFFF  }
0x10: {  	s20 =	sld [smem:$0x3FDB];
	_ =	sdelay $0x1  }
0x11: {  	s4 =	simm.s32 $_scs_section_size  }
0x12: {  	s5 =	simm.s32 $_size__tile_overlayer_lowered;
	s6 =	simm.s32 $_tile_overlayer_lowered  }
0x13: {  	s23 =	simm.s32 $0x1BFF;
	s22 =	sshll.u32 s6, $0x1;
	s3 =	sadd.s32 s4, s20  }
0x14: {  	s7 =	simm.s32 $0x0;
	s21 =	sshll.u32 s5, $0x1;
	s5 =	sadd.s32 s22, s3  }
0x15: {  	[timem:s7], [sflag:s23] =	dma.local [hbm:s5], s21  }
0x16: {  	_ =	swait.ge [sflag:s23], s21  }
0x17: {  	s4 =	ssub.s32 $0x0, s21;
	[sflag:s23] =	ssyncset.done $0x0  }
0x18: {  	[sflag:s23] =	ssyncadd.s32 s4;
	_ =	sdelay $0x1  }
0x19: {  	s24 =	simm.s32 $0x1B8B  }
0x1a: {  	_ =	swait.ge [sflag:s24], $0x1  }
0x1b: {  	[sflag:s24] =	ssyncset.done $0x0  }
0x1c: {  	s26 =	simm.s32 $0x1B8E;
	s25 =	sld [smem:$0x3FFE];
	[sflag:s24] =	ssyncadd.s32 $0xFFFFFFFF  }
0x1d: {  	s27 =	simm.s32 $execute0_lowered;
	[smem:$0x3FD2] =	sst s26  }
0x1e: {  	s5 =	sshll.u32 s27, $0x1;
	_ =	strace $0x8000004C;
	[dreg:$0x1] =	wrdreg $0xFFFFFFFF  }
0x1f: {  	s28 =	simm.s32 $_size_execute0_lowered;
	s3 =	sadd.s32 s3, s5;
	[dreg:$0x0] =	wrdreg $0x0  }
0x20: {  	s5 =	sshll.u32 s28, $0x1;
	[dreg:$0x2] =	wrdreg s3  }
0x21: {  	[dreg:$0x3] =	wrdreg s5  }
0x22: {  	[dreg:$0x4] =	wrdreg $0xC0  }
0x23: {  	_ =	task [dreg:s7], $0x5FFFF  }
0x24: {  	[dreg:$0x1] =	wrdreg $0xFFFFFFFF  }
0x25: {  	[dreg:$0x0] =	wrdreg $0x60  }
0x26: {  	[dreg:$0x2] =	wrdreg s25  }
0x27: {  	[dreg:$0x3] =	wrdreg s2  }
0x28: {  	[dreg:$0x4] =	wrdreg $0x9  }
0x29: {  	_ =	task.clear_ibuf [dreg:s7], $0x5FFFF;
	_ =	strace $0x9000004C  }
0x2a: {  	s29 =	simm.s32 $0x9;
	_ =	strace $0x8000004E  }
0x2b: {  	_ =	swait.ge [sflag:s29], $0x1  }
0x2c: {  	[sflag:s29] =	ssyncadd.s32 $0xFFFFFFFF  }
0x2d: {  	_ =	strace $0x9000004E  }
0x2e: {  	_ =	sfence  }
0x2f: {  	s30 =	sld [smem:$0x0];
	_ =	sdelay $0x2  }
0x30: {  	s31 =	sshll.u32 s1, $0xD;
	s1 =	sshrl.u32 s1, $0x2  }
0x31: {  	s3 =	sand.u32 $0x4000, s31;
	s1 =	sadd.s32 s1, s30  }
0x32: {  	s0 =	sor.u32 s3, s0;
	s1 =	sshll.u32 s1, $0x11  }
0x33: {  	s0 =	sor.u32 s1, s0  }
0x34: {  	s0 =	sadd.s32 $0x8F2B, s0  }
0x35: {  	[sflag:s0] =	ssyncadd.remote.s32 $0x1  }
0x36: {  	_ =	sfence.sel $0xFFFF  }
0x37: {  	[dreg:$0x0] =	wrdreg $0xFFFFFFFF;
	(pc) =	sbr.abs _section_cstart, $3  }
0x38: {  	[dreg:$0x1] =	wrdreg $0xFFFFFFFF  }
0x39: {  	_ =	task.clear_ibuf [dreg:s7], $0x2FFFF;
	_ =	strace $0x9FFFFFFF  }
0x3a: {  	(tm) =	ssettm $0x7FFFFFFF  }
0x3b: {  	_ =	shalt  }
tec
execute0_lowered:
.L_overlay_start_1:
0x0: {  	(tag) =	ssettag $0x1  }
0x1: {  	s0 =	srdreg.scid  }
0x2: {  	s1 =	sshll.u32 s0, $0x4  }
0x3: {  	s0 =	stileid.u32;
	s1 =	sand.u32 $0x10, s1  }
0x4: {  	s1 =	sor.u32 s0, s1  }
0x5: {  	s6 =	rddreg [dreg:$0x0];
	s4 =	simm.s32 $0x1;
	s2 =	sshll.u32 s1, $0x7  }
0x6: {  	s7 =	simm.s32 $0x2;
	s12 =	simm.s32 $0x0;
	s1 =	ssub.s32 $0x1000, s2  }
0x7: {  	s8 =	simm.s32 $0x8000;
	s13 =	simm.s32 $0x0;
	s3 =	sand.u32 $0xF80, s1  }
0x8: {  	s9 =	simm.s32 $0x0;
	s5 =	sshrl.u32 s1, $0xC;
	p0 =	sne.s32 s3, $0x0  }
.Ltmp0:
0x9: {  	s1 =	rddreg [dreg:$0x2];
	s4 =	simm.s32 @!p0 $0x0;
	(pc) =	sbr.rel .LBB1_1-.Ltmp0, $4  }
0xa: {  	s11 =	simm.s32 $0x0;
	s3 =	rddreg [dreg:$0x1];
	s5 =	sadd.s32 s4, s5  }
0xb: {  	_ =	strace $0x8000004D;
	s4 =	simm.s32 $0x1;
	s5 =	smul.u32 $0xC8, s5  }
0xc: {  	s6 =	sadd.s32 $0x600, s6;
	s10 =	smov.u32 s2;
	[sflag:s4] =	ssyncpa.u1 $0x0  }
0xd: {  	p0 =	por $0x0, $0x0;
	[sflag:s7] =	ssyncpa.u1 $0x0;
	s7 =	sor.u32 $0x1, s5  }
.LBB1_4:
0xe: {  	s16 =	sshll.u32 s13, $0x3;
	s17 =	sand.u32 $0x78, s13  }
0xf: {  	s30 =	sand.u32 $0x7E00, s13;
	s12 =	sshll.u32 s12, $0xF;
	s16 =	sand.u32 $0xC00, s16  }
0x10: {  	[tilespmem:s15+$0x810 ss:$0x81] =	vst.msk $0xffff, v2;
	s31 =	sand.u32 $0x7, s13;
	s16 =	sor.u32 s17, s16;
	s17 =	sadd.s32 s3, s30  }
0x11: {  	[tilespmem:s15+$0x1020 ss:$0x81] =	vst.msk $0xffff, v0;
	s13 =	sshll.u32 s31, $0x12;
	s12 =	sadd.s32 s12, s17;
	s16 =	sshrl.u32 s16, $0x3  }
0x12: {  	[tilespmem:s15+$0x0 ss:$0x81] =	vst.msk $0xffff, v1;
	s13 =	sor.u32 $0x400, s13;
	s12 =	sadd.s32 s16, s12  }
0x13: {  	[hbm4b:s12+s13] =	stream.strided.scatter [tilespmem:s14], [sflag:$0x2], $0x2000, s8, s13, $0x20;
	[tilespmem:$0x8080] =	vst v63  }
.LBB1_5:
0x14: {  	s14 =	sadd.s32 $0x1, s9  }
0x15: {  	s12 =	sadd.s32 $0x1000, s10;
	s16 =	smov.u32 s10;
	p2 =	sgt.s32 s14, $0xC7  }
0x16: {  	s16 =	smov.u32 @p2 s12  }
0x17: {  	s14 =	simm.s32 @p2 $0x0;
	p2 =	sgt.s32 s16, $0xFFF  }
0x18: {  	s16 =	smov.u32 @p2 s2;
	p2 =	sne.s32 s11, s7  }
.Ltmp1:
0x19: {  	p1 =	slt.u32 s11, $0x2;
	(pc) =	sbr.rel @!p2 .LBB1_6-.Ltmp1, $4  }
0x1a: {  	s15 =	simm.s32 @!p1 $0x2  }
0x1b: {  	s13 =	smov.u32 s10;
	p0 =	por !p0, !p0;
	_ =	swait.ge @!p1 [sflag:s15], $0x2000  }
0x1c: {  	s12 =	smov.u32 s9;
	[sflag:s15] =	ssyncset.done @!p1 $0x0;
	s9 =	smov.u32 s14  }
0x1d: {  	s11 =	sadd.s32 $0x1, s11;
	[sflag:s15] =	ssyncadd.s32 @!p1 $0xFFFFE000;
	s10 =	smov.u32 s16  }
.LBB1_1:
0x1e: {  	p1 =	sge.u32 s11, s5  }
0x1f: {  	s14 =	sand.u32 @!p1 $0x1FFFFFF, s9  }
0x20: {  	s15 =	smulhi.u32 @!p1 $0x147AE15, s14;
	_ =	sdelay $0x1  }
0x21: {  	s15 =	smul.u32 @!p1 $0xC8, s15  }
0x22: {  	s16 =	sxor.u32 @!p1 $0xFFFFFFFF, s11;
	s17 =	smul.u32 @!p1 $0xC80, s10  }
0x23: {  	s31 =	sadd.s32 $0xFFFFFFFF, s11;
	s16 =	sshll.u32 @!p1 s16, $0xD;
	s14 =	ssub.s32 @!p1 s14, s15  }
0x24: {  	s15 =	sand.u32 @!p1 $0x2000, s16;
	s16 =	sadd.s32 @!p1 s6, s17;
	s14 =	sshll.u32 @!p1 s14, $0x4  }
0x25: {  	s17 =	simm.s32 @!p1 $0x6400;
	s14 =	sadd.s32 @!p1 s14, s16;
	s16 =	simm.s32 @!p1 $0x40  }
0x26: {  	[tilespmem:s15], [sflag:$0x1] =	stream.strided.gather @!p1 [hbm4b:s14+s16], $0x2000, s17, s16, $0x38;
	[tilespmem:$0x8080] =	vst v63  }
0x27: {  	p1 =	sge.u32 s31, s5  }
.Ltmp2:
0x28: {  	_ = 	snop;
	(pc) =	sbr.rel @p1 .LBB1_5-.Ltmp2, $1  }
0x29: {  	_ =	sdelay $0x3  }
0x2a: {  	s14 =	simm.s32 $0x1  }
0x2b: {  	_ =	swait.ge [sflag:s4], $0x2000;
	s14 =	simm.s32 @!p0 $0x0  }
0x2c: {  	[sflag:s4] =	ssyncset.done $0x0;
	s15 =	sshll.u32 s14, $0xD  }
0x2d: {  	[sflag:s4] =	ssyncadd.s32 $0xFFFFE000;
	s18 =	sor.u32 $0x20, s15  }
0x2e: {  	s14 =	smul.u32 $0x8100, s14;
	v3 =	vld [tilespmem:s18+$0x10]  }
0x2f: {  	s30 =	sand.u32 $0x1, s11;
	v2 =	vld [tilespmem:s18+$0xFFFFFFF0]  }
0x30: {  	s15 =	smul.u32 $0x8100, s30;
	s14 =	sshrl.u32 s14, $0x2;
	v0 =	vld [tilespmem:s18+$0x0]  }
0x31: {  	v1 =	vld [tilespmem:s18+$0xFFFFFFE0];
	s16 =	sor.u32 $0x4000, s14  }
0x32: {  	s31 =	sshrl.u32 s15, $0x2;
	s15 =	sadd.s32 $0x0, s16  }
0x33: {  	s17 =	simm.s32 $0x4;
	s18 =	sadd.s32 $0x40, s18;
	s14 =	sor.u32 $0x4000, s31;
	[tilespmem:s15+$0x1830 ss:$0x81] =	vst.msk $0xffff, v3  }
.LBB1_3:
0x34: {  	v3 =	vld [tilespmem:s18+$0x10];
	p1 =	sne.s32 s17, $0x1FC;
	[tilespmem:s15+$0x810 ss:$0x81] =	vst.msk $0xffff, v2;
	s19 =	smov.u32 s17;
	s17 =	sadd.s32 $0x4, s17  }
.Ltmp3:
0x35: {  	v2 =	vld [tilespmem:s18+$0xFFFFFFF0];
	[tilespmem:s15+$0x1020 ss:$0x81] =	vst.msk $0xffff, v0;
	(pc) =	sbr.rel @p1 .LBB1_3-.Ltmp3, $4  }
0x36: {  	v0 =	vld [tilespmem:s18+$0x0];
	[tilespmem:s15+$0x0 ss:$0x81] =	vst.msk $0xffff, v1  }
0x37: {  	s15 =	sshra.s32 s19, $0x2;
	v1 =	vld [tilespmem:s18+$0xFFFFFFE0]  }
0x38: {  	s15 =	sadd.s32 s15, s16  }
0x39: {  	s18 =	sadd.s32 $0x40, s18;
	[tilespmem:s15+$0x1830 ss:$0x81] =	vst.msk $0xffff, v3  }
.Ltmp4:
0x3a: {  	_ = 	snop;
	(pc) =	sbr.rel .LBB1_4-.Ltmp4, $1  }
0x3b: {  	_ =	sdelay $0x3  }
.LBB1_6:
0x3c: {  	_ =	sfence.sel $0x180000  }
0x3d: {  	s2 =	simm.s32 $0x1;
	[bflag:$0x0] =	sbarrier.arrive $0xFFFF  }
0x3e: {  	s31 =	simm.s32 $0x2;
	[sflag:s2] =	ssyncpa.u1 $0x1  }
0x3f: {  	[sflag:s31] =	ssyncpa.u1 $0x1  }
0x40: {  	p0 =	sne.s32 s0, $0x0;
	_ =	strace $0x9000004D  }
0x41: {  	s0 =	sadd.s32 @!p0 $0x100000, s1;
	[bflag:$0x2] =	sbarrier.arrive $0xFFFF  }
0x42: {  	[sflag:s0] =	ssyncadd.tile.s32 @!p0 $0x1;
	_ =	shalt  }
.Lfunc_end1:
_tile_overlayer_lowered:
.L_overlay_start_2:
0x43: {  	(tag) =	ssettag $0x2  }
0x44: {  	s0 =	rddreg [dreg:$0x0];
	s2 =	stileid.u32  }
0x45: {  	s1 =	rddreg [dreg:$0x1];
	p0 =	sne.s32 s2, $0x0  }
0x46: {  	s3 =	rddreg [dreg:$0x2];
	[bflag:$0x3] =	sbarrier.arrive $0xFFFF;
	s2 =	simm.s32 @!p0 $0x1C01  }
0x47: {  	[timem:s3], [sflag:s2] =	dma.local @!p0 [hbm:s0], s1  }
0x48: {  	s0 =	simm.s32 @!p0 $0x1  }
0x49: {  	_ =	swait.ge @!p0 [sflag:s0], s1  }
0x4a: {  	s1 =	ssub.s32 @!p0 $0x0, s1;
	[sflag:s0] =	ssyncset.done @!p0 $0x0  }
0x4b: {  	[sflag:s0] =	ssyncadd.s32 @!p0 s1  }
0x4c: {  	[bflag:$0x3] =	sbarrier.arrive $0xFFFF  }
0x4d: {  	_ =	shalt  }

</sc_bundles>
